<compile_context>
chip_gen: v7x
topology: tpu7x:2x2x1
jax: 0.10.2.dev20260603
libtpu: 0.0.44.dev20260713+nightly
codegen_flags: <defaults>
</compile_context>

<pallas_src>
import functools

import jax
import jax.numpy as jnp
from jax import lax
from jax.experimental import pallas as pl
from jax.experimental.pallas import tpu as pltpu
from jax.experimental.pallas import tpu_sc as plsc

N = 50000
E = 800000
D = 64
R = 8
T = 2

NC, NS, L = 2, 16, 16
NPAD = 50176
STRIPE_B = NPAD // NS
HALF = NPAD // 2
STRIPE_D = HALF // NS
CH = 128
ROWS_PER_TILE = 392
MB_B = 8
MI_B = 49
NB = 5
GA = 3
MB_D = 56
MI_D = 7
ND = 12
E_PAD = NS * CH * ROWS_PER_TILE
EROWS = E_PAD // CH
BN = 1024
GRID_N = NPAD // BN

_f32 = jnp.float32
_i32 = jnp.int32


BN4 = BN // 4


def _dense_body(ntc4_ref, ntf4_ref, fc4_ref, b4_ref, s4_ref, wnt4_ref,
                wr4a_ref, wr4b_ref, t0_ref, t1_ref):
    h0 = jnp.dot(ntc4_ref[...], fc4_ref[...],
                 preferred_element_type=_f32) + b4_ref[...]
    ntfe = jnp.dot(ntf4_ref[...], s4_ref[...],
                   preferred_element_type=_f32)
    a1 = h0 * ntfe
    a0 = h0 - a1
    h1 = (jnp.dot(a0, wnt4_ref[0], preferred_element_type=_f32)
          + jnp.dot(a1, wnt4_ref[1], preferred_element_type=_f32))
    for r in range(R):
        t0_ref[r] = jnp.dot(h1, wr4a_ref[r], preferred_element_type=_f32)
        t1_ref[r] = jnp.dot(h1, wr4b_ref[r], preferred_element_type=_f32)


def _dense(ntc4, ntf4, fc4, b4, s4, wnt4, wr4a, wr4b):
    out_sh = jax.ShapeDtypeStruct((R, NPAD // 4, CH), _f32)
    return pl.pallas_call(
        _dense_body,
        grid=(GRID_N,),
        in_specs=[
            pl.BlockSpec((BN4, 8), lambda i: (i, 0)),
            pl.BlockSpec((BN4, 4), lambda i: (i, 0)),
            pl.BlockSpec((8, 4 * D), lambda i: (0, 0)),
            pl.BlockSpec((1, 4 * D), lambda i: (0, 0)),
            pl.BlockSpec((4, 4 * D), lambda i: (0, 0)),
            pl.BlockSpec((T, 4 * D, 4 * D), lambda i: (0, 0, 0)),
            pl.BlockSpec((R, 4 * D, CH), lambda i: (0, 0, 0)),
            pl.BlockSpec((R, 4 * D, CH), lambda i: (0, 0, 0)),
        ],
        out_specs=[
            pl.BlockSpec((R, BN4, CH), lambda i: (0, i, 0)),
            pl.BlockSpec((R, BN4, CH), lambda i: (0, i, 0)),
        ],
        out_shape=[out_sh, out_sh],
    )(ntc4, ntf4, fc4, b4, s4, wnt4, wr4a, wr4b)


def _gidx_body(s_ref, t_ref, d_ref, n_ref, m_ref):
    m_ref[:, 0, :] = t_ref[...] * NPAD + s_ref[...]
    m_ref[:, 1, :] = d_ref[...]
    m_ref[:, 2, :] = n_ref[...]
    m_ref[:, 3, :] = s_ref[...]


def _gidx(src2, typ2, dst2, norm2i):
    blk = EROWS // 8
    return pl.pallas_call(
        _gidx_body,
        grid=(8,),
        in_specs=[pl.BlockSpec((blk, CH), lambda i: (i, 0))] * 4,
        out_specs=pl.BlockSpec((blk, 4, CH), lambda i: (i, 0, 0)),
        out_shape=jax.ShapeDtypeStruct((EROWS, 4, CH), _i32),
    )(src2, typ2, dst2, norm2i)


def _edge_agg_body(tab0, tab1, meta_hbm, zeros_hbm, out_hbm,
                   mbuf, rows, didx, acc, msem, gsem, ssem):
    cid = lax.axis_index("c")
    sid = lax.axis_index("s")
    pltpu.sync_copy(zeros_hbm.at[pl.ds(sid * STRIPE_B, STRIPE_B)],
                    acc.at[pl.ds(sid * STRIPE_B, STRIPE_B)])
    plsc.subcore_barrier()

    row0 = sid * ROWS_PER_TILE
    NCH = ROWS_PER_TILE

    def fire_gather(f):
        fm = f // MB_B
        fc = f - fm * MB_B
        fms = lax.rem(fm, 2)
        fslot = lax.rem(f, NB)
        gidx_ref = mbuf.at[fms, fc, 0]

        @pl.when(cid == 0)
        def _g0():
            pltpu.async_copy(tab0.at[gidx_ref], rows.at[fslot],
                             gsem.at[fslot])

        @pl.when(cid == 1)
        def _g1():
            pltpu.async_copy(tab1.at[gidx_ref], rows.at[fslot],
                             gsem.at[fslot])

    pltpu.sync_copy(meta_hbm.at[pl.ds(row0, MB_B)], mbuf.at[0])

    def pro(c, _):
        fire_gather(c)
        return 0

    lax.fori_loop(0, GA, pro, 0)

    def chunk(gc, _):
        m = gc // MB_B
        c = gc - m * MB_B
        ms = lax.rem(m, 2)
        slot = lax.rem(gc, NB)

        @pl.when((c == 0) & (m + 1 < MI_B))
        def _pf():
            nms = lax.rem(m + 1, 2)
            pltpu.async_copy(
                meta_hbm.at[pl.ds(row0 + (m + 1) * MB_B, MB_B)],
                mbuf.at[nms], msem.at[nms])

        @pl.when((c == MB_B - NB) & (m + 1 < MI_B))
        def _mw():
            nms = lax.rem(m + 1, 2)
            pltpu.make_async_copy(meta_hbm.at[pl.ds(row0, MB_B)],
                                  mbuf.at[nms], msem.at[nms]).wait()

        f = gc + GA

        @pl.when(f < NCH)
        def _pre():
            fslot = lax.rem(f, NB)

            @pl.when(f >= NB)
            def _dr():
                pltpu.make_async_copy(rows.at[fslot], acc.at[didx.at[0]],
                                      ssem.at[fslot]).wait()

            fire_gather(f)

        pltpu.make_async_copy(tab0.at[mbuf.at[ms, c, 0]], rows.at[slot],
                              gsem.at[slot]).wait()

        def scale_grp(k, _):
            nv = plsc.bitcast(mbuf[ms, c, 2, pl.ds(k * L, L)], _f32)
            didx[slot, pl.ds(k * L, L)] = mbuf[ms, c, 1, pl.ds(k * L, L)]
            for t in range(L):
                nsp = jnp.full((L,), nv[t], _f32)
                e = k * L + t
                rows[slot, e, pl.ds(0, L)] = rows[slot, e, pl.ds(0, L)] * nsp
                rows[slot, e, pl.ds(L, L)] = rows[slot, e, pl.ds(L, L)] * nsp
            return 0

        lax.fori_loop(0, CH // L, scale_grp, 0)
        pltpu.async_copy(rows.at[slot], acc.at[didx.at[slot]], ssem.at[slot],
                         add=True)
        return 0

    lax.fori_loop(0, NCH, chunk, 0)

    def epi(k, _):
        pltpu.make_async_copy(rows.at[k], acc.at[didx.at[0]],
                              ssem.at[k]).wait()
        return 0

    lax.fori_loop(0, NB, epi, 0)
    plsc.subcore_barrier()
    pltpu.sync_copy(acc.at[pl.ds(sid * STRIPE_B, STRIPE_B)],
                    out_hbm.at[cid, pl.ds(sid * STRIPE_B, STRIPE_B)])


def _edge_agg(tab0, tab1, meta, zeros32):
    mesh = plsc.VectorSubcoreMesh(core_axis_name="c", subcore_axis_name="s",
                                  num_cores=NC, num_subcores=NS)
    return pl.kernel(
        _edge_agg_body,
        out_type=jax.ShapeDtypeStruct((NC, NPAD, 32), _f32),
        mesh=mesh,
        scratch_types=[
            pltpu.VMEM((2, MB_B, 4, CH), _i32),
            pltpu.VMEM((NB, CH, 32), _f32),
            pltpu.VMEM((NB, CH), _i32),
            pltpu.VMEM_SHARED((NPAD, 32), _f32),
            pltpu.SemaphoreType.DMA((2,)),
            pltpu.SemaphoreType.DMA((NB,)),
            pltpu.SemaphoreType.DMA((NB,)),
        ],
        compiler_params=pltpu.CompilerParams(use_tc_tiling_on_sc=False,
                                             needs_layout_passes=False),
    )(tab0, tab1, meta, zeros32)


def _pp_body(ha_ref, hb_ref, swa_ref, swb_ref, b_ref, out_ref):
    fc4 = (jnp.dot(jnp.maximum(ha_ref[...], 0.0), swa_ref[...],
                   preferred_element_type=_f32)
           + jnp.dot(jnp.maximum(hb_ref[...], 0.0), swb_ref[...],
                     preferred_element_type=_f32)
           + b_ref[...])
    out_ref[...] = jnp.clip(jax.nn.sigmoid(fc4), 1e-07, 1e10)


def _ppk(hh2d, swa, swb, b4):
    nblk = (NPAD // 4) // BN4
    return pl.pallas_call(
        _pp_body,
        grid=(nblk,),
        in_specs=[
            pl.BlockSpec((BN4, CH), lambda i: (i, 0)),
            pl.BlockSpec((BN4, CH), lambda i, n=nblk: (i + n, 0)),
            pl.BlockSpec((CH, 4), lambda i: (0, 0)),
            pl.BlockSpec((CH, 4), lambda i: (0, 0)),
            pl.BlockSpec((1, 4), lambda i: (0, 0)),
        ],
        out_specs=pl.BlockSpec((BN4, 4), lambda i: (i, 0)),
        out_shape=jax.ShapeDtypeStruct((NPAD // 4, 4), _f32),
    )(hh2d, hh2d, swa, swb, b4)


ROWS_H = HALF // CH
ROWS_C = 14


def _sum_loss_body(pp_hbm, meta_hbm, cost_hbm, zeros_hbm, iota_hbm, out_hbm,
                   pp_v, mbuf, acc_t, lbuf, cbuf, iobuf, acc_sh):
    cid = lax.axis_index("c")
    sid = lax.axis_index("s")
    @pl.when(sid < ROWS_C)
    def _z():
        pltpu.sync_copy(zeros_hbm.at[pl.ds(sid * ROWS_C, ROWS_C)],
                        acc_sh.at[pl.ds(sid * ROWS_C, ROWS_C)])

    pltpu.sync_copy(pp_hbm, pp_v)
    pltpu.sync_copy(iota_hbm, iobuf)

    zv = jnp.zeros((L,), _f32)

    def zt(i, _):
        r = i // (CH // L)
        k = i - r * (CH // L)
        acc_t[r, pl.ds(k * L, L)] = zv
        return 0

    lax.fori_loop(0, (ROWS_H + 1) * (CH // L), zt, 0)
    plsc.subcore_barrier()

    row0 = sid * ROWS_PER_TILE
    base_u = cid * HALF

    def outer(o, _):
        rowbase = row0 + o * MB_D
        pltpu.sync_copy(meta_hbm.at[pl.ds(rowbase, MB_D)], mbuf)

        def inner(j, _):
            def grp(k, _):
                s16 = mbuf[j, 3, pl.ds(k * L, L)]
                v = plsc.load_gather(pp_v, [s16])
                d16 = mbuf[j, 1, pl.ds(k * L, L)]
                u = d16 - base_u
                ok = (u >= 0) & (u < HALF)
                row = jnp.where(ok, lax.shift_right_logical(u, 7), ROWS_H)
                col = u & 127
                plsc.addupdate_scatter(acc_t, [row, col], v)
                return 0

            lax.fori_loop(0, CH // L, grp, 0)
            return 0

        lax.fori_loop(0, MB_D, inner, 0)
        return 0

    lax.fori_loop(0, MI_D, outer, 0)

    for jj in range(2):
        pltpu.sync_copy(acc_t.at[pl.ds(jj * (ROWS_H // 2), ROWS_H // 2)],
                        acc_sh.at[iobuf.at[jj]], add=True)
    plsc.subcore_barrier()

    @pl.when(sid < ROWS_C)
    def _loss():
        grow = cid * ROWS_H + sid * ROWS_C
        pltpu.sync_copy(acc_sh.at[pl.ds(sid * ROWS_C, ROWS_C)], lbuf)
        pltpu.sync_copy(cost_hbm.at[pl.ds(grow, ROWS_C)], cbuf)

        def lo(i, _):
            r = i // (CH // L)
            k = i - r * (CH // L)
            x = lbuf[r, pl.ds(k * L, L)] - 1.0
            lbuf[r, pl.ds(k * L, L)] = x * x * cbuf[r, pl.ds(k * L, L)]
            return 0

        lax.fori_loop(0, ROWS_C * (CH // L), lo, 0)
        pltpu.sync_copy(lbuf, out_hbm.at[pl.ds(grow, ROWS_C)])


def _sum_loss(ppf, meta, cost2, zeros2, iota2):
    mesh = plsc.VectorSubcoreMesh(core_axis_name="c", subcore_axis_name="s",
                                  num_cores=NC, num_subcores=NS)
    return pl.kernel(
        _sum_loss_body,
        out_type=jax.ShapeDtypeStruct((NPAD // CH, CH), _f32),
        mesh=mesh,
        scratch_types=[
            pltpu.VMEM((NPAD,), _f32),
            pltpu.VMEM((MB_D, 4, CH), _i32),
            pltpu.VMEM((ROWS_H + 1, CH), _f32),
            pltpu.VMEM((ROWS_C, CH), _f32),
            pltpu.VMEM((ROWS_C, CH), _f32),
            pltpu.VMEM((2, ROWS_H // 2), _i32),
            pltpu.VMEM_SHARED((ROWS_H + 1, CH), _f32),
        ],
        compiler_params=pltpu.CompilerParams(use_tc_tiling_on_sc=False,
                                             needs_layout_passes=False),
    )(ppf, meta, cost2, zeros2, iota2)


def kernel(neigh_type_count, node_type, edge_index, edge_type, edge_norm,
           special_cost, fc_w, fc_b, W_nt, W_rel, fc2_w, fc2_b):
    ntc_p = jnp.pad(neigh_type_count, ((0, NPAD - N), (0, 0)))
    ntf = jnp.pad(node_type.astype(_f32), (0, NPAD - N)).reshape(NPAD, 1)
    src = edge_index[0].astype(_i32)
    dst = edge_index[1].astype(_i32)
    src2 = jnp.pad(src, (0, E_PAD - E)).reshape(EROWS, CH)
    dst2 = jnp.pad(dst, (0, E_PAD - E), constant_values=N).reshape(EROWS, CH)
    typ2 = jnp.pad(edge_type.astype(_i32), (0, E_PAD - E)).reshape(EROWS, CH)
    norm2 = jnp.pad(edge_norm, (0, E_PAD - E)).reshape(EROWS, CH)
    cost_p = jnp.pad(special_cost, (0, NPAD - N))

    eye4 = jnp.eye(4, dtype=_f32)
    fc4 = jnp.kron(eye4, fc_w.T)
    b4 = jnp.tile(fc_b, 4).reshape(1, 4 * D)
    s4 = jnp.kron(eye4, jnp.ones((1, D), _f32))
    wnt4 = jnp.stack([jnp.kron(eye4, W_nt[t]) for t in range(T)])
    wr4a = jnp.stack([jnp.kron(eye4, W_rel[r][:, :32]) for r in range(R)])
    wr4b = jnp.stack([jnp.kron(eye4, W_rel[r][:, 32:]) for r in range(R)])
    ntc4 = ntc_p.reshape(NPAD // 4, 8)
    ntf4 = ntf.reshape(NPAD // 4, 4)

    norm2i = jax.lax.bitcast_convert_type(norm2, _i32)
    meta = _gidx(src2, typ2, dst2, norm2i)
    tab0, tab1 = _dense(ntc4, ntf4, fc4, b4, s4, wnt4, wr4a, wr4b)
    tab0 = tab0.reshape(R * NPAD, 32)
    tab1 = tab1.reshape(R * NPAD, 32)

    zeros32 = jnp.zeros((NPAD, 32), _f32)
    hh = _edge_agg(tab0, tab1, meta, zeros32)

    hh2d = hh.reshape(NC * NPAD // 4, CH)
    swa = jnp.kron(eye4, fc2_w[0, :32].reshape(32, 1))
    swb = jnp.kron(eye4, fc2_w[0, 32:].reshape(32, 1))
    b4pp = jnp.full((1, 4), fc2_b[0], _f32)
    pp4 = _ppk(hh2d, swa, swb, b4pp)
    ppf = pp4.reshape(NPAD)

    zeros2 = jnp.zeros((NPAD // CH, CH), _f32)
    cost2 = cost_p.reshape(NPAD // CH, CH)
    iota2 = jnp.arange(ROWS_H, dtype=_i32).reshape(2, ROWS_H // 2)
    loss2 = _sum_loss(ppf, meta, cost2, zeros2, iota2)
    return loss2.reshape(NPAD)[:N]

# --- scband reference (transcript-rebuilt; emitter-appended) ---
"""Pipeline reference for scband-model-48670569398564 (READ-ONLY COPY).

The authoritative reference and input builder live on the scoring server;
editing this copy changes nothing except your own understanding.
"""

import jax, jax.numpy as jnp
import numpy as np

N = 50000
E = 800000
D = 64
R = 8
T = 2


def _xavier(key, shape, gain):
    fan_in, fan_out = shape[-2], shape[-1]
    a = gain * np.sqrt(6.0 / (fan_in + fan_out))
    return jax.random.uniform(key, shape, dtype=jnp.float32, minval=-a, maxval=a)


def setup_inputs(seed: int = 0) -> dict:
    key = jax.random.key(seed)
    ks = jax.random.split(key, 12)
    relu_gain = float(np.sqrt(2.0))
    inp = {}
    inp['neigh_type_count'] = jax.random.uniform(ks[0], (N, 2), dtype=jnp.float32)
    inp['node_type'] = jax.random.randint(ks[1], (N,), 0, T, dtype=jnp.int64) if jax.config.jax_enable_x64 else jax.random.randint(ks[1], (N,), 0, T, dtype=jnp.int32)
    inp['edge_index'] = jax.random.randint(ks[2], (2, E), 0, N, dtype=jnp.int32)
    inp['edge_type'] = jax.random.randint(ks[3], (E,), 0, R, dtype=jnp.int32)
    inp['edge_norm'] = jax.random.uniform(ks[4], (E,), dtype=jnp.float32)
    inp['special_cost'] = jax.random.uniform(ks[5], (N,), dtype=jnp.float32)
    # learned parameters
    inp['fc_w'] = _xavier(ks[6], (D, 2), 1.0)          # nn.Linear(2, h_dim)
    inp['fc_b'] = jnp.zeros((D,), dtype=jnp.float32)
    inp['W_nt'] = _xavier(ks[7], (T, D, D), relu_gain)  # weight_for_node_type
    inp['W_rel'] = _xavier(ks[8], (R, D, D), relu_gain)  # RGCN relation weights (num_bases == num_rels)
    inp['fc2_w'] = _xavier(ks[9], (1, D), 1.0)
    inp['fc2_b'] = jnp.zeros((1,), dtype=jnp.float32)
    return inp


def reference(neigh_type_count, node_type, edge_index, edge_type, edge_norm,
              special_cost, fc_w, fc_b, W_nt, W_rel, fc2_w, fc2_b):
    n = neigh_type_count.shape[0]
    r = W_rel.shape[0]
    d = W_rel.shape[2]
    # h = fc(neigh_type_count)
    h0 = neigh_type_count @ fc_w.T + fc_b  # [N, D]
    # RGCN input layer message: (h_src @ W_nt[src_type]) @ W_rel[edge_type] * norm
    # node-type transform done per node (identical math, no per-edge weight gather)
    h1_all = jnp.einsum('nd,tdf->tnf', h0, W_nt)  # [T, N, D]
    oh = jax.nn.one_hot(node_type, W_nt.shape[0], dtype=h0.dtype)  # [N, T]
    h1 = jnp.einsum('nt,tnf->nf', oh, h1_all)  # [N, D]
    src = edge_index[0]
    dst = edge_index[1]
    # gather src features per edge, apply norm (scalar per edge, commutes with W_rel)
    val = jnp.take(h1, src, axis=0) * edge_norm[:, None]  # [E, D]
    # scatter-add per (dst, relation), then apply relation weight
    seg = dst * r + edge_type
    agg = jax.ops.segment_sum(val, seg, num_segments=n * r).reshape(n, r, d)
    h = jnp.einsum('nrd,rdf->nf', agg, W_rel)  # [N, D]
    h = jax.nn.relu(h)  # activation=F.relu, bias=None
    # fc2 -> pred_prob
    fc_res = h @ fc2_w.T + fc2_b  # [N, 1]
    pred_prob = jnp.clip(jax.nn.sigmoid(fc_res), 1e-07, 1e10)
    # OutputLayer: sum src pred_prob into dst, (sum - 1)^2 * special_cost
    pp = pred_prob[:, 0]
    sum_one = jax.ops.segment_sum(jnp.take(pp, src, axis=0), dst, num_segments=n)
    loss_for_sumOneCost2 = jnp.square(sum_one - 1.0) * special_cost  # [N]
    return loss_for_sumOneCost2

if __name__ == "__main__":
    import jax
    _d = setup_inputs()
    print(jax.jit(kernel)(*tuple(_d.values())))

</pallas_src>

<mosaic_0001>
#map = affine_map<(d0, d1) -> (0, 0)>
#map1 = affine_map<(d0, d1) -> (0, 0, 0)>
module attributes {stable_mosaic.version = 14 : i64} {
  func.func @_edge_agg_body(%arg0: i32, %arg1: i32, %arg2: memref<401408x32xf32, #tpu.memory_space<hbm>>, %arg3: memref<401408x32xf32, #tpu.memory_space<hbm>>, %arg4: memref<6272x4x128xi32, #tpu.memory_space<hbm>>, %arg5: memref<50176x32xf32, #tpu.memory_space<hbm>>, %arg6: memref<2x50176x32xf32, #tpu.memory_space<hbm>>, %arg7: memref<2x8x4x128xi32, #tpu.memory_space<vmem>>, %arg8: memref<5x128x32xf32, #tpu.memory_space<vmem>>, %arg9: memref<5x128xi32, #tpu.memory_space<vmem>>, %arg10: memref<50176x32xf32, #tpu.memory_space<vmem_shared>>, %arg11: memref<2x!tpu.dma_semaphore, #tpu.memory_space<semaphore_mem>>, %arg12: memref<5x!tpu.dma_semaphore, #tpu.memory_space<semaphore_mem>>, %arg13: memref<5x!tpu.dma_semaphore, #tpu.memory_space<semaphore_mem>>) attributes {dimension_semantics = [#tpu.dimension_semantics<core_parallel>, #tpu.dimension_semantics<subcore_parallel>], iteration_bounds = array<i64: 2, 16>, scalar_prefetch = 0 : i64, scratch_operands = 7 : i64, tpu.core_type = #tpu.core_type<sc_vector_subcore>, window_params = [{transform_indices = #map}, {transform_indices = #map}, {transform_indices = #map1}, {transform_indices = #map}, {transform_indices = #map1}]} {
    %mul3A = arith.constant 3136 : i32
    %mul3A_0 = arith.muli %arg1, %mul3A : i32
    %mul3A_1 = arith.constant 3136 : i32
    %mul3A_2 = arith.muli %arg1, %mul3A_1 : i32
    "tpu.region"() ({
      %run_scoped3A_30 = tpu.sem_alloc : memref<!tpu.dma_semaphore, #tpu.memory_space<semaphore_mem>>
      %dma_start3A = arith.constant 0 : i32
      %dma_start3A_31 = tpu.memref_slice %arg10[%mul3A_2, %dma_start3A] : memref<50176x32xf32, #tpu.memory_space<vmem_shared>> -> memref<3136x32xf32, #tpu.memory_space<vmem_shared>>
      %dma_start3A_32 = arith.constant 0 : i32
      %dma_start3A_33 = tpu.memref_slice %arg5[%mul3A_0, %dma_start3A_32] : memref<50176x32xf32, #tpu.memory_space<hbm>> -> memref<3136x32xf32, #tpu.memory_space<hbm>>
      tpu.enqueue_dma source(%dma_start3A_33 : memref<3136x32xf32, #tpu.memory_space<hbm>>) target(%dma_start3A_31 : memref<3136x32xf32, #tpu.memory_space<vmem_shared>>) target_semaphore(%run_scoped3A_30 : memref<!tpu.dma_semaphore, #tpu.memory_space<semaphore_mem>>)
      %dma_wait3A = arith.constant 0 : i32
      %dma_wait3A_34 = tpu.memref_slice %arg10[%mul3A_2, %dma_wait3A] : memref<50176x32xf32, #tpu.memory_space<vmem_shared>> -> memref<3136x32xf32, #tpu.memory_space<vmem_shared>>
      %dma_wait3A_35 = arith.constant 0 : i32
      %dma_wait3A_36 = tpu.memref_slice %arg5[%mul3A_0, %dma_wait3A_35] : memref<50176x32xf32, #tpu.memory_space<hbm>> -> memref<3136x32xf32, #tpu.memory_space<hbm>>
      tpu.wait_dma2 semaphore(%run_scoped3A_30 : memref<!tpu.dma_semaphore, #tpu.memory_space<semaphore_mem>>) src(%dma_wait3A_36 : memref<3136x32xf32, #tpu.memory_space<hbm>>) dst(%dma_wait3A_34 : memref<3136x32xf32, #tpu.memory_space<vmem_shared>>)
      tpu.yield
    }) : () -> ()
    %barrier3A = arith.constant 0 : index
    tpu.barrier barrier_id(%barrier3A)
    %mul3A_3 = arith.constant 392 : i32
    %mul3A_4 = arith.muli %arg1, %mul3A_3 : i32
    %run_scoped3A = arith.constant 0 : i32
    "tpu.region"() ({
      %run_scoped3A_30 = tpu.sem_alloc : memref<!tpu.dma_semaphore, #tpu.memory_space<semaphore_mem>>
      %dma_start3A = arith.constant 0 : i32
      %dma_start3A_31 = arith.constant 0 : i32
      %dma_start3A_32 = arith.constant 0 : i32
      %dma_start3A_33 = tpu.memref_slice %arg7[%run_scoped3A, %dma_start3A, %dma_start3A_31, %dma_start3A_32] : memref<2x8x4x128xi32, #tpu.memory_space<vmem>> -> memref<1x8x4x128xi32, #tpu.memory_space<vmem>>
      %dma_start3A_34 = tpu.memref_squeeze %dma_start3A_33 : memref<1x8x4x128xi32, #tpu.memory_space<vmem>> -> memref<8x4x128xi32, #tpu.memory_space<vmem>>
      %dma_start3A_35 = arith.constant 0 : i32
      %dma_start3A_36 = arith.constant 0 : i32
      %dma_start3A_37 = tpu.memref_slice %arg4[%mul3A_4, %dma_start3A_35, %dma_start3A_36] : memref<6272x4x128xi32, #tpu.memory_space<hbm>> -> memref<8x4x128xi32, #tpu.memory_space<hbm>>
      %dma_start3A_38 = arith.constant 0 : i32
      %dma_start3A_39 = arith.constant 0 : i32
      %dma_start3A_40 = arith.constant 0 : i32
      %dma_start3A_41 = tpu.memref_slice %arg7[%run_scoped3A, %dma_start3A_38, %dma_start3A_39, %dma_start3A_40] : memref<2x8x4x128xi32, #tpu.memory_space<vmem>> -> memref<1x8x4x128xi32, #tpu.memory_space<vmem>>
      %dma_start3A_42 = tpu.memref_squeeze %dma_start3A_41 : memref<1x8x4x128xi32, #tpu.memory_space<vmem>> -> memref<8x4x128xi32, #tpu.memory_space<vmem>>
      %dma_start3A_43 = arith.constant 0 : i32
      %dma_start3A_44 = arith.constant 0 : i32
      %dma_start3A_45 = tpu.memref_slice %arg4[%mul3A_4, %dma_start3A_43, %dma_start3A_44] : memref<6272x4x128xi32, #tpu.memory_space<hbm>> -> memref<8x4x128xi32, #tpu.memory_space<hbm>>
      tpu.enqueue_dma source(%dma_start3A_45 : memref<8x4x128xi32, #tpu.memory_space<hbm>>) target(%dma_start3A_42 : memref<8x4x128xi32, #tpu.memory_space<vmem>>) target_semaphore(%run_scoped3A_30 : memref<!tpu.dma_semaphore, #tpu.memory_space<semaphore_mem>>)
      %dma_wait3A = arith.constant 0 : i32
      %dma_wait3A_46 = arith.constant 0 : i32
      %dma_wait3A_47 = arith.constant 0 : i32
      %dma_wait3A_48 = tpu.memref_slice %arg7[%run_scoped3A, %dma_wait3A, %dma_wait3A_46, %dma_wait3A_47] : memref<2x8x4x128xi32, #tpu.memory_space<vmem>> -> memref<1x8x4x128xi32, #tpu.memory_space<vmem>>
      %dma_wait3A_49 = tpu.memref_squeeze %dma_wait3A_48 : memref<1x8x4x128xi32, #tpu.memory_space<vmem>> -> memref<8x4x128xi32, #tpu.memory_space<vmem>>
      %dma_wait3A_50 = arith.constant 0 : i32
      %dma_wait3A_51 = arith.constant 0 : i32
      %dma_wait3A_52 = tpu.memref_slice %arg4[%mul3A_4, %dma_wait3A_50, %dma_wait3A_51] : memref<6272x4x128xi32, #tpu.memory_space<hbm>> -> memref<8x4x128xi32, #tpu.memory_space<hbm>>
      %dma_wait3A_53 = arith.constant 0 : i32
      %dma_wait3A_54 = arith.constant 0 : i32
      %dma_wait3A_55 = arith.constant 0 : i32
      %dma_wait3A_56 = tpu.memref_slice %arg7[%run_scoped3A, %dma_wait3A_53, %dma_wait3A_54, %dma_wait3A_55] : memref<2x8x4x128xi32, #tpu.memory_space<vmem>> -> memref<1x8x4x128xi32, #tpu.memory_space<vmem>>
      %dma_wait3A_57 = tpu.memref_squeeze %dma_wait3A_56 : memref<1x8x4x128xi32, #tpu.memory_space<vmem>> -> memref<8x4x128xi32, #tpu.memory_space<vmem>>
      %dma_wait3A_58 = arith.constant 0 : i32
      %dma_wait3A_59 = arith.constant 0 : i32
      %dma_wait3A_60 = tpu.memref_slice %arg4[%mul3A_4, %dma_wait3A_58, %dma_wait3A_59] : memref<6272x4x128xi32, #tpu.memory_space<hbm>> -> memref<8x4x128xi32, #tpu.memory_space<hbm>>
      tpu.wait_dma2 semaphore(%run_scoped3A_30 : memref<!tpu.dma_semaphore, #tpu.memory_space<semaphore_mem>>) src(%dma_wait3A_60 : memref<8x4x128xi32, #tpu.memory_space<hbm>>) dst(%dma_wait3A_57 : memref<8x4x128xi32, #tpu.memory_space<vmem>>)
      tpu.yield
    }) : () -> ()
    %scan3A = arith.constant 0 : i32
    %scan3A_5 = arith.constant 0 : i32
    %scan3A_6 = arith.constant 3 : i32
    %scan3A_7 = arith.addi %scan3A_5, %scan3A_6 : i32
    %scan3A_8 = arith.constant 1 : i32
    %scan3A_9 = scf.for %scan3A_30 = %scan3A_5 to %scan3A_7 step %scan3A_8 iter_args(%scan3A_31 = %scan3A) -> (i32)  : i32 {
      %jit3A = arith.constant 8 : i32
      %div3A = arith.divsi %scan3A_30, %jit3A : i32
      %sign3A = arith.constant 0 : i32
      %sign3A_32 = arith.cmpi sgt, %scan3A_30, %sign3A : i32
      %sign3A_33 = arith.extui %sign3A_32 : i1 to i32
      %sign3A_34 = arith.constant 0 : i32
      %sign3A_35 = arith.cmpi slt, %scan3A_30, %sign3A_34 : i32
      %sign3A_36 = arith.extui %sign3A_35 : i1 to i32
      %sign3A_37 = arith.subi %sign3A_33, %sign3A_36 : i32
      %sign3A_38 = arith.constant 0 : i32
      %sign3A_39 = arith.cmpi sgt, %jit3A, %sign3A_38 : i32
      %sign3A_40 = arith.extui %sign3A_39 : i1 to i32
      %sign3A_41 = arith.constant 0 : i32
      %sign3A_42 = arith.cmpi slt, %jit3A, %sign3A_41 : i32
      %sign3A_43 = arith.extui %sign3A_42 : i1 to i32
      %sign3A_44 = arith.subi %sign3A_40, %sign3A_43 : i32
      %ne3A = arith.cmpi ne, %sign3A_37, %sign3A_44 : i32
      %rem3A = arith.remsi %scan3A_30, %jit3A : i32
      %ne3A_45 = arith.constant 0 : i32
      %ne3A_46 = arith.cmpi ne, %rem3A, %ne3A_45 : i32
      %and3A = arith.andi %ne3A, %ne3A_46 : i1
      %sub3A = arith.constant 1 : i32
      %sub3A_47 = arith.subi %div3A, %sub3A : i32
      %select_n3A = arith.select %and3A, %sub3A_47, %div3A : i32
      %mul3A_48 = arith.constant 8 : i32
      %mul3A_49 = arith.muli %select_n3A, %mul3A_48 : i32
      %sub3A_50 = arith.subi %scan3A_30, %mul3A_49 : i32
      %rem3A_51 = arith.constant 2 : i32
      %rem3A_52 = arith.remsi %select_n3A, %rem3A_51 : i32
      %rem3A_53 = arith.constant 5 : i32
      %rem3A_54 = arith.remsi %scan3A_30, %rem3A_53 : i32
      %eq3A = arith.constant 0 : i32
      %eq3A_55 = arith.cmpi eq, %arg0, %eq3A : i32
      %convert_element_type3A = arith.extui %eq3A_55 : i1 to i32
      %cond3A = arith.constant 0 : i32
      %cond3A_56 = arith.constant 0 : i32
      %cond3A_57 = arith.cmpi ne, %convert_element_type3A, %cond3A_56 : i32
      scf.if %cond3A_57 {
        %dma_start3A = arith.constant 0 : i32
        %dma_start3A_65 = arith.constant 0 : i32
        %dma_start3A_66 = tpu.memref_slice %arg8[%rem3A_54, %dma_start3A, %dma_start3A_65] : memref<5x128x32xf32, #tpu.memory_space<vmem>> -> memref<1x128x32xf32, #tpu.memory_space<vmem>>
        %dma_start3A_67 = tpu.memref_squeeze %dma_start3A_66 : memref<1x128x32xf32, #tpu.memory_space<vmem>> -> memref<128x32xf32, #tpu.memory_space<vmem>>
        %dma_start3A_68 = arith.constant 0 : i32
        %dma_start3A_69 = tpu.memref_slice %arg7[%rem3A_52, %sub3A_50, %cond3A, %dma_start3A_68] : memref<2x8x4x128xi32, #tpu.memory_space<vmem>> -> memref<1x1x1x128xi32, #tpu.memory_space<vmem>>
        %dma_start3A_70 = tpu.memref_squeeze %dma_start3A_69 : memref<1x1x1x128xi32, #tpu.memory_space<vmem>> -> memref<128xi32, #tpu.memory_space<vmem>>
        %dma_start3A_71 = arith.constant 0 : i32
        %dma_start3A_72 = arith.constant 0 : i32
        %dma_start3A_73 = tpu.memref_slice %arg2[%dma_start3A_71, %dma_start3A_72] : memref<401408x32xf32, #tpu.memory_space<hbm>> -> memref<401408x32xf32, #tpu.memory_space<hbm>>
        %dma_start3A_74 = tpu.memref_slice %arg12[%rem3A_54] : memref<5x!tpu.dma_semaphore, #tpu.memory_space<semaphore_mem>> -> memref<1x!tpu.dma_semaphore, #tpu.memory_space<semaphore_mem>>
        %dma_start3A_75 = tpu.memref_squeeze %dma_start3A_74 : memref<1x!tpu.dma_semaphore, #tpu.memory_space<semaphore_mem>> -> memref<!tpu.dma_semaphore, #tpu.memory_space<semaphore_mem>>
        tpu.enqueue_indirect_dma source(%dma_start3A_73 : memref<401408x32xf32, #tpu.memory_space<hbm>>) target(%dma_start3A_67 : memref<128x32xf32, #tpu.memory_space<vmem>>) offsets(%dma_start3A_70 : memref<128xi32, #tpu.memory_space<vmem>>) semaphore(%dma_start3A_75 : memref<!tpu.dma_semaphore, #tpu.memory_space<semaphore_mem>>)
      } else {
      }
      %eq3A_58 = arith.constant 1 : i32
      %eq3A_59 = arith.cmpi eq, %arg0, %eq3A_58 : i32
      %convert_element_type3A_60 = arith.extui %eq3A_59 : i1 to i32
      %cond3A_61 = arith.constant 0 : i32
      %cond3A_62 = arith.constant 0 : i32
      %cond3A_63 = arith.cmpi ne, %convert_element_type3A_60, %cond3A_62 : i32
      scf.if %cond3A_63 {
        %dma_start3A = arith.constant 0 : i32
        %dma_start3A_65 = arith.constant 0 : i32
        %dma_start3A_66 = tpu.memref_slice %arg8[%rem3A_54, %dma_start3A, %dma_start3A_65] : memref<5x128x32xf32, #tpu.memory_space<vmem>> -> memref<1x128x32xf32, #tpu.memory_space<vmem>>
        %dma_start3A_67 = tpu.memref_squeeze %dma_start3A_66 : memref<1x128x32xf32, #tpu.memory_space<vmem>> -> memref<128x32xf32, #tpu.memory_space<vmem>>
        %dma_start3A_68 = arith.constant 0 : i32
        %dma_start3A_69 = tpu.memref_slice %arg7[%rem3A_52, %sub3A_50, %cond3A_61, %dma_start3A_68] : memref<2x8x4x128xi32, #tpu.memory_space<vmem>> -> memref<1x1x1x128xi32, #tpu.memory_space<vmem>>
        %dma_start3A_70 = tpu.memref_squeeze %dma_start3A_69 : memref<1x1x1x128xi32, #tpu.memory_space<vmem>> -> memref<128xi32, #tpu.memory_space<vmem>>
        %dma_start3A_71 = arith.constant 0 : i32
        %dma_start3A_72 = arith.constant 0 : i32
        %dma_start3A_73 = tpu.memref_slice %arg3[%dma_start3A_71, %dma_start3A_72] : memref<401408x32xf32, #tpu.memory_space<hbm>> -> memref<401408x32xf32, #tpu.memory_space<hbm>>
        %dma_start3A_74 = tpu.memref_slice %arg12[%rem3A_54] : memref<5x!tpu.dma_semaphore, #tpu.memory_space<semaphore_mem>> -> memref<1x!tpu.dma_semaphore, #tpu.memory_space<semaphore_mem>>
        %dma_start3A_75 = tpu.memref_squeeze %dma_start3A_74 : memref<1x!tpu.dma_semaphore, #tpu.memory_space<semaphore_mem>> -> memref<!tpu.dma_semaphore, #tpu.memory_space<semaphore_mem>>
        tpu.enqueue_indirect_dma source(%dma_start3A_73 : memref<401408x32xf32, #tpu.memory_space<hbm>>) target(%dma_start3A_67 : memref<128x32xf32, #tpu.memory_space<vmem>>) offsets(%dma_start3A_70 : memref<128xi32, #tpu.memory_space<vmem>>) semaphore(%dma_start3A_75 : memref<!tpu.dma_semaphore, #tpu.memory_space<semaphore_mem>>)
      } else {
      }
      %scan3A_64 = arith.constant 0 : i32
      scf.yield %scan3A_64 : i32
    }
    %scan3A_10 = arith.constant 3 : i32
    %scan3A_11 = arith.constant 0 : i32
    %scan3A_12 = arith.constant 0 : i32
    %scan3A_13 = arith.constant 392 : i32
    %scan3A_14 = arith.addi %scan3A_12, %scan3A_13 : i32
    %scan3A_15 = arith.constant 1 : i32
    %scan3A_16 = scf.for %scan3A_30 = %scan3A_12 to %scan3A_14 step %scan3A_15 iter_args(%scan3A_31 = %scan3A_11) -> (i32)  : i32 {
      %jit3A = arith.constant 8 : i32
      %div3A = arith.divsi %scan3A_30, %jit3A : i32
      %sign3A = arith.constant 0 : i32
      %sign3A_32 = arith.cmpi sgt, %scan3A_30, %sign3A : i32
      %sign3A_33 = arith.extui %sign3A_32 : i1 to i32
      %sign3A_34 = arith.constant 0 : i32
      %sign3A_35 = arith.cmpi slt, %scan3A_30, %sign3A_34 : i32
      %sign3A_36 = arith.extui %sign3A_35 : i1 to i32
      %sign3A_37 = arith.subi %sign3A_33, %sign3A_36 : i32
      %sign3A_38 = arith.constant 0 : i32
      %sign3A_39 = arith.cmpi sgt, %jit3A, %sign3A_38 : i32
      %sign3A_40 = arith.extui %sign3A_39 : i1 to i32
      %sign3A_41 = arith.constant 0 : i32
      %sign3A_42 = arith.cmpi slt, %jit3A, %sign3A_41 : i32
      %sign3A_43 = arith.extui %sign3A_42 : i1 to i32
      %sign3A_44 = arith.subi %sign3A_40, %sign3A_43 : i32
      %ne3A = arith.cmpi ne, %sign3A_37, %sign3A_44 : i32
      %rem3A = arith.remsi %scan3A_30, %jit3A : i32
      %ne3A_45 = arith.constant 0 : i32
      %ne3A_46 = arith.cmpi ne, %rem3A, %ne3A_45 : i32
      %and3A = arith.andi %ne3A, %ne3A_46 : i1
      %sub3A = arith.constant 1 : i32
      %sub3A_47 = arith.subi %div3A, %sub3A : i32
      %select_n3A = arith.select %and3A, %sub3A_47, %div3A : i32
      %mul3A_48 = arith.constant 8 : i32
      %mul3A_49 = arith.muli %select_n3A, %mul3A_48 : i32
      %sub3A_50 = arith.subi %scan3A_30, %mul3A_49 : i32
      %rem3A_51 = arith.constant 2 : i32
      %rem3A_52 = arith.remsi %select_n3A, %rem3A_51 : i32
      %rem3A_53 = arith.constant 5 : i32
      %rem3A_54 = arith.remsi %scan3A_30, %rem3A_53 : i32
      %eq3A = arith.constant 0 : i32
      %eq3A_55 = arith.cmpi eq, %sub3A_50, %eq3A : i32
      %add3A = arith.constant 1 : i32
      %add3A_56 = arith.addi %select_n3A, %add3A : i32
      %lt3A = arith.constant 49 : i32
      %lt3A_57 = arith.cmpi slt, %add3A_56, %lt3A : i32
      %and3A_58 = arith.andi %eq3A_55, %lt3A_57 : i1
      %convert_element_type3A = arith.extui %and3A_58 : i1 to i32
      %cond3A = arith.constant 0 : i32
      %cond3A_59 = arith.cmpi ne, %convert_element_type3A, %cond3A : i32
      scf.if %cond3A_59 {
        %add3A_108 = arith.constant 1 : i32
        %add3A_109 = arith.addi %select_n3A, %add3A_108 : i32
        %rem3A_110 = arith.constant 2 : i32
        %rem3A_111 = arith.remsi %add3A_109, %rem3A_110 : i32
        %add3A_112 = arith.constant 1 : i32
        %add3A_113 = arith.addi %select_n3A, %add3A_112 : i32
        %mul3A_114 = arith.constant 8 : i32
        %mul3A_115 = arith.muli %add3A_113, %mul3A_114 : i32
        %add3A_116 = arith.addi %mul3A_4, %mul3A_115 : i32
        %dma_start3A_117 = arith.constant 0 : i32
        %dma_start3A_118 = arith.constant 0 : i32
        %dma_start3A_119 = arith.constant 0 : i32
        %dma_start3A_120 = tpu.memref_slice %arg7[%rem3A_111, %dma_start3A_117, %dma_start3A_118, %dma_start3A_119] : memref<2x8x4x128xi32, #tpu.memory_space<vmem>> -> memref<1x8x4x128xi32, #tpu.memory_space<vmem>>
        %dma_start3A_121 = tpu.memref_squeeze %dma_start3A_120 : memref<1x8x4x128xi32, #tpu.memory_space<vmem>> -> memref<8x4x128xi32, #tpu.memory_space<vmem>>
        %dma_start3A_122 = arith.constant 0 : i32
        %dma_start3A_123 = arith.constant 0 : i32
        %dma_start3A_124 = tpu.memref_slice %arg4[%add3A_116, %dma_start3A_122, %dma_start3A_123] : memref<6272x4x128xi32, #tpu.memory_space<hbm>> -> memref<8x4x128xi32, #tpu.memory_space<hbm>>
        %dma_start3A_125 = tpu.memref_slice %arg11[%rem3A_111] : memref<2x!tpu.dma_semaphore, #tpu.memory_space<semaphore_mem>> -> memref<1x!tpu.dma_semaphore, #tpu.memory_space<semaphore_mem>>
        %dma_start3A_126 = tpu.memref_squeeze %dma_start3A_125 : memref<1x!tpu.dma_semaphore, #tpu.memory_space<semaphore_mem>> -> memref<!tpu.dma_semaphore, #tpu.memory_space<semaphore_mem>>
        %dma_start3A_127 = arith.constant 0 : i32
        %dma_start3A_128 = arith.constant 0 : i32
        %dma_start3A_129 = arith.constant 0 : i32
        %dma_start3A_130 = tpu.memref_slice %arg7[%rem3A_111, %dma_start3A_127, %dma_start3A_128, %dma_start3A_129] : memref<2x8x4x128xi32, #tpu.memory_space<vmem>> -> memref<1x8x4x128xi32, #tpu.memory_space<vmem>>
        %dma_start3A_131 = tpu.memref_squeeze %dma_start3A_130 : memref<1x8x4x128xi32, #tpu.memory_space<vmem>> -> memref<8x4x128xi32, #tpu.memory_space<vmem>>
        %dma_start3A_132 = arith.constant 0 : i32
        %dma_start3A_133 = arith.constant 0 : i32
        %dma_start3A_134 = tpu.memref_slice %arg4[%add3A_116, %dma_start3A_132, %dma_start3A_133] : memref<6272x4x128xi32, #tpu.memory_space<hbm>> -> memref<8x4x128xi32, #tpu.memory_space<hbm>>
        tpu.enqueue_dma source(%dma_start3A_134 : memref<8x4x128xi32, #tpu.memory_space<hbm>>) target(%dma_start3A_131 : memref<8x4x128xi32, #tpu.memory_space<vmem>>) target_semaphore(%dma_start3A_126 : memref<!tpu.dma_semaphore, #tpu.memory_space<semaphore_mem>>)
      } else {
      }
      %eq3A_60 = arith.constant 3 : i32
      %eq3A_61 = arith.cmpi eq, %sub3A_50, %eq3A_60 : i32
      %add3A_62 = arith.constant 1 : i32
      %add3A_63 = arith.addi %select_n3A, %add3A_62 : i32
      %lt3A_64 = arith.constant 49 : i32
      %lt3A_65 = arith.cmpi slt, %add3A_63, %lt3A_64 : i32
      %and3A_66 = arith.andi %eq3A_61, %lt3A_65 : i1
      %convert_element_type3A_67 = arith.extui %and3A_66 : i1 to i32
      %cond3A_68 = arith.constant 0 : i32
      %cond3A_69 = arith.cmpi ne, %convert_element_type3A_67, %cond3A_68 : i32
      scf.if %cond3A_69 {
        %add3A_108 = arith.constant 1 : i32
        %add3A_109 = arith.addi %select_n3A, %add3A_108 : i32
        %rem3A_110 = arith.constant 2 : i32
        %rem3A_111 = arith.remsi %add3A_109, %rem3A_110 : i32
        %dma_wait3A_112 = arith.constant 0 : i32
        %dma_wait3A_113 = arith.constant 0 : i32
        %dma_wait3A_114 = arith.constant 0 : i32
        %dma_wait3A_115 = tpu.memref_slice %arg7[%rem3A_111, %dma_wait3A_112, %dma_wait3A_113, %dma_wait3A_114] : memref<2x8x4x128xi32, #tpu.memory_space<vmem>> -> memref<1x8x4x128xi32, #tpu.memory_space<vmem>>
        %dma_wait3A_116 = tpu.memref_squeeze %dma_wait3A_115 : memref<1x8x4x128xi32, #tpu.memory_space<vmem>> -> memref<8x4x128xi32, #tpu.memory_space<vmem>>
        %dma_wait3A_117 = arith.constant 0 : i32
        %dma_wait3A_118 = arith.constant 0 : i32
        %dma_wait3A_119 = tpu.memref_slice %arg4[%mul3A_4, %dma_wait3A_117, %dma_wait3A_118] : memref<6272x4x128xi32, #tpu.memory_space<hbm>> -> memref<8x4x128xi32, #tpu.memory_space<hbm>>
        %dma_wait3A_120 = tpu.memref_slice %arg11[%rem3A_111] : memref<2x!tpu.dma_semaphore, #tpu.memory_space<semaphore_mem>> -> memref<1x!tpu.dma_semaphore, #tpu.memory_space<semaphore_mem>>
        %dma_wait3A_121 = tpu.memref_squeeze %dma_wait3A_120 : memref<1x!tpu.dma_semaphore, #tpu.memory_space<semaphore_mem>> -> memref<!tpu.dma_semaphore, #tpu.memory_space<semaphore_mem>>
        %dma_wait3A_122 = arith.constant 0 : i32
        %dma_wait3A_123 = arith.constant 0 : i32
        %dma_wait3A_124 = arith.constant 0 : i32
        %dma_wait3A_125 = tpu.memref_slice %arg7[%rem3A_111, %dma_wait3A_122, %dma_wait3A_123, %dma_wait3A_124] : memref<2x8x4x128xi32, #tpu.memory_space<vmem>> -> memref<1x8x4x128xi32, #tpu.memory_space<vmem>>
        %dma_wait3A_126 = tpu.memref_squeeze %dma_wait3A_125 : memref<1x8x4x128xi32, #tpu.memory_space<vmem>> -> memref<8x4x128xi32, #tpu.memory_space<vmem>>
        %dma_wait3A_127 = arith.constant 0 : i32
        %dma_wait3A_128 = arith.constant 0 : i32
        %dma_wait3A_129 = tpu.memref_slice %arg4[%mul3A_4, %dma_wait3A_127, %dma_wait3A_128] : memref<6272x4x128xi32, #tpu.memory_space<hbm>> -> memref<8x4x128xi32, #tpu.memory_space<hbm>>
        tpu.wait_dma2 semaphore(%dma_wait3A_121 : memref<!tpu.dma_semaphore, #tpu.memory_space<semaphore_mem>>) src(%dma_wait3A_129 : memref<8x4x128xi32, #tpu.memory_space<hbm>>) dst(%dma_wait3A_126 : memref<8x4x128xi32, #tpu.memory_space<vmem>>)
      } else {
      }
      %add3A_70 = arith.constant 3 : i32
      %add3A_71 = arith.addi %scan3A_30, %add3A_70 : i32
      %lt3A_72 = arith.constant 392 : i32
      %lt3A_73 = arith.cmpi slt, %add3A_71, %lt3A_72 : i32
      %convert_element_type3A_74 = arith.extui %lt3A_73 : i1 to i32
      %cond3A_75 = arith.constant 0 : i32
      %cond3A_76 = arith.cmpi ne, %convert_element_type3A_74, %cond3A_75 : i32
      scf.if %cond3A_76 {
        %rem3A_108 = arith.constant 5 : i32
        %rem3A_109 = arith.remsi %add3A_71, %rem3A_108 : i32
        %ge3A = arith.constant 5 : i32
        %ge3A_110 = arith.cmpi sge, %add3A_71, %ge3A : i32
        %convert_element_type3A_111 = arith.extui %ge3A_110 : i1 to i32
        %cond3A_112 = arith.constant 0 : i32
        %cond3A_113 = arith.cmpi ne, %convert_element_type3A_111, %cond3A_112 : i32
        scf.if %cond3A_113 {
          %dma_wait3A_157 = arith.constant 0 : i32
          %dma_wait3A_158 = arith.constant 0 : i32
          %dma_wait3A_159 = arith.constant 0 : i32
          %dma_wait3A_160 = tpu.memref_slice %arg8[%rem3A_109, %dma_wait3A_158, %dma_wait3A_159] : memref<5x128x32xf32, #tpu.memory_space<vmem>> -> memref<1x128x32xf32, #tpu.memory_space<vmem>>
          %dma_wait3A_161 = tpu.memref_squeeze %dma_wait3A_160 : memref<1x128x32xf32, #tpu.memory_space<vmem>> -> memref<128x32xf32, #tpu.memory_space<vmem>>
          %dma_wait3A_162 = arith.constant 0 : i32
          %dma_wait3A_163 = tpu.memref_slice %arg9[%dma_wait3A_157, %dma_wait3A_162] : memref<5x128xi32, #tpu.memory_space<vmem>> -> memref<1x128xi32, #tpu.memory_space<vmem>>
          %dma_wait3A_164 = tpu.memref_squeeze %dma_wait3A_163 : memref<1x128xi32, #tpu.memory_space<vmem>> -> memref<128xi32, #tpu.memory_space<vmem>>
          %dma_wait3A_165 = arith.constant 0 : i32
          %dma_wait3A_166 = arith.constant 0 : i32
          %dma_wait3A_167 = tpu.memref_slice %arg10[%dma_wait3A_165, %dma_wait3A_166] : memref<50176x32xf32, #tpu.memory_space<vmem_shared>> -> memref<50176x32xf32, #tpu.memory_space<vmem_shared>>
          %dma_wait3A_168 = tpu.memref_slice %arg13[%rem3A_109] : memref<5x!tpu.dma_semaphore, #tpu.memory_space<semaphore_mem>> -> memref<1x!tpu.dma_semaphore, #tpu.memory_space<semaphore_mem>>
          %dma_wait3A_169 = tpu.memref_squeeze %dma_wait3A_168 : memref<1x!tpu.dma_semaphore, #tpu.memory_space<semaphore_mem>> -> memref<!tpu.dma_semaphore, #tpu.memory_space<semaphore_mem>>
          tpu.wait_indirect_dma semaphore(%dma_wait3A_169 : memref<!tpu.dma_semaphore, #tpu.memory_space<semaphore_mem>>) src(%dma_wait3A_161 : memref<128x32xf32, #tpu.memory_space<vmem>>) dst(%dma_wait3A_167 : memref<50176x32xf32, #tpu.memory_space<vmem_shared>>)
        } else {
        }
        %jit3A_114 = arith.constant 8 : i32
        %div3A_115 = arith.divsi %add3A_71, %jit3A_114 : i32
        %sign3A_116 = arith.constant 0 : i32
        %sign3A_117 = arith.cmpi sgt, %add3A_71, %sign3A_116 : i32
        %sign3A_118 = arith.extui %sign3A_117 : i1 to i32
        %sign3A_119 = arith.constant 0 : i32
        %sign3A_120 = arith.cmpi slt, %add3A_71, %sign3A_119 : i32
        %sign3A_121 = arith.extui %sign3A_120 : i1 to i32
        %sign3A_122 = arith.subi %sign3A_118, %sign3A_121 : i32
        %sign3A_123 = arith.constant 0 : i32
        %sign3A_124 = arith.cmpi sgt, %jit3A_114, %sign3A_123 : i32
        %sign3A_125 = arith.extui %sign3A_124 : i1 to i32
        %sign3A_126 = arith.constant 0 : i32
        %sign3A_127 = arith.cmpi slt, %jit3A_114, %sign3A_126 : i32
        %sign3A_128 = arith.extui %sign3A_127 : i1 to i32
        %sign3A_129 = arith.subi %sign3A_125, %sign3A_128 : i32
        %ne3A_130 = arith.cmpi ne, %sign3A_122, %sign3A_129 : i32
        %rem3A_131 = arith.remsi %add3A_71, %jit3A_114 : i32
        %ne3A_132 = arith.constant 0 : i32
        %ne3A_133 = arith.cmpi ne, %rem3A_131, %ne3A_132 : i32
        %and3A_134 = arith.andi %ne3A_130, %ne3A_133 : i1
        %sub3A_135 = arith.constant 1 : i32
        %sub3A_136 = arith.subi %div3A_115, %sub3A_135 : i32
        %select_n3A_137 = arith.select %and3A_134, %sub3A_136, %div3A_115 : i32
        %mul3A_138 = arith.constant 8 : i32
        %mul3A_139 = arith.muli %select_n3A_137, %mul3A_138 : i32
        %sub3A_140 = arith.subi %add3A_71, %mul3A_139 : i32
        %rem3A_141 = arith.constant 2 : i32
        %rem3A_142 = arith.remsi %select_n3A_137, %rem3A_141 : i32
        %rem3A_143 = arith.constant 5 : i32
        %rem3A_144 = arith.remsi %add3A_71, %rem3A_143 : i32
        %eq3A_145 = arith.constant 0 : i32
        %eq3A_146 = arith.cmpi eq, %arg0, %eq3A_145 : i32
        %convert_element_type3A_147 = arith.extui %eq3A_146 : i1 to i32
        %cond3A_148 = arith.constant 0 : i32
        %cond3A_149 = arith.constant 0 : i32
        %cond3A_150 = arith.cmpi ne, %convert_element_type3A_147, %cond3A_149 : i32
        scf.if %cond3A_150 {
          %dma_start3A_157 = arith.constant 0 : i32
          %dma_start3A_158 = arith.constant 0 : i32
          %dma_start3A_159 = tpu.memref_slice %arg8[%rem3A_144, %dma_start3A_157, %dma_start3A_158] : memref<5x128x32xf32, #tpu.memory_space<vmem>> -> memref<1x128x32xf32, #tpu.memory_space<vmem>>
          %dma_start3A_160 = tpu.memref_squeeze %dma_start3A_159 : memref<1x128x32xf32, #tpu.memory_space<vmem>> -> memref<128x32xf32, #tpu.memory_space<vmem>>
          %dma_start3A_161 = arith.constant 0 : i32
          %dma_start3A_162 = tpu.memref_slice %arg7[%rem3A_142, %sub3A_140, %cond3A_148, %dma_start3A_161] : memref<2x8x4x128xi32, #tpu.memory_space<vmem>> -> memref<1x1x1x128xi32, #tpu.memory_space<vmem>>
          %dma_start3A_163 = tpu.memref_squeeze %dma_start3A_162 : memref<1x1x1x128xi32, #tpu.memory_space<vmem>> -> memref<128xi32, #tpu.memory_space<vmem>>
          %dma_start3A_164 = arith.constant 0 : i32
          %dma_start3A_165 = arith.constant 0 : i32
          %dma_start3A_166 = tpu.memref_slice %arg2[%dma_start3A_164, %dma_start3A_165] : memref<401408x32xf32, #tpu.memory_space<hbm>> -> memref<401408x32xf32, #tpu.memory_space<hbm>>
          %dma_start3A_167 = tpu.memref_slice %arg12[%rem3A_144] : memref<5x!tpu.dma_semaphore, #tpu.memory_space<semaphore_mem>> -> memref<1x!tpu.dma_semaphore, #tpu.memory_space<semaphore_mem>>
          %dma_start3A_168 = tpu.memref_squeeze %dma_start3A_167 : memref<1x!tpu.dma_semaphore, #tpu.memory_space<semaphore_mem>> -> memref<!tpu.dma_semaphore, #tpu.memory_space<semaphore_mem>>
          tpu.enqueue_indirect_dma source(%dma_start3A_166 : memref<401408x32xf32, #tpu.memory_space<hbm>>) target(%dma_start3A_160 : memref<128x32xf32, #tpu.memory_space<vmem>>) offsets(%dma_start3A_163 : memref<128xi32, #tpu.memory_space<vmem>>) semaphore(%dma_start3A_168 : memref<!tpu.dma_semaphore, #tpu.memory_space<semaphore_mem>>)
        } else {
        }
        %eq3A_151 = arith.constant 1 : i32
        %eq3A_152 = arith.cmpi eq, %arg0, %eq3A_151 : i32
        %convert_element_type3A_153 = arith.extui %eq3A_152 : i1 to i32
        %cond3A_154 = arith.constant 0 : i32
        %cond3A_155 = arith.constant 0 : i32
        %cond3A_156 = arith.cmpi ne, %convert_element_type3A_153, %cond3A_155 : i32
        scf.if %cond3A_156 {
          %dma_start3A_157 = arith.constant 0 : i32
          %dma_start3A_158 = arith.constant 0 : i32
          %dma_start3A_159 = tpu.memref_slice %arg8[%rem3A_144, %dma_start3A_157, %dma_start3A_158] : memref<5x128x32xf32, #tpu.memory_space<vmem>> -> memref<1x128x32xf32, #tpu.memory_space<vmem>>
          %dma_start3A_160 = tpu.memref_squeeze %dma_start3A_159 : memref<1x128x32xf32, #tpu.memory_space<vmem>> -> memref<128x32xf32, #tpu.memory_space<vmem>>
          %dma_start3A_161 = arith.constant 0 : i32
          %dma_start3A_162 = tpu.memref_slice %arg7[%rem3A_142, %sub3A_140, %cond3A_154, %dma_start3A_161] : memref<2x8x4x128xi32, #tpu.memory_space<vmem>> -> memref<1x1x1x128xi32, #tpu.memory_space<vmem>>
          %dma_start3A_163 = tpu.memref_squeeze %dma_start3A_162 : memref<1x1x1x128xi32, #tpu.memory_space<vmem>> -> memref<128xi32, #tpu.memory_space<vmem>>
          %dma_start3A_164 = arith.constant 0 : i32
          %dma_start3A_165 = arith.constant 0 : i32
          %dma_start3A_166 = tpu.memref_slice %arg3[%dma_start3A_164, %dma_start3A_165] : memref<401408x32xf32, #tpu.memory_space<hbm>> -> memref<401408x32xf32, #tpu.memory_space<hbm>>
          %dma_start3A_167 = tpu.memref_slice %arg12[%rem3A_144] : memref<5x!tpu.dma_semaphore, #tpu.memory_space<semaphore_mem>> -> memref<1x!tpu.dma_semaphore, #tpu.memory_space<semaphore_mem>>
          %dma_start3A_168 = tpu.memref_squeeze %dma_start3A_167 : memref<1x!tpu.dma_semaphore, #tpu.memory_space<semaphore_mem>> -> memref<!tpu.dma_semaphore, #tpu.memory_space<semaphore_mem>>
          tpu.enqueue_indirect_dma source(%dma_start3A_166 : memref<401408x32xf32, #tpu.memory_space<hbm>>) target(%dma_start3A_160 : memref<128x32xf32, #tpu.memory_space<vmem>>) offsets(%dma_start3A_163 : memref<128xi32, #tpu.memory_space<vmem>>) semaphore(%dma_start3A_168 : memref<!tpu.dma_semaphore, #tpu.memory_space<semaphore_mem>>)
        } else {
        }
      } else {
      }
      %dma_wait3A = arith.constant 0 : i32
      %dma_wait3A_77 = arith.constant 0 : i32
      %dma_wait3A_78 = arith.constant 0 : i32
      %dma_wait3A_79 = tpu.memref_slice %arg8[%rem3A_54, %dma_wait3A_77, %dma_wait3A_78] : memref<5x128x32xf32, #tpu.memory_space<vmem>> -> memref<1x128x32xf32, #tpu.memory_space<vmem>>
      %dma_wait3A_80 = tpu.memref_squeeze %dma_wait3A_79 : memref<1x128x32xf32, #tpu.memory_space<vmem>> -> memref<128x32xf32, #tpu.memory_space<vmem>>
      %dma_wait3A_81 = arith.constant 0 : i32
      %dma_wait3A_82 = tpu.memref_slice %arg7[%rem3A_52, %sub3A_50, %dma_wait3A, %dma_wait3A_81] : memref<2x8x4x128xi32, #tpu.memory_space<vmem>> -> memref<1x1x1x128xi32, #tpu.memory_space<vmem>>
      %dma_wait3A_83 = tpu.memref_squeeze %dma_wait3A_82 : memref<1x1x1x128xi32, #tpu.memory_space<vmem>> -> memref<128xi32, #tpu.memory_space<vmem>>
      %dma_wait3A_84 = arith.constant 0 : i32
      %dma_wait3A_85 = arith.constant 0 : i32
      %dma_wait3A_86 = tpu.memref_slice %arg2[%dma_wait3A_84, %dma_wait3A_85] : memref<401408x32xf32, #tpu.memory_space<hbm>> -> memref<401408x32xf32, #tpu.memory_space<hbm>>
      %dma_wait3A_87 = tpu.memref_slice %arg12[%rem3A_54] : memref<5x!tpu.dma_semaphore, #tpu.memory_space<semaphore_mem>> -> memref<1x!tpu.dma_semaphore, #tpu.memory_space<semaphore_mem>>
      %dma_wait3A_88 = tpu.memref_squeeze %dma_wait3A_87 : memref<1x!tpu.dma_semaphore, #tpu.memory_space<semaphore_mem>> -> memref<!tpu.dma_semaphore, #tpu.memory_space<semaphore_mem>>
      tpu.wait_indirect_dma semaphore(%dma_wait3A_88 : memref<!tpu.dma_semaphore, #tpu.memory_space<semaphore_mem>>) src(%dma_wait3A_86 : memref<401408x32xf32, #tpu.memory_space<hbm>>) dst(%dma_wait3A_80 : memref<128x32xf32, #tpu.memory_space<vmem>>)
      %scan3A_89 = arith.constant 0 : i32
      %scan3A_90 = arith.constant 0 : i32
      %scan3A_91 = arith.constant 8 : i32
      %scan3A_92 = arith.addi %scan3A_90, %scan3A_91 : i32
      %scan3A_93 = arith.constant 1 : i32
      %scan3A_94 = scf.for %scan3A_108 = %scan3A_90 to %scan3A_92 step %scan3A_93 iter_args(%scan3A_109 = %scan3A_89) -> (i32)  : i32 {
        %mul3A_110 = arith.constant 16 : i32
        %mul3A_111 = arith.muli %scan3A_108, %mul3A_110 : i32
        %get3A = arith.constant 2 : i32
        %get3A_112 = arith.index_cast %rem3A_52 : i32 to index
        %get3A_113 = arith.index_cast %sub3A_50 : i32 to index
        %get3A_114 = arith.index_cast %get3A : i32 to index
        %get3A_115 = arith.index_cast %mul3A_111 : i32 to index
        %get3A_116 = tpu.vector_load %arg7[%get3A_112, %get3A_113, %get3A_114, %get3A_115] {strides = array<i32>} : memref<2x8x4x128xi32, #tpu.memory_space<vmem>>, vector<16xi32>,
        %bitcast3A = vector.bitcast %get3A_116 : vector<16xi32> to vector<16xf32>
        %mul3A_117 = arith.constant 16 : i32
        %mul3A_118 = arith.muli %scan3A_108, %mul3A_117 : i32
        %get3A_119 = arith.constant 1 : i32
        %get3A_120 = arith.index_cast %rem3A_52 : i32 to index
        %get3A_121 = arith.index_cast %sub3A_50 : i32 to index
        %get3A_122 = arith.index_cast %get3A_119 : i32 to index
        %get3A_123 = arith.index_cast %mul3A_118 : i32 to index
        %get3A_124 = tpu.vector_load %arg7[%get3A_120, %get3A_121, %get3A_122, %get3A_123] {strides = array<i32>} : memref<2x8x4x128xi32, #tpu.memory_space<vmem>>, vector<16xi32>,
        %mul3A_125 = arith.constant 16 : i32
        %mul3A_126 = arith.muli %scan3A_108, %mul3A_125 : i32
        %swap3A = arith.index_cast %rem3A_54 : i32 to index
        %swap3A_127 = arith.index_cast %mul3A_126 : i32 to index
        %swap3A_128 = tpu.vector_load %arg9[%swap3A, %swap3A_127] {strides = array<i32>} : memref<5x128xi32, #tpu.memory_space<vmem>>, vector<16xi32>,
        tpu.vector_store %arg9[%swap3A, %swap3A_127], %get3A_124 {strides = array<i32>} : memref<5x128xi32, #tpu.memory_space<vmem>>, vector<16xi32>,
        %slice3A = vector.extract_strided_slice %bitcast3A {offsets = [0], sizes = [1], strides = [1]} : vector<16xf32> to vector<1xf32>
        %squeeze3A = vector.extract %slice3A[0] : f32 from vector<1xf32>
        %broadcast_in_dim3A = vector.broadcast %squeeze3A : f32 to vector<16xf32>
        %mul3A_129 = arith.constant 16 : i32
        %mul3A_130 = arith.muli %scan3A_108, %mul3A_129 : i32
        %add3A_131 = arith.constant 0 : i32
        %add3A_132 = arith.addi %mul3A_130, %add3A_131 : i32
        %get3A_133 = arith.index_cast %rem3A_54 : i32 to index
        %get3A_134 = arith.index_cast %add3A_132 : i32 to index
        %get3A_135 = arith.constant 0 : index
        %get3A_136 = tpu.vector_load %arg8[%get3A_133, %get3A_134, %get3A_135] {strides = array<i32>} : memref<5x128x32xf32, #tpu.memory_space<vmem>>, vector<16xf32>,
        %mul3A_137 = arith.mulf %get3A_136, %broadcast_in_dim3A : vector<16xf32>
        %swap3A_138 = arith.index_cast %rem3A_54 : i32 to index
        %swap3A_139 = arith.index_cast %add3A_132 : i32 to index
        %swap3A_140 = arith.constant 0 : index
        %swap3A_141 = tpu.vector_load %arg8[%swap3A_138, %swap3A_139, %swap3A_140] {strides = array<i32>} : memref<5x128x32xf32, #tpu.memory_space<vmem>>, vector<16xf32>,
        tpu.vector_store %arg8[%swap3A_138, %swap3A_139, %swap3A_140], %mul3A_137 {strides = array<i32>} : memref<5x128x32xf32, #tpu.memory_space<vmem>>, vector<16xf32>,
        %get3A_142 = arith.index_cast %rem3A_54 : i32 to index
        %get3A_143 = arith.index_cast %add3A_132 : i32 to index
        %get3A_144 = arith.constant 16 : index
        %get3A_145 = tpu.vector_load %arg8[%get3A_142, %get3A_143, %get3A_144] {strides = array<i32>} : memref<5x128x32xf32, #tpu.memory_space<vmem>>, vector<16xf32>,
        %mul3A_146 = arith.mulf %get3A_145, %broadcast_in_dim3A : vector<16xf32>
        %swap3A_147 = arith.index_cast %rem3A_54 : i32 to index
        %swap3A_148 = arith.index_cast %add3A_132 : i32 to index
        %swap3A_149 = arith.constant 16 : index
        %swap3A_150 = tpu.vector_load %arg8[%swap3A_147, %swap3A_148, %swap3A_149] {strides = array<i32>} : memref<5x128x32xf32, #tpu.memory_space<vmem>>, vector<16xf32>,
        tpu.vector_store %arg8[%swap3A_147, %swap3A_148, %swap3A_149], %mul3A_146 {strides = array<i32>} : memref<5x128x32xf32, #tpu.memory_space<vmem>>, vector<16xf32>,
        %slice3A_151 = vector.extract_strided_slice %bitcast3A {offsets = [1], sizes = [1], strides = [1]} : vector<16xf32> to vector<1xf32>
        %squeeze3A_152 = vector.extract %slice3A_151[0] : f32 from vector<1xf32>
        %broadcast_in_dim3A_153 = vector.broadcast %squeeze3A_152 : f32 to vector<16xf32>
        %mul3A_154 = arith.constant 16 : i32
        %mul3A_155 = arith.muli %scan3A_108, %mul3A_154 : i32
        %add3A_156 = arith.constant 1 : i32
        %add3A_157 = arith.addi %mul3A_155, %add3A_156 : i32
        %get3A_158 = arith.index_cast %rem3A_54 : i32 to index
        %get3A_159 = arith.index_cast %add3A_157 : i32 to index
        %get3A_160 = arith.constant 0 : index
        %get3A_161 = tpu.vector_load %arg8[%get3A_158, %get3A_159, %get3A_160] {strides = array<i32>} : memref<5x128x32xf32, #tpu.memory_space<vmem>>, vector<16xf32>,
        %mul3A_162 = arith.mulf %get3A_161, %broadcast_in_dim3A_153 : vector<16xf32>
        %swap3A_163 = arith.index_cast %rem3A_54 : i32 to index
        %swap3A_164 = arith.index_cast %add3A_157 : i32 to index
        %swap3A_165 = arith.constant 0 : index
        %swap3A_166 = tpu.vector_load %arg8[%swap3A_163, %swap3A_164, %swap3A_165] {strides = array<i32>} : memref<5x128x32xf32, #tpu.memory_space<vmem>>, vector<16xf32>,
        tpu.vector_store %arg8[%swap3A_163, %swap3A_164, %swap3A_165], %mul3A_162 {strides = array<i32>} : memref<5x128x32xf32, #tpu.memory_space<vmem>>, vector<16xf32>,
        %get3A_167 = arith.index_cast %rem3A_54 : i32 to index
        %get3A_168 = arith.index_cast %add3A_157 : i32 to index
        %get3A_169 = arith.constant 16 : index
        %get3A_170 = tpu.vector_load %arg8[%get3A_167, %get3A_168, %get3A_169] {strides = array<i32>} : memref<5x128x32xf32, #tpu.memory_space<vmem>>, vector<16xf32>,
        %mul3A_171 = arith.mulf %get3A_170, %broadcast_in_dim3A_153 : vector<16xf32>
        %swap3A_172 = arith.index_cast %rem3A_54 : i32 to index
        %swap3A_173 = arith.index_cast %add3A_157 : i32 to index
        %swap3A_174 = arith.constant 16 : index
        %swap3A_175 = tpu.vector_load %arg8[%swap3A_172, %swap3A_173, %swap3A_174] {strides = array<i32>} : memref<5x128x32xf32, #tpu.memory_space<vmem>>, vector<16xf32>,
        tpu.vector_store %arg8[%swap3A_172, %swap3A_173, %swap3A_174], %mul3A_171 {strides = array<i32>} : memref<5x128x32xf32, #tpu.memory_space<vmem>>, vector<16xf32>,
        %slice3A_176 = vector.extract_strided_slice %bitcast3A {offsets = [2], sizes = [1], strides = [1]} : vector<16xf32> to vector<1xf32>
        %squeeze3A_177 = vector.extract %slice3A_176[0] : f32 from vector<1xf32>
        %broadcast_in_dim3A_178 = vector.broadcast %squeeze3A_177 : f32 to vector<16xf32>
        %mul3A_179 = arith.constant 16 : i32
        %mul3A_180 = arith.muli %scan3A_108, %mul3A_179 : i32
        %add3A_181 = arith.constant 2 : i32
        %add3A_182 = arith.addi %mul3A_180, %add3A_181 : i32
        %get3A_183 = arith.index_cast %rem3A_54 : i32 to index
        %get3A_184 = arith.index_cast %add3A_182 : i32 to index
        %get3A_185 = arith.constant 0 : index
        %get3A_186 = tpu.vector_load %arg8[%get3A_183, %get3A_184, %get3A_185] {strides = array<i32>} : memref<5x128x32xf32, #tpu.memory_space<vmem>>, vector<16xf32>,
        %mul3A_187 = arith.mulf %get3A_186, %broadcast_in_dim3A_178 : vector<16xf32>
        %swap3A_188 = arith.index_cast %rem3A_54 : i32 to index
        %swap3A_189 = arith.index_cast %add3A_182 : i32 to index
        %swap3A_190 = arith.constant 0 : index
        %swap3A_191 = tpu.vector_load %arg8[%swap3A_188, %swap3A_189, %swap3A_190] {strides = array<i32>} : memref<5x128x32xf32, #tpu.memory_space<vmem>>, vector<16xf32>,
        tpu.vector_store %arg8[%swap3A_188, %swap3A_189, %swap3A_190], %mul3A_187 {strides = array<i32>} : memref<5x128x32xf32, #tpu.memory_space<vmem>>, vector<16xf32>,
        %get3A_192 = arith.index_cast %rem3A_54 : i32 to index
        %get3A_193 = arith.index_cast %add3A_182 : i32 to index
        %get3A_194 = arith.constant 16 : index
        %get3A_195 = tpu.vector_load %arg8[%get3A_192, %get3A_193, %get3A_194] {strides = array<i32>} : memref<5x128x32xf32, #tpu.memory_space<vmem>>, vector<16xf32>,
        %mul3A_196 = arith.mulf %get3A_195, %broadcast_in_dim3A_178 : vector<16xf32>
        %swap3A_197 = arith.index_cast %rem3A_54 : i32 to index
        %swap3A_198 = arith.index_cast %add3A_182 : i32 to index
        %swap3A_199 = arith.constant 16 : index
        %swap3A_200 = tpu.vector_load %arg8[%swap3A_197, %swap3A_198, %swap3A_199] {strides = array<i32>} : memref<5x128x32xf32, #tpu.memory_space<vmem>>, vector<16xf32>,
        tpu.vector_store %arg8[%swap3A_197, %swap3A_198, %swap3A_199], %mul3A_196 {strides = array<i32>} : memref<5x128x32xf32, #tpu.memory_space<vmem>>, vector<16xf32>,
        %slice3A_201 = vector.extract_strided_slice %bitcast3A {offsets = [3], sizes = [1], strides = [1]} : vector<16xf32> to vector<1xf32>
        %squeeze3A_202 = vector.extract %slice3A_201[0] : f32 from vector<1xf32>
        %broadcast_in_dim3A_203 = vector.broadcast %squeeze3A_202 : f32 to vector<16xf32>
        %mul3A_204 = arith.constant 16 : i32
        %mul3A_205 = arith.muli %scan3A_108, %mul3A_204 : i32
        %add3A_206 = arith.constant 3 : i32
        %add3A_207 = arith.addi %mul3A_205, %add3A_206 : i32
        %get3A_208 = arith.index_cast %rem3A_54 : i32 to index
        %get3A_209 = arith.index_cast %add3A_207 : i32 to index
        %get3A_210 = arith.constant 0 : index
        %get3A_211 = tpu.vector_load %arg8[%get3A_208, %get3A_209, %get3A_210] {strides = array<i32>} : memref<5x128x32xf32, #tpu.memory_space<vmem>>, vector<16xf32>,
        %mul3A_212 = arith.mulf %get3A_211, %broadcast_in_dim3A_203 : vector<16xf32>
        %swap3A_213 = arith.index_cast %rem3A_54 : i32 to index
        %swap3A_214 = arith.index_cast %add3A_207 : i32 to index
        %swap3A_215 = arith.constant 0 : index
        %swap3A_216 = tpu.vector_load %arg8[%swap3A_213, %swap3A_214, %swap3A_215] {strides = array<i32>} : memref<5x128x32xf32, #tpu.memory_space<vmem>>, vector<16xf32>,
        tpu.vector_store %arg8[%swap3A_213, %swap3A_214, %swap3A_215], %mul3A_212 {strides = array<i32>} : memref<5x128x32xf32, #tpu.memory_space<vmem>>, vector<16xf32>,
        %get3A_217 = arith.index_cast %rem3A_54 : i32 to index
        %get3A_218 = arith.index_cast %add3A_207 : i32 to index
        %get3A_219 = arith.constant 16 : index
        %get3A_220 = tpu.vector_load %arg8[%get3A_217, %get3A_218, %get3A_219] {strides = array<i32>} : memref<5x128x32xf32, #tpu.memory_space<vmem>>, vector<16xf32>,
        %mul3A_221 = arith.mulf %get3A_220, %broadcast_in_dim3A_203 : vector<16xf32>
        %swap3A_222 = arith.index_cast %rem3A_54 : i32 to index
        %swap3A_223 = arith.index_cast %add3A_207 : i32 to index
        %swap3A_224 = arith.constant 16 : index
        %swap3A_225 = tpu.vector_load %arg8[%swap3A_222, %swap3A_223, %swap3A_224] {strides = array<i32>} : memref<5x128x32xf32, #tpu.memory_space<vmem>>, vector<16xf32>,
        tpu.vector_store %arg8[%swap3A_222, %swap3A_223, %swap3A_224], %mul3A_221 {strides = array<i32>} : memref<5x128x32xf32, #tpu.memory_space<vmem>>, vector<16xf32>,
        %slice3A_226 = vector.extract_strided_slice %bitcast3A {offsets = [4], sizes = [1], strides = [1]} : vector<16xf32> to vector<1xf32>
        %squeeze3A_227 = vector.extract %slice3A_226[0] : f32 from vector<1xf32>
        %broadcast_in_dim3A_228 = vector.broadcast %squeeze3A_227 : f32 to vector<16xf32>
        %mul3A_229 = arith.constant 16 : i32
        %mul3A_230 = arith.muli %scan3A_108, %mul3A_229 : i32
        %add3A_231 = arith.constant 4 : i32
        %add3A_232 = arith.addi %mul3A_230, %add3A_231 : i32
        %get3A_233 = arith.index_cast %rem3A_54 : i32 to index
        %get3A_234 = arith.index_cast %add3A_232 : i32 to index
        %get3A_235 = arith.constant 0 : index
        %get3A_236 = tpu.vector_load %arg8[%get3A_233, %get3A_234, %get3A_235] {strides = array<i32>} : memref<5x128x32xf32, #tpu.memory_space<vmem>>, vector<16xf32>,
        %mul3A_237 = arith.mulf %get3A_236, %broadcast_in_dim3A_228 : vector<16xf32>
        %swap3A_238 = arith.index_cast %rem3A_54 : i32 to index
        %swap3A_239 = arith.index_cast %add3A_232 : i32 to index
        %swap3A_240 = arith.constant 0 : index
        %swap3A_241 = tpu.vector_load %arg8[%swap3A_238, %swap3A_239, %swap3A_240] {strides = array<i32>} : memref<5x128x32xf32, #tpu.memory_space<vmem>>, vector<16xf32>,
        tpu.vector_store %arg8[%swap3A_238, %swap3A_239, %swap3A_240], %mul3A_237 {strides = array<i32>} : memref<5x128x32xf32, #tpu.memory_space<vmem>>, vector<16xf32>,
        %get3A_242 = arith.index_cast %rem3A_54 : i32 to index
        %get3A_243 = arith.index_cast %add3A_232 : i32 to index
        %get3A_244 = arith.constant 16 : index
        %get3A_245 = tpu.vector_load %arg8[%get3A_242, %get3A_243, %get3A_244] {strides = array<i32>} : memref<5x128x32xf32, #tpu.memory_space<vmem>>, vector<16xf32>,
        %mul3A_246 = arith.mulf %get3A_245, %broadcast_in_dim3A_228 : vector<16xf32>
        %swap3A_247 = arith.index_cast %rem3A_54 : i32 to index
        %swap3A_248 = arith.index_cast %add3A_232 : i32 to index
        %swap3A_249 = arith.constant 16 : index
        %swap3A_250 = tpu.vector_load %arg8[%swap3A_247, %swap3A_248, %swap3A_249] {strides = array<i32>} : memref<5x128x32xf32, #tpu.memory_space<vmem>>, vector<16xf32>,
        tpu.vector_store %arg8[%swap3A_247, %swap3A_248, %swap3A_249], %mul3A_246 {strides = array<i32>} : memref<5x128x32xf32, #tpu.memory_space<vmem>>, vector<16xf32>,
        %slice3A_251 = vector.extract_strided_slice %bitcast3A {offsets = [5], sizes = [1], strides = [1]} : vector<16xf32> to vector<1xf32>
        %squeeze3A_252 = vector.extract %slice3A_251[0] : f32 from vector<1xf32>
        %broadcast_in_dim3A_253 = vector.broadcast %squeeze3A_252 : f32 to vector<16xf32>
        %mul3A_254 = arith.constant 16 : i32
        %mul3A_255 = arith.muli %scan3A_108, %mul3A_254 : i32
        %add3A_256 = arith.constant 5 : i32
        %add3A_257 = arith.addi %mul3A_255, %add3A_256 : i32
        %get3A_258 = arith.index_cast %rem3A_54 : i32 to index
        %get3A_259 = arith.index_cast %add3A_257 : i32 to index
        %get3A_260 = arith.constant 0 : index
        %get3A_261 = tpu.vector_load %arg8[%get3A_258, %get3A_259, %get3A_260] {strides = array<i32>} : memref<5x128x32xf32, #tpu.memory_space<vmem>>, vector<16xf32>,
        %mul3A_262 = arith.mulf %get3A_261, %broadcast_in_dim3A_253 : vector<16xf32>
        %swap3A_263 = arith.index_cast %rem3A_54 : i32 to index
        %swap3A_264 = arith.index_cast %add3A_257 : i32 to index
        %swap3A_265 = arith.constant 0 : index
        %swap3A_266 = tpu.vector_load %arg8[%swap3A_263, %swap3A_264, %swap3A_265] {strides = array<i32>} : memref<5x128x32xf32, #tpu.memory_space<vmem>>, vector<16xf32>,
        tpu.vector_store %arg8[%swap3A_263, %swap3A_264, %swap3A_265], %mul3A_262 {strides = array<i32>} : memref<5x128x32xf32, #tpu.memory_space<vmem>>, vector<16xf32>,
        %get3A_267 = arith.index_cast %rem3A_54 : i32 to index
        %get3A_268 = arith.index_cast %add3A_257 : i32 to index
        %get3A_269 = arith.constant 16 : index
        %get3A_270 = tpu.vector_load %arg8[%get3A_267, %get3A_268, %get3A_269] {strides = array<i32>} : memref<5x128x32xf32, #tpu.memory_space<vmem>>, vector<16xf32>,
        %mul3A_271 = arith.mulf %get3A_270, %broadcast_in_dim3A_253 : vector<16xf32>
        %swap3A_272 = arith.index_cast %rem3A_54 : i32 to index
        %swap3A_273 = arith.index_cast %add3A_257 : i32 to index
        %swap3A_274 = arith.constant 16 : index
        %swap3A_275 = tpu.vector_load %arg8[%swap3A_272, %swap3A_273, %swap3A_274] {strides = array<i32>} : memref<5x128x32xf32, #tpu.memory_space<vmem>>, vector<16xf32>,
        tpu.vector_store %arg8[%swap3A_272, %swap3A_273, %swap3A_274], %mul3A_271 {strides = array<i32>} : memref<5x128x32xf32, #tpu.memory_space<vmem>>, vector<16xf32>,
        %slice3A_276 = vector.extract_strided_slice %bitcast3A {offsets = [6], sizes = [1], strides = [1]} : vector<16xf32> to vector<1xf32>
        %squeeze3A_277 = vector.extract %slice3A_276[0] : f32 from vector<1xf32>
        %broadcast_in_dim3A_278 = vector.broadcast %squeeze3A_277 : f32 to vector<16xf32>
        %mul3A_279 = arith.constant 16 : i32
        %mul3A_280 = arith.muli %scan3A_108, %mul3A_279 : i32
        %add3A_281 = arith.constant 6 : i32
        %add3A_282 = arith.addi %mul3A_280, %add3A_281 : i32
        %get3A_283 = arith.index_cast %rem3A_54 : i32 to index
        %get3A_284 = arith.index_cast %add3A_282 : i32 to index
        %get3A_285 = arith.constant 0 : index
        %get3A_286 = tpu.vector_load %arg8[%get3A_283, %get3A_284, %get3A_285] {strides = array<i32>} : memref<5x128x32xf32, #tpu.memory_space<vmem>>, vector<16xf32>,
        %mul3A_287 = arith.mulf %get3A_286, %broadcast_in_dim3A_278 : vector<16xf32>
        %swap3A_288 = arith.index_cast %rem3A_54 : i32 to index
        %swap3A_289 = arith.index_cast %add3A_282 : i32 to index
        %swap3A_290 = arith.constant 0 : index
        %swap3A_291 = tpu.vector_load %arg8[%swap3A_288, %swap3A_289, %swap3A_290] {strides = array<i32>} : memref<5x128x32xf32, #tpu.memory_space<vmem>>, vector<16xf32>,
        tpu.vector_store %arg8[%swap3A_288, %swap3A_289, %swap3A_290], %mul3A_287 {strides = array<i32>} : memref<5x128x32xf32, #tpu.memory_space<vmem>>, vector<16xf32>,
        %get3A_292 = arith.index_cast %rem3A_54 : i32 to index
        %get3A_293 = arith.index_cast %add3A_282 : i32 to index
        %get3A_294 = arith.constant 16 : index
        %get3A_295 = tpu.vector_load %arg8[%get3A_292, %get3A_293, %get3A_294] {strides = array<i32>} : memref<5x128x32xf32, #tpu.memory_space<vmem>>, vector<16xf32>,
        %mul3A_296 = arith.mulf %get3A_295, %broadcast_in_dim3A_278 : vector<16xf32>
        %swap3A_297 = arith.index_cast %rem3A_54 : i32 to index
        %swap3A_298 = arith.index_cast %add3A_282 : i32 to index
        %swap3A_299 = arith.constant 16 : index
        %swap3A_300 = tpu.vector_load %arg8[%swap3A_297, %swap3A_298, %swap3A_299] {strides = array<i32>} : memref<5x128x32xf32, #tpu.memory_space<vmem>>, vector<16xf32>,
        tpu.vector_store %arg8[%swap3A_297, %swap3A_298, %swap3A_299], %mul3A_296 {strides = array<i32>} : memref<5x128x32xf32, #tpu.memory_space<vmem>>, vector<16xf32>,
        %slice3A_301 = vector.extract_strided_slice %bitcast3A {offsets = [7], sizes = [1], strides = [1]} : vector<16xf32> to vector<1xf32>
        %squeeze3A_302 = vector.extract %slice3A_301[0] : f32 from vector<1xf32>
        %broadcast_in_dim3A_303 = vector.broadcast %squeeze3A_302 : f32 to vector<16xf32>
        %mul3A_304 = arith.constant 16 : i32
        %mul3A_305 = arith.muli %scan3A_108, %mul3A_304 : i32
        %add3A_306 = arith.constant 7 : i32
        %add3A_307 = arith.addi %mul3A_305, %add3A_306 : i32
        %get3A_308 = arith.index_cast %rem3A_54 : i32 to index
        %get3A_309 = arith.index_cast %add3A_307 : i32 to index
        %get3A_310 = arith.constant 0 : index
        %get3A_311 = tpu.vector_load %arg8[%get3A_308, %get3A_309, %get3A_310] {strides = array<i32>} : memref<5x128x32xf32, #tpu.memory_space<vmem>>, vector<16xf32>,
        %mul3A_312 = arith.mulf %get3A_311, %broadcast_in_dim3A_303 : vector<16xf32>
        %swap3A_313 = arith.index_cast %rem3A_54 : i32 to index
        %swap3A_314 = arith.index_cast %add3A_307 : i32 to index
        %swap3A_315 = arith.constant 0 : index
        %swap3A_316 = tpu.vector_load %arg8[%swap3A_313, %swap3A_314, %swap3A_315] {strides = array<i32>} : memref<5x128x32xf32, #tpu.memory_space<vmem>>, vector<16xf32>,
        tpu.vector_store %arg8[%swap3A_313, %swap3A_314, %swap3A_315], %mul3A_312 {strides = array<i32>} : memref<5x128x32xf32, #tpu.memory_space<vmem>>, vector<16xf32>,
        %get3A_317 = arith.index_cast %rem3A_54 : i32 to index
        %get3A_318 = arith.index_cast %add3A_307 : i32 to index
        %get3A_319 = arith.constant 16 : index
        %get3A_320 = tpu.vector_load %arg8[%get3A_317, %get3A_318, %get3A_319] {strides = array<i32>} : memref<5x128x32xf32, #tpu.memory_space<vmem>>, vector<16xf32>,
        %mul3A_321 = arith.mulf %get3A_320, %broadcast_in_dim3A_303 : vector<16xf32>
        %swap3A_322 = arith.index_cast %rem3A_54 : i32 to index
        %swap3A_323 = arith.index_cast %add3A_307 : i32 to index
        %swap3A_324 = arith.constant 16 : index
        %swap3A_325 = tpu.vector_load %arg8[%swap3A_322, %swap3A_323, %swap3A_324] {strides = array<i32>} : memref<5x128x32xf32, #tpu.memory_space<vmem>>, vector<16xf32>,
        tpu.vector_store %arg8[%swap3A_322, %swap3A_323, %swap3A_324], %mul3A_321 {strides = array<i32>} : memref<5x128x32xf32, #tpu.memory_space<vmem>>, vector<16xf32>,
        %slice3A_326 = vector.extract_strided_slice %bitcast3A {offsets = [8], sizes = [1], strides = [1]} : vector<16xf32> to vector<1xf32>
        %squeeze3A_327 = vector.extract %slice3A_326[0] : f32 from vector<1xf32>
        %broadcast_in_dim3A_328 = vector.broadcast %squeeze3A_327 : f32 to vector<16xf32>
        %mul3A_329 = arith.constant 16 : i32
        %mul3A_330 = arith.muli %scan3A_108, %mul3A_329 : i32
        %add3A_331 = arith.constant 8 : i32
        %add3A_332 = arith.addi %mul3A_330, %add3A_331 : i32
        %get3A_333 = arith.index_cast %rem3A_54 : i32 to index
        %get3A_334 = arith.index_cast %add3A_332 : i32 to index
        %get3A_335 = arith.constant 0 : index
        %get3A_336 = tpu.vector_load %arg8[%get3A_333, %get3A_334, %get3A_335] {strides = array<i32>} : memref<5x128x32xf32, #tpu.memory_space<vmem>>, vector<16xf32>,
        %mul3A_337 = arith.mulf %get3A_336, %broadcast_in_dim3A_328 : vector<16xf32>
        %swap3A_338 = arith.index_cast %rem3A_54 : i32 to index
        %swap3A_339 = arith.index_cast %add3A_332 : i32 to index
        %swap3A_340 = arith.constant 0 : index
        %swap3A_341 = tpu.vector_load %arg8[%swap3A_338, %swap3A_339, %swap3A_340] {strides = array<i32>} : memref<5x128x32xf32, #tpu.memory_space<vmem>>, vector<16xf32>,
        tpu.vector_store %arg8[%swap3A_338, %swap3A_339, %swap3A_340], %mul3A_337 {strides = array<i32>} : memref<5x128x32xf32, #tpu.memory_space<vmem>>, vector<16xf32>,
        %get3A_342 = arith.index_cast %rem3A_54 : i32 to index
        %get3A_343 = arith.index_cast %add3A_332 : i32 to index
        %get3A_344 = arith.constant 16 : index
        %get3A_345 = tpu.vector_load %arg8[%get3A_342, %get3A_343, %get3A_344] {strides = array<i32>} : memref<5x128x32xf32, #tpu.memory_space<vmem>>, vector<16xf32>,
        %mul3A_346 = arith.mulf %get3A_345, %broadcast_in_dim3A_328 : vector<16xf32>
        %swap3A_347 = arith.index_cast %rem3A_54 : i32 to index
        %swap3A_348 = arith.index_cast %add3A_332 : i32 to index
        %swap3A_349 = arith.constant 16 : index
        %swap3A_350 = tpu.vector_load %arg8[%swap3A_347, %swap3A_348, %swap3A_349] {strides = array<i32>} : memref<5x128x32xf32, #tpu.memory_space<vmem>>, vector<16xf32>,
        tpu.vector_store %arg8[%swap3A_347, %swap3A_348, %swap3A_349], %mul3A_346 {strides = array<i32>} : memref<5x128x32xf32, #tpu.memory_space<vmem>>, vector<16xf32>,
        %slice3A_351 = vector.extract_strided_slice %bitcast3A {offsets = [9], sizes = [1], strides = [1]} : vector<16xf32> to vector<1xf32>
        %squeeze3A_352 = vector.extract %slice3A_351[0] : f32 from vector<1xf32>
        %broadcast_in_dim3A_353 = vector.broadcast %squeeze3A_352 : f32 to vector<16xf32>
        %mul3A_354 = arith.constant 16 : i32
        %mul3A_355 = arith.muli %scan3A_108, %mul3A_354 : i32
        %add3A_356 = arith.constant 9 : i32
        %add3A_357 = arith.addi %mul3A_355, %add3A_356 : i32
        %get3A_358 = arith.index_cast %rem3A_54 : i32 to index
        %get3A_359 = arith.index_cast %add3A_357 : i32 to index
        %get3A_360 = arith.constant 0 : index
        %get3A_361 = tpu.vector_load %arg8[%get3A_358, %get3A_359, %get3A_360] {strides = array<i32>} : memref<5x128x32xf32, #tpu.memory_space<vmem>>, vector<16xf32>,
        %mul3A_362 = arith.mulf %get3A_361, %broadcast_in_dim3A_353 : vector<16xf32>
        %swap3A_363 = arith.index_cast %rem3A_54 : i32 to index
        %swap3A_364 = arith.index_cast %add3A_357 : i32 to index
        %swap3A_365 = arith.constant 0 : index
        %swap3A_366 = tpu.vector_load %arg8[%swap3A_363, %swap3A_364, %swap3A_365] {strides = array<i32>} : memref<5x128x32xf32, #tpu.memory_space<vmem>>, vector<16xf32>,
        tpu.vector_store %arg8[%swap3A_363, %swap3A_364, %swap3A_365], %mul3A_362 {strides = array<i32>} : memref<5x128x32xf32, #tpu.memory_space<vmem>>, vector<16xf32>,
        %get3A_367 = arith.index_cast %rem3A_54 : i32 to index
        %get3A_368 = arith.index_cast %add3A_357 : i32 to index
        %get3A_369 = arith.constant 16 : index
        %get3A_370 = tpu.vector_load %arg8[%get3A_367, %get3A_368, %get3A_369] {strides = array<i32>} : memref<5x128x32xf32, #tpu.memory_space<vmem>>, vector<16xf32>,
        %mul3A_371 = arith.mulf %get3A_370, %broadcast_in_dim3A_353 : vector<16xf32>
        %swap3A_372 = arith.index_cast %rem3A_54 : i32 to index
        %swap3A_373 = arith.index_cast %add3A_357 : i32 to index
        %swap3A_374 = arith.constant 16 : index
        %swap3A_375 = tpu.vector_load %arg8[%swap3A_372, %swap3A_373, %swap3A_374] {strides = array<i32>} : memref<5x128x32xf32, #tpu.memory_space<vmem>>, vector<16xf32>,
        tpu.vector_store %arg8[%swap3A_372, %swap3A_373, %swap3A_374], %mul3A_371 {strides = array<i32>} : memref<5x128x32xf32, #tpu.memory_space<vmem>>, vector<16xf32>,
        %slice3A_376 = vector.extract_strided_slice %bitcast3A {offsets = [10], sizes = [1], strides = [1]} : vector<16xf32> to vector<1xf32>
        %squeeze3A_377 = vector.extract %slice3A_376[0] : f32 from vector<1xf32>
        %broadcast_in_dim3A_378 = vector.broadcast %squeeze3A_377 : f32 to vector<16xf32>
        %mul3A_379 = arith.constant 16 : i32
        %mul3A_380 = arith.muli %scan3A_108, %mul3A_379 : i32
        %add3A_381 = arith.constant 10 : i32
        %add3A_382 = arith.addi %mul3A_380, %add3A_381 : i32
        %get3A_383 = arith.index_cast %rem3A_54 : i32 to index
        %get3A_384 = arith.index_cast %add3A_382 : i32 to index
        %get3A_385 = arith.constant 0 : index
        %get3A_386 = tpu.vector_load %arg8[%get3A_383, %get3A_384, %get3A_385] {strides = array<i32>} : memref<5x128x32xf32, #tpu.memory_space<vmem>>, vector<16xf32>,
        %mul3A_387 = arith.mulf %get3A_386, %broadcast_in_dim3A_378 : vector<16xf32>
        %swap3A_388 = arith.index_cast %rem3A_54 : i32 to index
        %swap3A_389 = arith.index_cast %add3A_382 : i32 to index
        %swap3A_390 = arith.constant 0 : index
        %swap3A_391 = tpu.vector_load %arg8[%swap3A_388, %swap3A_389, %swap3A_390] {strides = array<i32>} : memref<5x128x32xf32, #tpu.memory_space<vmem>>, vector<16xf32>,
        tpu.vector_store %arg8[%swap3A_388, %swap3A_389, %swap3A_390], %mul3A_387 {strides = array<i32>} : memref<5x128x32xf32, #tpu.memory_space<vmem>>, vector<16xf32>,
        %get3A_392 = arith.index_cast %rem3A_54 : i32 to index
        %get3A_393 = arith.index_cast %add3A_382 : i32 to index
        %get3A_394 = arith.constant 16 : index
        %get3A_395 = tpu.vector_load %arg8[%get3A_392, %get3A_393, %get3A_394] {strides = array<i32>} : memref<5x128x32xf32, #tpu.memory_space<vmem>>, vector<16xf32>,
        %mul3A_396 = arith.mulf %get3A_395, %broadcast_in_dim3A_378 : vector<16xf32>
        %swap3A_397 = arith.index_cast %rem3A_54 : i32 to index
        %swap3A_398 = arith.index_cast %add3A_382 : i32 to index
        %swap3A_399 = arith.constant 16 : index
        %swap3A_400 = tpu.vector_load %arg8[%swap3A_397, %swap3A_398, %swap3A_399] {strides = array<i32>} : memref<5x128x32xf32, #tpu.memory_space<vmem>>, vector<16xf32>,
        tpu.vector_store %arg8[%swap3A_397, %swap3A_398, %swap3A_399], %mul3A_396 {strides = array<i32>} : memref<5x128x32xf32, #tpu.memory_space<vmem>>, vector<16xf32>,
        %slice3A_401 = vector.extract_strided_slice %bitcast3A {offsets = [11], sizes = [1], strides = [1]} : vector<16xf32> to vector<1xf32>
        %squeeze3A_402 = vector.extract %slice3A_401[0] : f32 from vector<1xf32>
        %broadcast_in_dim3A_403 = vector.broadcast %squeeze3A_402 : f32 to vector<16xf32>
        %mul3A_404 = arith.constant 16 : i32
        %mul3A_405 = arith.muli %scan3A_108, %mul3A_404 : i32
        %add3A_406 = arith.constant 11 : i32
        %add3A_407 = arith.addi %mul3A_405, %add3A_406 : i32
        %get3A_408 = arith.index_cast %rem3A_54 : i32 to index
        %get3A_409 = arith.index_cast %add3A_407 : i32 to index
        %get3A_410 = arith.constant 0 : index
        %get3A_411 = tpu.vector_load %arg8[%get3A_408, %get3A_409, %get3A_410] {strides = array<i32>} : memref<5x128x32xf32, #tpu.memory_space<vmem>>, vector<16xf32>,
        %mul3A_412 = arith.mulf %get3A_411, %broadcast_in_dim3A_403 : vector<16xf32>
        %swap3A_413 = arith.index_cast %rem3A_54 : i32 to index
        %swap3A_414 = arith.index_cast %add3A_407 : i32 to index
        %swap3A_415 = arith.constant 0 : index
        %swap3A_416 = tpu.vector_load %arg8[%swap3A_413, %swap3A_414, %swap3A_415] {strides = array<i32>} : memref<5x128x32xf32, #tpu.memory_space<vmem>>, vector<16xf32>,
        tpu.vector_store %arg8[%swap3A_413, %swap3A_414, %swap3A_415], %mul3A_412 {strides = array<i32>} : memref<5x128x32xf32, #tpu.memory_space<vmem>>, vector<16xf32>,
        %get3A_417 = arith.index_cast %rem3A_54 : i32 to index
        %get3A_418 = arith.index_cast %add3A_407 : i32 to index
        %get3A_419 = arith.constant 16 : index
        %get3A_420 = tpu.vector_load %arg8[%get3A_417, %get3A_418, %get3A_419] {strides = array<i32>} : memref<5x128x32xf32, #tpu.memory_space<vmem>>, vector<16xf32>,
        %mul3A_421 = arith.mulf %get3A_420, %broadcast_in_dim3A_403 : vector<16xf32>
        %swap3A_422 = arith.index_cast %rem3A_54 : i32 to index
        %swap3A_423 = arith.index_cast %add3A_407 : i32 to index
        %swap3A_424 = arith.constant 16 : index
        %swap3A_425 = tpu.vector_load %arg8[%swap3A_422, %swap3A_423, %swap3A_424] {strides = array<i32>} : memref<5x128x32xf32, #tpu.memory_space<vmem>>, vector<16xf32>,
        tpu.vector_store %arg8[%swap3A_422, %swap3A_423, %swap3A_424], %mul3A_421 {strides = array<i32>} : memref<5x128x32xf32, #tpu.memory_space<vmem>>, vector<16xf32>,
        %slice3A_426 = vector.extract_strided_slice %bitcast3A {offsets = [12], sizes = [1], strides = [1]} : vector<16xf32> to vector<1xf32>
        %squeeze3A_427 = vector.extract %slice3A_426[0] : f32 from vector<1xf32>
        %broadcast_in_dim3A_428 = vector.broadcast %squeeze3A_427 : f32 to vector<16xf32>
        %mul3A_429 = arith.constant 16 : i32
        %mul3A_430 = arith.muli %scan3A_108, %mul3A_429 : i32
        %add3A_431 = arith.constant 12 : i32
        %add3A_432 = arith.addi %mul3A_430, %add3A_431 : i32
        %get3A_433 = arith.index_cast %rem3A_54 : i32 to index
        %get3A_434 = arith.index_cast %add3A_432 : i32 to index
        %get3A_435 = arith.constant 0 : index
        %get3A_436 = tpu.vector_load %arg8[%get3A_433, %get3A_434, %get3A_435] {strides = array<i32>} : memref<5x128x32xf32, #tpu.memory_space<vmem>>, vector<16xf32>,
        %mul3A_437 = arith.mulf %get3A_436, %broadcast_in_dim3A_428 : vector<16xf32>
        %swap3A_438 = arith.index_cast %rem3A_54 : i32 to index
        %swap3A_439 = arith.index_cast %add3A_432 : i32 to index
        %swap3A_440 = arith.constant 0 : index
        %swap3A_441 = tpu.vector_load %arg8[%swap3A_438, %swap3A_439, %swap3A_440] {strides = array<i32>} : memref<5x128x32xf32, #tpu.memory_space<vmem>>, vector<16xf32>,
        tpu.vector_store %arg8[%swap3A_438, %swap3A_439, %swap3A_440], %mul3A_437 {strides = array<i32>} : memref<5x128x32xf32, #tpu.memory_space<vmem>>, vector<16xf32>,
        %get3A_442 = arith.index_cast %rem3A_54 : i32 to index
        %get3A_443 = arith.index_cast %add3A_432 : i32 to index
        %get3A_444 = arith.constant 16 : index
        %get3A_445 = tpu.vector_load %arg8[%get3A_442, %get3A_443, %get3A_444] {strides = array<i32>} : memref<5x128x32xf32, #tpu.memory_space<vmem>>, vector<16xf32>,
        %mul3A_446 = arith.mulf %get3A_445, %broadcast_in_dim3A_428 : vector<16xf32>
        %swap3A_447 = arith.index_cast %rem3A_54 : i32 to index
        %swap3A_448 = arith.index_cast %add3A_432 : i32 to index
        %swap3A_449 = arith.constant 16 : index
        %swap3A_450 = tpu.vector_load %arg8[%swap3A_447, %swap3A_448, %swap3A_449] {strides = array<i32>} : memref<5x128x32xf32, #tpu.memory_space<vmem>>, vector<16xf32>,
        tpu.vector_store %arg8[%swap3A_447, %swap3A_448, %swap3A_449], %mul3A_446 {strides = array<i32>} : memref<5x128x32xf32, #tpu.memory_space<vmem>>, vector<16xf32>,
        %slice3A_451 = vector.extract_strided_slice %bitcast3A {offsets = [13], sizes = [1], strides = [1]} : vector<16xf32> to vector<1xf32>
        %squeeze3A_452 = vector.extract %slice3A_451[0] : f32 from vector<1xf32>
        %broadcast_in_dim3A_453 = vector.broadcast %squeeze3A_452 : f32 to vector<16xf32>
        %mul3A_454 = arith.constant 16 : i32
        %mul3A_455 = arith.muli %scan3A_108, %mul3A_454 : i32
        %add3A_456 = arith.constant 13 : i32
        %add3A_457 = arith.addi %mul3A_455, %add3A_456 : i32
        %get3A_458 = arith.index_cast %rem3A_54 : i32 to index
        %get3A_459 = arith.index_cast %add3A_457 : i32 to index
        %get3A_460 = arith.constant 0 : index
        %get3A_461 = tpu.vector_load %arg8[%get3A_458, %get3A_459, %get3A_460] {strides = array<i32>} : memref<5x128x32xf32, #tpu.memory_space<vmem>>, vector<16xf32>,
        %mul3A_462 = arith.mulf %get3A_461, %broadcast_in_dim3A_453 : vector<16xf32>
        %swap3A_463 = arith.index_cast %rem3A_54 : i32 to index
        %swap3A_464 = arith.index_cast %add3A_457 : i32 to index
        %swap3A_465 = arith.constant 0 : index
        %swap3A_466 = tpu.vector_load %arg8[%swap3A_463, %swap3A_464, %swap3A_465] {strides = array<i32>} : memref<5x128x32xf32, #tpu.memory_space<vmem>>, vector<16xf32>,
        tpu.vector_store %arg8[%swap3A_463, %swap3A_464, %swap3A_465], %mul3A_462 {strides = array<i32>} : memref<5x128x32xf32, #tpu.memory_space<vmem>>, vector<16xf32>,
        %get3A_467 = arith.index_cast %rem3A_54 : i32 to index
        %get3A_468 = arith.index_cast %add3A_457 : i32 to index
        %get3A_469 = arith.constant 16 : index
        %get3A_470 = tpu.vector_load %arg8[%get3A_467, %get3A_468, %get3A_469] {strides = array<i32>} : memref<5x128x32xf32, #tpu.memory_space<vmem>>, vector<16xf32>,
        %mul3A_471 = arith.mulf %get3A_470, %broadcast_in_dim3A_453 : vector<16xf32>
        %swap3A_472 = arith.index_cast %rem3A_54 : i32 to index
        %swap3A_473 = arith.index_cast %add3A_457 : i32 to index
        %swap3A_474 = arith.constant 16 : index
        %swap3A_475 = tpu.vector_load %arg8[%swap3A_472, %swap3A_473, %swap3A_474] {strides = array<i32>} : memref<5x128x32xf32, #tpu.memory_space<vmem>>, vector<16xf32>,
        tpu.vector_store %arg8[%swap3A_472, %swap3A_473, %swap3A_474], %mul3A_471 {strides = array<i32>} : memref<5x128x32xf32, #tpu.memory_space<vmem>>, vector<16xf32>,
        %slice3A_476 = vector.extract_strided_slice %bitcast3A {offsets = [14], sizes = [1], strides = [1]} : vector<16xf32> to vector<1xf32>
        %squeeze3A_477 = vector.extract %slice3A_476[0] : f32 from vector<1xf32>
        %broadcast_in_dim3A_478 = vector.broadcast %squeeze3A_477 : f32 to vector<16xf32>
        %mul3A_479 = arith.constant 16 : i32
        %mul3A_480 = arith.muli %scan3A_108, %mul3A_479 : i32
        %add3A_481 = arith.constant 14 : i32
        %add3A_482 = arith.addi %mul3A_480, %add3A_481 : i32
        %get3A_483 = arith.index_cast %rem3A_54 : i32 to index
        %get3A_484 = arith.index_cast %add3A_482 : i32 to index
        %get3A_485 = arith.constant 0 : index
        %get3A_486 = tpu.vector_load %arg8[%get3A_483, %get3A_484, %get3A_485] {strides = array<i32>} : memref<5x128x32xf32, #tpu.memory_space<vmem>>, vector<16xf32>,
        %mul3A_487 = arith.mulf %get3A_486, %broadcast_in_dim3A_478 : vector<16xf32>
        %swap3A_488 = arith.index_cast %rem3A_54 : i32 to index
        %swap3A_489 = arith.index_cast %add3A_482 : i32 to index
        %swap3A_490 = arith.constant 0 : index
        %swap3A_491 = tpu.vector_load %arg8[%swap3A_488, %swap3A_489, %swap3A_490] {strides = array<i32>} : memref<5x128x32xf32, #tpu.memory_space<vmem>>, vector<16xf32>,
        tpu.vector_store %arg8[%swap3A_488, %swap3A_489, %swap3A_490], %mul3A_487 {strides = array<i32>} : memref<5x128x32xf32, #tpu.memory_space<vmem>>, vector<16xf32>,
        %get3A_492 = arith.index_cast %rem3A_54 : i32 to index
        %get3A_493 = arith.index_cast %add3A_482 : i32 to index
        %get3A_494 = arith.constant 16 : index
        %get3A_495 = tpu.vector_load %arg8[%get3A_492, %get3A_493, %get3A_494] {strides = array<i32>} : memref<5x128x32xf32, #tpu.memory_space<vmem>>, vector<16xf32>,
        %mul3A_496 = arith.mulf %get3A_495, %broadcast_in_dim3A_478 : vector<16xf32>
        %swap3A_497 = arith.index_cast %rem3A_54 : i32 to index
        %swap3A_498 = arith.index_cast %add3A_482 : i32 to index
        %swap3A_499 = arith.constant 16 : index
        %swap3A_500 = tpu.vector_load %arg8[%swap3A_497, %swap3A_498, %swap3A_499] {strides = array<i32>} : memref<5x128x32xf32, #tpu.memory_space<vmem>>, vector<16xf32>,
        tpu.vector_store %arg8[%swap3A_497, %swap3A_498, %swap3A_499], %mul3A_496 {strides = array<i32>} : memref<5x128x32xf32, #tpu.memory_space<vmem>>, vector<16xf32>,
        %slice3A_501 = vector.extract_strided_slice %bitcast3A {offsets = [15], sizes = [1], strides = [1]} : vector<16xf32> to vector<1xf32>
        %squeeze3A_502 = vector.extract %slice3A_501[0] : f32 from vector<1xf32>
        %broadcast_in_dim3A_503 = vector.broadcast %squeeze3A_502 : f32 to vector<16xf32>
        %mul3A_504 = arith.constant 16 : i32
        %mul3A_505 = arith.muli %scan3A_108, %mul3A_504 : i32
        %add3A_506 = arith.constant 15 : i32
        %add3A_507 = arith.addi %mul3A_505, %add3A_506 : i32
        %get3A_508 = arith.index_cast %rem3A_54 : i32 to index
        %get3A_509 = arith.index_cast %add3A_507 : i32 to index
        %get3A_510 = arith.constant 0 : index
        %get3A_511 = tpu.vector_load %arg8[%get3A_508, %get3A_509, %get3A_510] {strides = array<i32>} : memref<5x128x32xf32, #tpu.memory_space<vmem>>, vector<16xf32>,
        %mul3A_512 = arith.mulf %get3A_511, %broadcast_in_dim3A_503 : vector<16xf32>
        %swap3A_513 = arith.index_cast %rem3A_54 : i32 to index
        %swap3A_514 = arith.index_cast %add3A_507 : i32 to index
        %swap3A_515 = arith.constant 0 : index
        %swap3A_516 = tpu.vector_load %arg8[%swap3A_513, %swap3A_514, %swap3A_515] {strides = array<i32>} : memref<5x128x32xf32, #tpu.memory_space<vmem>>, vector<16xf32>,
        tpu.vector_store %arg8[%swap3A_513, %swap3A_514, %swap3A_515], %mul3A_512 {strides = array<i32>} : memref<5x128x32xf32, #tpu.memory_space<vmem>>, vector<16xf32>,
        %get3A_517 = arith.index_cast %rem3A_54 : i32 to index
        %get3A_518 = arith.index_cast %add3A_507 : i32 to index
        %get3A_519 = arith.constant 16 : index
        %get3A_520 = tpu.vector_load %arg8[%get3A_517, %get3A_518, %get3A_519] {strides = array<i32>} : memref<5x128x32xf32, #tpu.memory_space<vmem>>, vector<16xf32>,
        %mul3A_521 = arith.mulf %get3A_520, %broadcast_in_dim3A_503 : vector<16xf32>
        %swap3A_522 = arith.index_cast %rem3A_54 : i32 to index
        %swap3A_523 = arith.index_cast %add3A_507 : i32 to index
        %swap3A_524 = arith.constant 16 : index
        %swap3A_525 = tpu.vector_load %arg8[%swap3A_522, %swap3A_523, %swap3A_524] {strides = array<i32>} : memref<5x128x32xf32, #tpu.memory_space<vmem>>, vector<16xf32>,
        tpu.vector_store %arg8[%swap3A_522, %swap3A_523, %swap3A_524], %mul3A_521 {strides = array<i32>} : memref<5x128x32xf32, #tpu.memory_space<vmem>>, vector<16xf32>,
        %scan3A_526 = arith.constant 0 : i32
        scf.yield %scan3A_526 : i32
      }
      %scan3A_95 = arith.constant 8 : i32
      %dma_start3A = arith.constant 0 : i32
      %dma_start3A_96 = arith.constant 0 : i32
      %dma_start3A_97 = tpu.memref_slice %arg8[%rem3A_54, %dma_start3A, %dma_start3A_96] : memref<5x128x32xf32, #tpu.memory_space<vmem>> -> memref<1x128x32xf32, #tpu.memory_space<vmem>>
      %dma_start3A_98 = tpu.memref_squeeze %dma_start3A_97 : memref<1x128x32xf32, #tpu.memory_space<vmem>> -> memref<128x32xf32, #tpu.memory_space<vmem>>
      %dma_start3A_99 = arith.constant 0 : i32
      %dma_start3A_100 = tpu.memref_slice %arg9[%rem3A_54, %dma_start3A_99] : memref<5x128xi32, #tpu.memory_space<vmem>> -> memref<1x128xi32, #tpu.memory_space<vmem>>
      %dma_start3A_101 = tpu.memref_squeeze %dma_start3A_100 : memref<1x128xi32, #tpu.memory_space<vmem>> -> memref<128xi32, #tpu.memory_space<vmem>>
      %dma_start3A_102 = arith.constant 0 : i32
      %dma_start3A_103 = arith.constant 0 : i32
      %dma_start3A_104 = tpu.memref_slice %arg10[%dma_start3A_102, %dma_start3A_103] : memref<50176x32xf32, #tpu.memory_space<vmem_shared>> -> memref<50176x32xf32, #tpu.memory_space<vmem_shared>>
      %dma_start3A_105 = tpu.memref_slice %arg13[%rem3A_54] : memref<5x!tpu.dma_semaphore, #tpu.memory_space<semaphore_mem>> -> memref<1x!tpu.dma_semaphore, #tpu.memory_space<semaphore_mem>>
      %dma_start3A_106 = tpu.memref_squeeze %dma_start3A_105 : memref<1x!tpu.dma_semaphore, #tpu.memory_space<semaphore_mem>> -> memref<!tpu.dma_semaphore, #tpu.memory_space<semaphore_mem>>
      tpu.enqueue_indirect_dma source(%dma_start3A_98 : memref<128x32xf32, #tpu.memory_space<vmem>>) target(%dma_start3A_104 : memref<50176x32xf32, #tpu.memory_space<vmem_shared>>) offsets(%dma_start3A_101 : memref<128xi32, #tpu.memory_space<vmem>>) semaphore(%dma_start3A_106 : memref<!tpu.dma_semaphore, #tpu.memory_space<semaphore_mem>>) {add = true}
      %scan3A_107 = arith.constant 0 : i32
      scf.yield %scan3A_107 : i32
    }
    %scan3A_17 = arith.constant 392 : i32
    %scan3A_18 = arith.constant 0 : i32
    %scan3A_19 = arith.constant 0 : i32
    %scan3A_20 = arith.constant 5 : i32
    %scan3A_21 = arith.addi %scan3A_19, %scan3A_20 : i32
    %scan3A_22 = arith.constant 1 : i32
    %scan3A_23 = scf.for %scan3A_30 = %scan3A_19 to %scan3A_21 step %scan3A_22 iter_args(%scan3A_31 = %scan3A_18) -> (i32)  : i32 {
      %dma_wait3A = arith.constant 0 : i32
      %dma_wait3A_32 = arith.constant 0 : i32
      %dma_wait3A_33 = arith.constant 0 : i32
      %dma_wait3A_34 = tpu.memref_slice %arg8[%scan3A_30, %dma_wait3A_32, %dma_wait3A_33] : memref<5x128x32xf32, #tpu.memory_space<vmem>> -> memref<1x128x32xf32, #tpu.memory_space<vmem>>
      %dma_wait3A_35 = tpu.memref_squeeze %dma_wait3A_34 : memref<1x128x32xf32, #tpu.memory_space<vmem>> -> memref<128x32xf32, #tpu.memory_space<vmem>>
      %dma_wait3A_36 = arith.constant 0 : i32
      %dma_wait3A_37 = tpu.memref_slice %arg9[%dma_wait3A, %dma_wait3A_36] : memref<5x128xi32, #tpu.memory_space<vmem>> -> memref<1x128xi32, #tpu.memory_space<vmem>>
      %dma_wait3A_38 = tpu.memref_squeeze %dma_wait3A_37 : memref<1x128xi32, #tpu.memory_space<vmem>> -> memref<128xi32, #tpu.memory_space<vmem>>
      %dma_wait3A_39 = arith.constant 0 : i32
      %dma_wait3A_40 = arith.constant 0 : i32
      %dma_wait3A_41 = tpu.memref_slice %arg10[%dma_wait3A_39, %dma_wait3A_40] : memref<50176x32xf32, #tpu.memory_space<vmem_shared>> -> memref<50176x32xf32, #tpu.memory_space<vmem_shared>>
      %dma_wait3A_42 = tpu.memref_slice %arg13[%scan3A_30] : memref<5x!tpu.dma_semaphore, #tpu.memory_space<semaphore_mem>> -> memref<1x!tpu.dma_semaphore, #tpu.memory_space<semaphore_mem>>
      %dma_wait3A_43 = tpu.memref_squeeze %dma_wait3A_42 : memref<1x!tpu.dma_semaphore, #tpu.memory_space<semaphore_mem>> -> memref<!tpu.dma_semaphore, #tpu.memory_space<semaphore_mem>>
      tpu.wait_indirect_dma semaphore(%dma_wait3A_43 : memref<!tpu.dma_semaphore, #tpu.memory_space<semaphore_mem>>) src(%dma_wait3A_35 : memref<128x32xf32, #tpu.memory_space<vmem>>) dst(%dma_wait3A_41 : memref<50176x32xf32, #tpu.memory_space<vmem_shared>>)
      %scan3A_44 = arith.constant 0 : i32
      scf.yield %scan3A_44 : i32
    }
    %scan3A_24 = arith.constant 5 : i32
    %barrier3A_25 = arith.constant 0 : index
    tpu.barrier barrier_id(%barrier3A_25)
    %mul3A_26 = arith.constant 3136 : i32
    %mul3A_27 = arith.muli %arg1, %mul3A_26 : i32
    %mul3A_28 = arith.constant 3136 : i32
    %mul3A_29 = arith.muli %arg1, %mul3A_28 : i32
    "tpu.region"() ({
      %run_scoped3A_30 = tpu.sem_alloc : memref<!tpu.dma_semaphore, #tpu.memory_space<semaphore_mem>>
      %dma_start3A = arith.constant 0 : i32
      %dma_start3A_31 = tpu.memref_slice %arg6[%arg0, %mul3A_29, %dma_start3A] : memref<2x50176x32xf32, #tpu.memory_space<hbm>> -> memref<1x3136x32xf32, #tpu.memory_space<hbm>>
      %dma_start3A_32 = tpu.memref_squeeze %dma_start3A_31 : memref<1x3136x32xf32, #tpu.memory_space<hbm>> -> memref<3136x32xf32, #tpu.memory_space<hbm>>
      %dma_start3A_33 = arith.constant 0 : i32
      %dma_start3A_34 = tpu.memref_slice %arg10[%mul3A_27, %dma_start3A_33] : memref<50176x32xf32, #tpu.memory_space<vmem_shared>> -> memref<3136x32xf32, #tpu.memory_space<vmem_shared>>
      tpu.enqueue_dma source(%dma_start3A_34 : memref<3136x32xf32, #tpu.memory_space<vmem_shared>>) target(%dma_start3A_32 : memref<3136x32xf32, #tpu.memory_space<hbm>>) target_semaphore(%run_scoped3A_30 : memref<!tpu.dma_semaphore, #tpu.memory_space<semaphore_mem>>)
      %dma_wait3A = arith.constant 0 : i32
      %dma_wait3A_35 = tpu.memref_slice %arg6[%arg0, %mul3A_29, %dma_wait3A] : memref<2x50176x32xf32, #tpu.memory_space<hbm>> -> memref<1x3136x32xf32, #tpu.memory_space<hbm>>
      %dma_wait3A_36 = tpu.memref_squeeze %dma_wait3A_35 : memref<1x3136x32xf32, #tpu.memory_space<hbm>> -> memref<3136x32xf32, #tpu.memory_space<hbm>>
      %dma_wait3A_37 = arith.constant 0 : i32
      %dma_wait3A_38 = tpu.memref_slice %arg10[%mul3A_27, %dma_wait3A_37] : memref<50176x32xf32, #tpu.memory_space<vmem_shared>> -> memref<3136x32xf32, #tpu.memory_space<vmem_shared>>
      tpu.wait_dma2 semaphore(%run_scoped3A_30 : memref<!tpu.dma_semaphore, #tpu.memory_space<semaphore_mem>>) src(%dma_wait3A_38 : memref<3136x32xf32, #tpu.memory_space<vmem_shared>>) dst(%dma_wait3A_36 : memref<3136x32xf32, #tpu.memory_space<hbm>>)
      tpu.yield
    }) : () -> ()
    return
  }
}

#map = affine_map<(d0, d1) -> (0)>
#map1 = affine_map<(d0, d1) -> (0, 0, 0)>
#map2 = affine_map<(d0, d1) -> (0, 0)>
module attributes {stable_mosaic.version = 14 : i64} {
  func.func @_sum_loss_body(%arg0: i32, %arg1: i32, %arg2: memref<50176xf32, #tpu.memory_space<hbm>>, %arg3: memref<6272x4x128xi32, #tpu.memory_space<hbm>>, %arg4: memref<392x128xf32, #tpu.memory_space<hbm>>, %arg5: memref<392x128xf32, #tpu.memory_space<hbm>>, %arg6: memref<2x98xi32, #tpu.memory_space<hbm>>, %arg7: memref<392x128xf32, #tpu.memory_space<hbm>>, %arg8: memref<50176xf32, #tpu.memory_space<vmem>>, %arg9: memref<56x4x128xi32, #tpu.memory_space<vmem>>, %arg10: memref<197x128xf32, #tpu.memory_space<vmem>>, %arg11: memref<14x128xf32, #tpu.memory_space<vmem>>, %arg12: memref<14x128xf32, #tpu.memory_space<vmem>>, %arg13: memref<2x98xi32, #tpu.memory_space<vmem>>, %arg14: memref<197x128xf32, #tpu.memory_space<vmem_shared>>) attributes {dimension_semantics = [#tpu.dimension_semantics<core_parallel>, #tpu.dimension_semantics<subcore_parallel>], iteration_bounds = array<i64: 2, 16>, scalar_prefetch = 0 : i64, scratch_operands = 7 : i64, tpu.core_type = #tpu.core_type<sc_vector_subcore>, window_params = [{transform_indices = #map}, {transform_indices = #map1}, {transform_indices = #map2}, {transform_indices = #map2}, {transform_indices = #map2}, {transform_indices = #map2}]} {
    %lt3A = arith.constant 14 : i32
    %lt3A_0 = arith.cmpi slt, %arg1, %lt3A : i32
    %convert_element_type3A = arith.extui %lt3A_0 : i1 to i32
    %cond3A = arith.constant 0 : i32
    %cond3A_1 = arith.cmpi ne, %convert_element_type3A, %cond3A : i32
    scf.if %cond3A_1 {
      %mul3A_26 = arith.constant 14 : i32
      %mul3A_27 = arith.muli %arg1, %mul3A_26 : i32
      %mul3A_28 = arith.constant 14 : i32
      %mul3A_29 = arith.muli %arg1, %mul3A_28 : i32
      "tpu.region"() ({
        %run_scoped3A_30 = tpu.sem_alloc : memref<!tpu.dma_semaphore, #tpu.memory_space<semaphore_mem>>
        %dma_start3A = arith.constant 0 : i32
        %dma_start3A_31 = tpu.memref_slice %arg14[%mul3A_29, %dma_start3A] : memref<197x128xf32, #tpu.memory_space<vmem_shared>> -> memref<14x128xf32, #tpu.memory_space<vmem_shared>>
        %dma_start3A_32 = arith.constant 0 : i32
        %dma_start3A_33 = tpu.memref_slice %arg5[%mul3A_27, %dma_start3A_32] : memref<392x128xf32, #tpu.memory_space<hbm>> -> memref<14x128xf32, #tpu.memory_space<hbm>>
        tpu.enqueue_dma source(%dma_start3A_33 : memref<14x128xf32, #tpu.memory_space<hbm>>) target(%dma_start3A_31 : memref<14x128xf32, #tpu.memory_space<vmem_shared>>) target_semaphore(%run_scoped3A_30 : memref<!tpu.dma_semaphore, #tpu.memory_space<semaphore_mem>>)
        %dma_wait3A = arith.constant 0 : i32
        %dma_wait3A_34 = tpu.memref_slice %arg14[%mul3A_29, %dma_wait3A] : memref<197x128xf32, #tpu.memory_space<vmem_shared>> -> memref<14x128xf32, #tpu.memory_space<vmem_shared>>
        %dma_wait3A_35 = arith.constant 0 : i32
        %dma_wait3A_36 = tpu.memref_slice %arg5[%mul3A_27, %dma_wait3A_35] : memref<392x128xf32, #tpu.memory_space<hbm>> -> memref<14x128xf32, #tpu.memory_space<hbm>>
        tpu.wait_dma2 semaphore(%run_scoped3A_30 : memref<!tpu.dma_semaphore, #tpu.memory_space<semaphore_mem>>) src(%dma_wait3A_36 : memref<14x128xf32, #tpu.memory_space<hbm>>) dst(%dma_wait3A_34 : memref<14x128xf32, #tpu.memory_space<vmem_shared>>)
        tpu.yield
      }) : () -> ()
    } else {
    }
    "tpu.region"() ({
      %run_scoped3A_26 = tpu.sem_alloc : memref<!tpu.dma_semaphore, #tpu.memory_space<semaphore_mem>>
      tpu.enqueue_dma source(%arg2 : memref<50176xf32, #tpu.memory_space<hbm>>) target(%arg8 : memref<50176xf32, #tpu.memory_space<vmem>>) target_semaphore(%run_scoped3A_26 : memref<!tpu.dma_semaphore, #tpu.memory_space<semaphore_mem>>)
      tpu.wait_dma2 semaphore(%run_scoped3A_26 : memref<!tpu.dma_semaphore, #tpu.memory_space<semaphore_mem>>) src(%arg2 : memref<50176xf32, #tpu.memory_space<hbm>>) dst(%arg8 : memref<50176xf32, #tpu.memory_space<vmem>>)
      tpu.yield
    }) : () -> ()
    "tpu.region"() ({
      %run_scoped3A_26 = tpu.sem_alloc : memref<!tpu.dma_semaphore, #tpu.memory_space<semaphore_mem>>
      tpu.enqueue_dma source(%arg6 : memref<2x98xi32, #tpu.memory_space<hbm>>) target(%arg13 : memref<2x98xi32, #tpu.memory_space<vmem>>) target_semaphore(%run_scoped3A_26 : memref<!tpu.dma_semaphore, #tpu.memory_space<semaphore_mem>>)
      tpu.wait_dma2 semaphore(%run_scoped3A_26 : memref<!tpu.dma_semaphore, #tpu.memory_space<semaphore_mem>>) src(%arg6 : memref<2x98xi32, #tpu.memory_space<hbm>>) dst(%arg13 : memref<2x98xi32, #tpu.memory_space<vmem>>)
      tpu.yield
    }) : () -> ()
    %broadcast_in_dim3A = arith.constant 0.000000e+00 : f32
    %broadcast_in_dim3A_2 = vector.broadcast %broadcast_in_dim3A : f32 to vector<16xf32>
    %scan3A = arith.constant 0 : i32
    %scan3A_3 = arith.constant 0 : i32
    %scan3A_4 = arith.constant 1576 : i32
    %scan3A_5 = arith.addi %scan3A_3, %scan3A_4 : i32
    %scan3A_6 = arith.constant 1 : i32
    %scan3A_7 = scf.for %scan3A_26 = %scan3A_3 to %scan3A_5 step %scan3A_6 iter_args(%scan3A_27 = %scan3A) -> (i32)  : i32 {
      %jit3A = arith.constant 8 : i32
      %div3A = arith.divsi %scan3A_26, %jit3A : i32
      %sign3A = arith.constant 0 : i32
      %sign3A_28 = arith.cmpi sgt, %scan3A_26, %sign3A : i32
      %sign3A_29 = arith.extui %sign3A_28 : i1 to i32
      %sign3A_30 = arith.constant 0 : i32
      %sign3A_31 = arith.cmpi slt, %scan3A_26, %sign3A_30 : i32
      %sign3A_32 = arith.extui %sign3A_31 : i1 to i32
      %sign3A_33 = arith.subi %sign3A_29, %sign3A_32 : i32
      %sign3A_34 = arith.constant 0 : i32
      %sign3A_35 = arith.cmpi sgt, %jit3A, %sign3A_34 : i32
      %sign3A_36 = arith.extui %sign3A_35 : i1 to i32
      %sign3A_37 = arith.constant 0 : i32
      %sign3A_38 = arith.cmpi slt, %jit3A, %sign3A_37 : i32
      %sign3A_39 = arith.extui %sign3A_38 : i1 to i32
      %sign3A_40 = arith.subi %sign3A_36, %sign3A_39 : i32
      %ne3A = arith.cmpi ne, %sign3A_33, %sign3A_40 : i32
      %rem3A = arith.remsi %scan3A_26, %jit3A : i32
      %ne3A_41 = arith.constant 0 : i32
      %ne3A_42 = arith.cmpi ne, %rem3A, %ne3A_41 : i32
      %and3A = arith.andi %ne3A, %ne3A_42 : i1
      %sub3A = arith.constant 1 : i32
      %sub3A_43 = arith.subi %div3A, %sub3A : i32
      %select_n3A = arith.select %and3A, %sub3A_43, %div3A : i32
      %mul3A_44 = arith.constant 8 : i32
      %mul3A_45 = arith.muli %select_n3A, %mul3A_44 : i32
      %sub3A_46 = arith.subi %scan3A_26, %mul3A_45 : i32
      %mul3A_47 = arith.constant 16 : i32
      %mul3A_48 = arith.muli %sub3A_46, %mul3A_47 : i32
      %swap3A = arith.index_cast %select_n3A : i32 to index
      %swap3A_49 = arith.index_cast %mul3A_48 : i32 to index
      %swap3A_50 = tpu.vector_load %arg10[%swap3A, %swap3A_49] {strides = array<i32>} : memref<197x128xf32, #tpu.memory_space<vmem>>, vector<16xf32>,
      tpu.vector_store %arg10[%swap3A, %swap3A_49], %broadcast_in_dim3A_2 {strides = array<i32>} : memref<197x128xf32, #tpu.memory_space<vmem>>, vector<16xf32>,
      %scan3A_51 = arith.constant 0 : i32
      scf.yield %scan3A_51 : i32
    }
    %scan3A_8 = arith.constant 1576 : i32
    %barrier3A = arith.constant 0 : index
    tpu.barrier barrier_id(%barrier3A)
    %mul3A = arith.constant 392 : i32
    %mul3A_9 = arith.muli %arg1, %mul3A : i32
    %mul3A_10 = arith.constant 25088 : i32
    %mul3A_11 = arith.muli %arg0, %mul3A_10 : i32
    %scan3A_12 = arith.constant 0 : i32
    %scan3A_13 = arith.constant 0 : i32
    %scan3A_14 = arith.constant 7 : i32
    %scan3A_15 = arith.addi %scan3A_13, %scan3A_14 : i32
    %scan3A_16 = arith.constant 1 : i32
    %scan3A_17 = scf.for %scan3A_26 = %scan3A_13 to %scan3A_15 step %scan3A_16 iter_args(%scan3A_27 = %scan3A_12) -> (i32)  : i32 {
      %mul3A_28 = arith.constant 56 : i32
      %mul3A_29 = arith.muli %scan3A_26, %mul3A_28 : i32
      %add3A = arith.addi %mul3A_9, %mul3A_29 : i32
      "tpu.region"() ({
        %run_scoped3A_38 = tpu.sem_alloc : memref<!tpu.dma_semaphore, #tpu.memory_space<semaphore_mem>>
        %dma_start3A = arith.constant 0 : i32
        %dma_start3A_39 = arith.constant 0 : i32
        %dma_start3A_40 = tpu.memref_slice %arg3[%add3A, %dma_start3A, %dma_start3A_39] : memref<6272x4x128xi32, #tpu.memory_space<hbm>> -> memref<56x4x128xi32, #tpu.memory_space<hbm>>
        %dma_start3A_41 = arith.constant 0 : i32
        %dma_start3A_42 = arith.constant 0 : i32
        %dma_start3A_43 = tpu.memref_slice %arg3[%add3A, %dma_start3A_41, %dma_start3A_42] : memref<6272x4x128xi32, #tpu.memory_space<hbm>> -> memref<56x4x128xi32, #tpu.memory_space<hbm>>
        tpu.enqueue_dma source(%dma_start3A_43 : memref<56x4x128xi32, #tpu.memory_space<hbm>>) target(%arg9 : memref<56x4x128xi32, #tpu.memory_space<vmem>>) target_semaphore(%run_scoped3A_38 : memref<!tpu.dma_semaphore, #tpu.memory_space<semaphore_mem>>)
        %dma_wait3A = arith.constant 0 : i32
        %dma_wait3A_44 = arith.constant 0 : i32
        %dma_wait3A_45 = tpu.memref_slice %arg3[%add3A, %dma_wait3A, %dma_wait3A_44] : memref<6272x4x128xi32, #tpu.memory_space<hbm>> -> memref<56x4x128xi32, #tpu.memory_space<hbm>>
        %dma_wait3A_46 = arith.constant 0 : i32
        %dma_wait3A_47 = arith.constant 0 : i32
        %dma_wait3A_48 = tpu.memref_slice %arg3[%add3A, %dma_wait3A_46, %dma_wait3A_47] : memref<6272x4x128xi32, #tpu.memory_space<hbm>> -> memref<56x4x128xi32, #tpu.memory_space<hbm>>
        tpu.wait_dma2 semaphore(%run_scoped3A_38 : memref<!tpu.dma_semaphore, #tpu.memory_space<semaphore_mem>>) src(%dma_wait3A_48 : memref<56x4x128xi32, #tpu.memory_space<hbm>>) dst(%arg9 : memref<56x4x128xi32, #tpu.memory_space<vmem>>)
        tpu.yield
      }) : () -> ()
      %scan3A_30 = arith.constant 0 : i32
      %scan3A_31 = arith.constant 0 : i32
      %scan3A_32 = arith.constant 56 : i32
      %scan3A_33 = arith.addi %scan3A_31, %scan3A_32 : i32
      %scan3A_34 = arith.constant 1 : i32
      %scan3A_35 = scf.for %scan3A_38 = %scan3A_31 to %scan3A_33 step %scan3A_34 iter_args(%scan3A_39 = %scan3A_30) -> (i32)  : i32 {
        %scan3A_40 = arith.constant 0 : i32
        %scan3A_41 = arith.constant 0 : i32
        %scan3A_42 = arith.constant 8 : i32
        %scan3A_43 = arith.addi %scan3A_41, %scan3A_42 : i32
        %scan3A_44 = arith.constant 1 : i32
        %scan3A_45 = scf.for %scan3A_48 = %scan3A_41 to %scan3A_43 step %scan3A_44 iter_args(%scan3A_49 = %scan3A_40) -> (i32)  : i32 {
          %mul3A_50 = arith.constant 16 : i32
          %mul3A_51 = arith.muli %scan3A_48, %mul3A_50 : i32
          %get3A = arith.constant 3 : i32
          %get3A_52 = arith.index_cast %scan3A_38 : i32 to index
          %get3A_53 = arith.index_cast %get3A : i32 to index
          %get3A_54 = arith.index_cast %mul3A_51 : i32 to index
          %get3A_55 = tpu.vector_load %arg9[%get3A_52, %get3A_53, %get3A_54] {strides = array<i32>} : memref<56x4x128xi32, #tpu.memory_space<vmem>>, vector<16xi32>,
          %gather3A = tpu.vector_load_idx %arg8[%get3A_55] : memref<50176xf32, #tpu.memory_space<vmem>>[vector<16xi32>], vector<16xf32>,
          %mul3A_56 = arith.constant 16 : i32
          %mul3A_57 = arith.muli %scan3A_48, %mul3A_56 : i32
          %get3A_58 = arith.constant 1 : i32
          %get3A_59 = arith.index_cast %scan3A_38 : i32 to index
          %get3A_60 = arith.index_cast %get3A_58 : i32 to index
          %get3A_61 = arith.index_cast %mul3A_57 : i32 to index
          %get3A_62 = tpu.vector_load %arg9[%get3A_59, %get3A_60, %get3A_61] {strides = array<i32>} : memref<56x4x128xi32, #tpu.memory_space<vmem>>, vector<16xi32>,
          %sub3A = vector.broadcast %mul3A_11 : i32 to vector<16xi32>
          %sub3A_63 = arith.subi %get3A_62, %sub3A : vector<16xi32>
          %ge3A = arith.constant 0 : i32
          %ge3A_64 = vector.broadcast %ge3A : i32 to vector<16xi32>
          %ge3A_65 = arith.cmpi sge, %sub3A_63, %ge3A_64 : vector<16xi32>
          %lt3A_66 = arith.constant 25088 : i32
          %lt3A_67 = vector.broadcast %lt3A_66 : i32 to vector<16xi32>
          %lt3A_68 = arith.cmpi slt, %sub3A_63, %lt3A_67 : vector<16xi32>
          %and3A = arith.andi %ge3A_65, %lt3A_68 : vector<16xi1>
          %shift_right_logical3A = arith.constant 7 : i32
          %shift_right_logical3A_69 = vector.broadcast %shift_right_logical3A : i32 to vector<16xi32>
          %shift_right_logical3A_70 = arith.shrui %sub3A_63, %shift_right_logical3A_69 : vector<16xi32>
          %jit3A = arith.constant 196 : i32
          %broadcast_in_dim3A_71 = vector.broadcast %jit3A : i32 to vector<16xi32>
          %select_n3A = arith.select %and3A, %shift_right_logical3A_70, %broadcast_in_dim3A_71 : vector<16xi1>, vector<16xi32>
          %and3A_72 = arith.constant 127 : i32
          %and3A_73 = vector.broadcast %and3A_72 : i32 to vector<16xi32>
          %and3A_74 = arith.andi %sub3A_63, %and3A_73 : vector<16xi32>
          tpu.vector_store_idx %arg10[%select_n3A, %and3A_74], %gather3A {add = true} : memref<197x128xf32, #tpu.memory_space<vmem>>[vector<16xi32>, vector<16xi32>], vector<16xf32>,
          %scan3A_75 = arith.constant 0 : i32
          scf.yield %scan3A_75 : i32
        }
        %scan3A_46 = arith.constant 8 : i32
        %scan3A_47 = arith.constant 0 : i32
        scf.yield %scan3A_47 : i32
      }
      %scan3A_36 = arith.constant 56 : i32
      %scan3A_37 = arith.constant 0 : i32
      scf.yield %scan3A_37 : i32
    }
    %scan3A_18 = arith.constant 7 : i32
    %run_scoped3A = arith.constant 0 : i32
    "tpu.region"() ({
      %run_scoped3A_26 = tpu.sem_alloc : memref<!tpu.dma_semaphore, #tpu.memory_space<semaphore_mem>>
      %dma_start3A = arith.constant 0 : i32
      %dma_start3A_27 = arith.constant 0 : i32
      %dma_start3A_28 = tpu.memref_slice %arg10[%dma_start3A, %dma_start3A_27] : memref<197x128xf32, #tpu.memory_space<vmem>> -> memref<98x128xf32, #tpu.memory_space<vmem>>
      %dma_start3A_29 = arith.constant 0 : i32
      %dma_start3A_30 = tpu.memref_slice %arg13[%run_scoped3A, %dma_start3A_29] : memref<2x98xi32, #tpu.memory_space<vmem>> -> memref<1x98xi32, #tpu.memory_space<vmem>>
      %dma_start3A_31 = tpu.memref_squeeze %dma_start3A_30 : memref<1x98xi32, #tpu.memory_space<vmem>> -> memref<98xi32, #tpu.memory_space<vmem>>
      %dma_start3A_32 = arith.constant 0 : i32
      %dma_start3A_33 = arith.constant 0 : i32
      %dma_start3A_34 = tpu.memref_slice %arg14[%dma_start3A_32, %dma_start3A_33] : memref<197x128xf32, #tpu.memory_space<vmem_shared>> -> memref<197x128xf32, #tpu.memory_space<vmem_shared>>
      tpu.enqueue_indirect_dma source(%dma_start3A_28 : memref<98x128xf32, #tpu.memory_space<vmem>>) target(%dma_start3A_34 : memref<197x128xf32, #tpu.memory_space<vmem_shared>>) offsets(%dma_start3A_31 : memref<98xi32, #tpu.memory_space<vmem>>) semaphore(%run_scoped3A_26 : memref<!tpu.dma_semaphore, #tpu.memory_space<semaphore_mem>>) {add = true}
      %dma_wait3A = arith.constant 0 : i32
      %dma_wait3A_35 = arith.constant 0 : i32
      %dma_wait3A_36 = tpu.memref_slice %arg10[%dma_wait3A, %dma_wait3A_35] : memref<197x128xf32, #tpu.memory_space<vmem>> -> memref<98x128xf32, #tpu.memory_space<vmem>>
      %dma_wait3A_37 = arith.constant 0 : i32
      %dma_wait3A_38 = tpu.memref_slice %arg13[%run_scoped3A, %dma_wait3A_37] : memref<2x98xi32, #tpu.memory_space<vmem>> -> memref<1x98xi32, #tpu.memory_space<vmem>>
      %dma_wait3A_39 = tpu.memref_squeeze %dma_wait3A_38 : memref<1x98xi32, #tpu.memory_space<vmem>> -> memref<98xi32, #tpu.memory_space<vmem>>
      %dma_wait3A_40 = arith.constant 0 : i32
      %dma_wait3A_41 = arith.constant 0 : i32
      %dma_wait3A_42 = tpu.memref_slice %arg14[%dma_wait3A_40, %dma_wait3A_41] : memref<197x128xf32, #tpu.memory_space<vmem_shared>> -> memref<197x128xf32, #tpu.memory_space<vmem_shared>>
      tpu.wait_indirect_dma semaphore(%run_scoped3A_26 : memref<!tpu.dma_semaphore, #tpu.memory_space<semaphore_mem>>) src(%dma_wait3A_36 : memref<98x128xf32, #tpu.memory_space<vmem>>) dst(%dma_wait3A_42 : memref<197x128xf32, #tpu.memory_space<vmem_shared>>)
      tpu.yield
    }) : () -> ()
    %run_scoped3A_19 = arith.constant 1 : i32
    "tpu.region"() ({
      %run_scoped3A_26 = tpu.sem_alloc : memref<!tpu.dma_semaphore, #tpu.memory_space<semaphore_mem>>
      %dma_start3A = arith.constant 98 : i32
      %dma_start3A_27 = arith.constant 0 : i32
      %dma_start3A_28 = tpu.memref_slice %arg10[%dma_start3A, %dma_start3A_27] : memref<197x128xf32, #tpu.memory_space<vmem>> -> memref<98x128xf32, #tpu.memory_space<vmem>>
      %dma_start3A_29 = arith.constant 0 : i32
      %dma_start3A_30 = tpu.memref_slice %arg13[%run_scoped3A_19, %dma_start3A_29] : memref<2x98xi32, #tpu.memory_space<vmem>> -> memref<1x98xi32, #tpu.memory_space<vmem>>
      %dma_start3A_31 = tpu.memref_squeeze %dma_start3A_30 : memref<1x98xi32, #tpu.memory_space<vmem>> -> memref<98xi32, #tpu.memory_space<vmem>>
      %dma_start3A_32 = arith.constant 0 : i32
      %dma_start3A_33 = arith.constant 0 : i32
      %dma_start3A_34 = tpu.memref_slice %arg14[%dma_start3A_32, %dma_start3A_33] : memref<197x128xf32, #tpu.memory_space<vmem_shared>> -> memref<197x128xf32, #tpu.memory_space<vmem_shared>>
      tpu.enqueue_indirect_dma source(%dma_start3A_28 : memref<98x128xf32, #tpu.memory_space<vmem>>) target(%dma_start3A_34 : memref<197x128xf32, #tpu.memory_space<vmem_shared>>) offsets(%dma_start3A_31 : memref<98xi32, #tpu.memory_space<vmem>>) semaphore(%run_scoped3A_26 : memref<!tpu.dma_semaphore, #tpu.memory_space<semaphore_mem>>) {add = true}
      %dma_wait3A = arith.constant 98 : i32
      %dma_wait3A_35 = arith.constant 0 : i32
      %dma_wait3A_36 = tpu.memref_slice %arg10[%dma_wait3A, %dma_wait3A_35] : memref<197x128xf32, #tpu.memory_space<vmem>> -> memref<98x128xf32, #tpu.memory_space<vmem>>
      %dma_wait3A_37 = arith.constant 0 : i32
      %dma_wait3A_38 = tpu.memref_slice %arg13[%run_scoped3A_19, %dma_wait3A_37] : memref<2x98xi32, #tpu.memory_space<vmem>> -> memref<1x98xi32, #tpu.memory_space<vmem>>
      %dma_wait3A_39 = tpu.memref_squeeze %dma_wait3A_38 : memref<1x98xi32, #tpu.memory_space<vmem>> -> memref<98xi32, #tpu.memory_space<vmem>>
      %dma_wait3A_40 = arith.constant 0 : i32
      %dma_wait3A_41 = arith.constant 0 : i32
      %dma_wait3A_42 = tpu.memref_slice %arg14[%dma_wait3A_40, %dma_wait3A_41] : memref<197x128xf32, #tpu.memory_space<vmem_shared>> -> memref<197x128xf32, #tpu.memory_space<vmem_shared>>
      tpu.wait_indirect_dma semaphore(%run_scoped3A_26 : memref<!tpu.dma_semaphore, #tpu.memory_space<semaphore_mem>>) src(%dma_wait3A_36 : memref<98x128xf32, #tpu.memory_space<vmem>>) dst(%dma_wait3A_42 : memref<197x128xf32, #tpu.memory_space<vmem_shared>>)
      tpu.yield
    }) : () -> ()
    %barrier3A_20 = arith.constant 0 : index
    tpu.barrier barrier_id(%barrier3A_20)
    %lt3A_21 = arith.constant 14 : i32
    %lt3A_22 = arith.cmpi slt, %arg1, %lt3A_21 : i32
    %convert_element_type3A_23 = arith.extui %lt3A_22 : i1 to i32
    %cond3A_24 = arith.constant 0 : i32
    %cond3A_25 = arith.cmpi ne, %convert_element_type3A_23, %cond3A_24 : i32
    scf.if %cond3A_25 {
      %mul3A_26 = arith.constant 196 : i32
      %mul3A_27 = arith.muli %arg0, %mul3A_26 : i32
      %mul3A_28 = arith.constant 14 : i32
      %mul3A_29 = arith.muli %arg1, %mul3A_28 : i32
      %add3A = arith.addi %mul3A_27, %mul3A_29 : i32
      %mul3A_30 = arith.constant 14 : i32
      %mul3A_31 = arith.muli %arg1, %mul3A_30 : i32
      "tpu.region"() ({
        %run_scoped3A_39 = tpu.sem_alloc : memref<!tpu.dma_semaphore, #tpu.memory_space<semaphore_mem>>
        %dma_start3A = arith.constant 0 : i32
        %dma_start3A_40 = tpu.memref_slice %arg14[%mul3A_31, %dma_start3A] : memref<197x128xf32, #tpu.memory_space<vmem_shared>> -> memref<14x128xf32, #tpu.memory_space<vmem_shared>>
        %dma_start3A_41 = arith.constant 0 : i32
        %dma_start3A_42 = tpu.memref_slice %arg14[%mul3A_31, %dma_start3A_41] : memref<197x128xf32, #tpu.memory_space<vmem_shared>> -> memref<14x128xf32, #tpu.memory_space<vmem_shared>>
        tpu.enqueue_dma source(%dma_start3A_42 : memref<14x128xf32, #tpu.memory_space<vmem_shared>>) target(%arg11 : memref<14x128xf32, #tpu.memory_space<vmem>>) target_semaphore(%run_scoped3A_39 : memref<!tpu.dma_semaphore, #tpu.memory_space<semaphore_mem>>)
        %dma_wait3A = arith.constant 0 : i32
        %dma_wait3A_43 = tpu.memref_slice %arg14[%mul3A_31, %dma_wait3A] : memref<197x128xf32, #tpu.memory_space<vmem_shared>> -> memref<14x128xf32, #tpu.memory_space<vmem_shared>>
        %dma_wait3A_44 = arith.constant 0 : i32
        %dma_wait3A_45 = tpu.memref_slice %arg14[%mul3A_31, %dma_wait3A_44] : memref<197x128xf32, #tpu.memory_space<vmem_shared>> -> memref<14x128xf32, #tpu.memory_space<vmem_shared>>
        tpu.wait_dma2 semaphore(%run_scoped3A_39 : memref<!tpu.dma_semaphore, #tpu.memory_space<semaphore_mem>>) src(%dma_wait3A_45 : memref<14x128xf32, #tpu.memory_space<vmem_shared>>) dst(%arg11 : memref<14x128xf32, #tpu.memory_space<vmem>>)
        tpu.yield
      }) : () -> ()
      "tpu.region"() ({
        %run_scoped3A_39 = tpu.sem_alloc : memref<!tpu.dma_semaphore, #tpu.memory_space<semaphore_mem>>
        %dma_start3A = arith.constant 0 : i32
        %dma_start3A_40 = tpu.memref_slice %arg4[%add3A, %dma_start3A] : memref<392x128xf32, #tpu.memory_space<hbm>> -> memref<14x128xf32, #tpu.memory_space<hbm>>
        %dma_start3A_41 = arith.constant 0 : i32
        %dma_start3A_42 = tpu.memref_slice %arg4[%add3A, %dma_start3A_41] : memref<392x128xf32, #tpu.memory_space<hbm>> -> memref<14x128xf32, #tpu.memory_space<hbm>>
        tpu.enqueue_dma source(%dma_start3A_42 : memref<14x128xf32, #tpu.memory_space<hbm>>) target(%arg12 : memref<14x128xf32, #tpu.memory_space<vmem>>) target_semaphore(%run_scoped3A_39 : memref<!tpu.dma_semaphore, #tpu.memory_space<semaphore_mem>>)
        %dma_wait3A = arith.constant 0 : i32
        %dma_wait3A_43 = tpu.memref_slice %arg4[%add3A, %dma_wait3A] : memref<392x128xf32, #tpu.memory_space<hbm>> -> memref<14x128xf32, #tpu.memory_space<hbm>>
        %dma_wait3A_44 = arith.constant 0 : i32
        %dma_wait3A_45 = tpu.memref_slice %arg4[%add3A, %dma_wait3A_44] : memref<392x128xf32, #tpu.memory_space<hbm>> -> memref<14x128xf32, #tpu.memory_space<hbm>>
        tpu.wait_dma2 semaphore(%run_scoped3A_39 : memref<!tpu.dma_semaphore, #tpu.memory_space<semaphore_mem>>) src(%dma_wait3A_45 : memref<14x128xf32, #tpu.memory_space<hbm>>) dst(%arg12 : memref<14x128xf32, #tpu.memory_space<vmem>>)
        tpu.yield
      }) : () -> ()
      %scan3A_32 = arith.constant 0 : i32
      %scan3A_33 = arith.constant 0 : i32
      %scan3A_34 = arith.constant 112 : i32
      %scan3A_35 = arith.addi %scan3A_33, %scan3A_34 : i32
      %scan3A_36 = arith.constant 1 : i32
      %scan3A_37 = scf.for %scan3A_39 = %scan3A_33 to %scan3A_35 step %scan3A_36 iter_args(%scan3A_40 = %scan3A_32) -> (i32)  : i32 {
        %jit3A = arith.constant 8 : i32
        %div3A = arith.divsi %scan3A_39, %jit3A : i32
        %sign3A = arith.constant 0 : i32
        %sign3A_41 = arith.cmpi sgt, %scan3A_39, %sign3A : i32
        %sign3A_42 = arith.extui %sign3A_41 : i1 to i32
        %sign3A_43 = arith.constant 0 : i32
        %sign3A_44 = arith.cmpi slt, %scan3A_39, %sign3A_43 : i32
        %sign3A_45 = arith.extui %sign3A_44 : i1 to i32
        %sign3A_46 = arith.subi %sign3A_42, %sign3A_45 : i32
        %sign3A_47 = arith.constant 0 : i32
        %sign3A_48 = arith.cmpi sgt, %jit3A, %sign3A_47 : i32
        %sign3A_49 = arith.extui %sign3A_48 : i1 to i32
        %sign3A_50 = arith.constant 0 : i32
        %sign3A_51 = arith.cmpi slt, %jit3A, %sign3A_50 : i32
        %sign3A_52 = arith.extui %sign3A_51 : i1 to i32
        %sign3A_53 = arith.subi %sign3A_49, %sign3A_52 : i32
        %ne3A = arith.cmpi ne, %sign3A_46, %sign3A_53 : i32
        %rem3A = arith.remsi %scan3A_39, %jit3A : i32
        %ne3A_54 = arith.constant 0 : i32
        %ne3A_55 = arith.cmpi ne, %rem3A, %ne3A_54 : i32
        %and3A = arith.andi %ne3A, %ne3A_55 : i1
        %sub3A = arith.constant 1 : i32
        %sub3A_56 = arith.subi %div3A, %sub3A : i32
        %select_n3A = arith.select %and3A, %sub3A_56, %div3A : i32
        %mul3A_57 = arith.constant 8 : i32
        %mul3A_58 = arith.muli %select_n3A, %mul3A_57 : i32
        %sub3A_59 = arith.subi %scan3A_39, %mul3A_58 : i32
        %mul3A_60 = arith.constant 16 : i32
        %mul3A_61 = arith.muli %sub3A_59, %mul3A_60 : i32
        %get3A = arith.index_cast %select_n3A : i32 to index
        %get3A_62 = arith.index_cast %mul3A_61 : i32 to index
        %get3A_63 = tpu.vector_load %arg11[%get3A, %get3A_62] {strides = array<i32>} : memref<14x128xf32, #tpu.memory_space<vmem>>, vector<16xf32>,
        %sub3A_64 = arith.constant 1.000000e+00 : f32
        %sub3A_65 = vector.broadcast %sub3A_64 : f32 to vector<16xf32>
        %sub3A_66 = arith.subf %get3A_63, %sub3A_65 : vector<16xf32>
        %mul3A_67 = arith.mulf %sub3A_66, %sub3A_66 : vector<16xf32>
        %mul3A_68 = arith.constant 16 : i32
        %mul3A_69 = arith.muli %sub3A_59, %mul3A_68 : i32
        %get3A_70 = arith.index_cast %select_n3A : i32 to index
        %get3A_71 = arith.index_cast %mul3A_69 : i32 to index
        %get3A_72 = tpu.vector_load %arg12[%get3A_70, %get3A_71] {strides = array<i32>} : memref<14x128xf32, #tpu.memory_space<vmem>>, vector<16xf32>,
        %mul3A_73 = arith.mulf %mul3A_67, %get3A_72 : vector<16xf32>
        %mul3A_74 = arith.constant 16 : i32
        %mul3A_75 = arith.muli %sub3A_59, %mul3A_74 : i32
        %swap3A = arith.index_cast %select_n3A : i32 to index
        %swap3A_76 = arith.index_cast %mul3A_75 : i32 to index
        %swap3A_77 = tpu.vector_load %arg11[%swap3A, %swap3A_76] {strides = array<i32>} : memref<14x128xf32, #tpu.memory_space<vmem>>, vector<16xf32>,
        tpu.vector_store %arg11[%swap3A, %swap3A_76], %mul3A_73 {strides = array<i32>} : memref<14x128xf32, #tpu.memory_space<vmem>>, vector<16xf32>,
        %scan3A_78 = arith.constant 0 : i32
        scf.yield %scan3A_78 : i32
      }
      %scan3A_38 = arith.constant 112 : i32
      "tpu.region"() ({
        %run_scoped3A_39 = tpu.sem_alloc : memref<!tpu.dma_semaphore, #tpu.memory_space<semaphore_mem>>
        %dma_start3A = arith.constant 0 : i32
        %dma_start3A_40 = tpu.memref_slice %arg7[%add3A, %dma_start3A] : memref<392x128xf32, #tpu.memory_space<hbm>> -> memref<14x128xf32, #tpu.memory_space<hbm>>
        %dma_start3A_41 = arith.constant 0 : i32
        %dma_start3A_42 = tpu.memref_slice %arg7[%add3A, %dma_start3A_41] : memref<392x128xf32, #tpu.memory_space<hbm>> -> memref<14x128xf32, #tpu.memory_space<hbm>>
        tpu.enqueue_dma source(%arg11 : memref<14x128xf32, #tpu.memory_space<vmem>>) target(%dma_start3A_42 : memref<14x128xf32, #tpu.memory_space<hbm>>) target_semaphore(%run_scoped3A_39 : memref<!tpu.dma_semaphore, #tpu.memory_space<semaphore_mem>>)
        %dma_wait3A = arith.constant 0 : i32
        %dma_wait3A_43 = tpu.memref_slice %arg7[%add3A, %dma_wait3A] : memref<392x128xf32, #tpu.memory_space<hbm>> -> memref<14x128xf32, #tpu.memory_space<hbm>>
        %dma_wait3A_44 = arith.constant 0 : i32
        %dma_wait3A_45 = tpu.memref_slice %arg7[%add3A, %dma_wait3A_44] : memref<392x128xf32, #tpu.memory_space<hbm>> -> memref<14x128xf32, #tpu.memory_space<hbm>>
        tpu.wait_dma2 semaphore(%run_scoped3A_39 : memref<!tpu.dma_semaphore, #tpu.memory_space<semaphore_mem>>) src(%arg11 : memref<14x128xf32, #tpu.memory_space<vmem>>) dst(%dma_wait3A_45 : memref<14x128xf32, #tpu.memory_space<hbm>>)
        tpu.yield
      }) : () -> ()
    } else {
    }
    return
  }
}

module attributes {stable_mosaic.version = 14 : i64} {
  func.func @_gidx_body(%arg0: i32, %arg1: memref<784x128xi32, #tpu.memory_space<vmem>>, %arg2: memref<784x128xi32, #tpu.memory_space<vmem>>, %arg3: memref<784x128xi32, #tpu.memory_space<vmem>>, %arg4: memref<784x128xi32, #tpu.memory_space<vmem>>, %arg5: memref<784x4x128xi32, #tpu.memory_space<vmem>>) attributes {dimension_semantics = [#tpu.dimension_semantics<arbitrary>], iteration_bounds = array<i64: 8>, scalar_prefetch = 0 : i64, scratch_operands = 0 : i64, tpu.core_type = #tpu.core_type<tc>, window_params = [{transform_indices = @transform_0, window_bounds = array<i64: 784, 128>}, {transform_indices = @transform_1, window_bounds = array<i64: 784, 128>}, {transform_indices = @transform_2, window_bounds = array<i64: 784, 128>}, {transform_indices = @transform_3, window_bounds = array<i64: 784, 128>}, {transform_indices = @transform_4, window_bounds = array<i64: 784, 4, 128>}]} {
    %get3A = arith.constant 0 : index
    %get3A_0 = arith.constant 0 : index
    %get3A_1 = vector.load %arg2[%get3A, %get3A_0] : memref<784x128xi32, #tpu.memory_space<vmem>>, vector<784x128xi32>
    %mul3A = arith.constant 50176 : i32
    %mul3A_2 = vector.broadcast %mul3A : i32 to vector<784x128xi32>
    %mul3A_3 = arith.muli %get3A_1, %mul3A_2 : vector<784x128xi32>
    %get3A_4 = arith.constant 0 : index
    %get3A_5 = arith.constant 0 : index
    %get3A_6 = vector.load %arg1[%get3A_4, %get3A_5] : memref<784x128xi32, #tpu.memory_space<vmem>>, vector<784x128xi32>
    %add3A = arith.addi %mul3A_3, %get3A_6 : vector<784x128xi32>
    %swap3A = arith.constant 0 : index
    %swap3A_7 = arith.constant 0 : index
    %swap3A_8 = arith.constant 0 : index
    %swap3A_9 = vector.load %arg5[%swap3A, %swap3A_7, %swap3A_8] : memref<784x4x128xi32, #tpu.memory_space<vmem>>, vector<784x1x128xi32>
    %swap3A_10 = vector.shape_cast %swap3A_9 : vector<784x1x128xi32> to vector<784x128xi32>
    %swap3A_11 = vector.shape_cast %add3A : vector<784x128xi32> to vector<784x1x128xi32>
    tpu.vector_store %arg5[%swap3A, %swap3A_7, %swap3A_8], %swap3A_11 {strides = array<i32>} : memref<784x4x128xi32, #tpu.memory_space<vmem>>, vector<784x1x128xi32>,
    %get3A_12 = arith.constant 0 : index
    %get3A_13 = arith.constant 0 : index
    %get3A_14 = vector.load %arg3[%get3A_12, %get3A_13] : memref<784x128xi32, #tpu.memory_space<vmem>>, vector<784x128xi32>
    %swap3A_15 = arith.constant 0 : index
    %swap3A_16 = arith.constant 1 : index
    %swap3A_17 = arith.constant 0 : index
    %swap3A_18 = vector.load %arg5[%swap3A_15, %swap3A_16, %swap3A_17] : memref<784x4x128xi32, #tpu.memory_space<vmem>>, vector<784x1x128xi32>
    %swap3A_19 = vector.shape_cast %swap3A_18 : vector<784x1x128xi32> to vector<784x128xi32>
    %swap3A_20 = vector.shape_cast %get3A_14 : vector<784x128xi32> to vector<784x1x128xi32>
    tpu.vector_store %arg5[%swap3A_15, %swap3A_16, %swap3A_17], %swap3A_20 {strides = array<i32>} : memref<784x4x128xi32, #tpu.memory_space<vmem>>, vector<784x1x128xi32>,
    %get3A_21 = arith.constant 0 : index
    %get3A_22 = arith.constant 0 : index
    %get3A_23 = vector.load %arg4[%get3A_21, %get3A_22] : memref<784x128xi32, #tpu.memory_space<vmem>>, vector<784x128xi32>
    %swap3A_24 = arith.constant 0 : index
    %swap3A_25 = arith.constant 2 : index
    %swap3A_26 = arith.constant 0 : index
    %swap3A_27 = vector.load %arg5[%swap3A_24, %swap3A_25, %swap3A_26] : memref<784x4x128xi32, #tpu.memory_space<vmem>>, vector<784x1x128xi32>
    %swap3A_28 = vector.shape_cast %swap3A_27 : vector<784x1x128xi32> to vector<784x128xi32>
    %swap3A_29 = vector.shape_cast %get3A_23 : vector<784x128xi32> to vector<784x1x128xi32>
    tpu.vector_store %arg5[%swap3A_24, %swap3A_25, %swap3A_26], %swap3A_29 {strides = array<i32>} : memref<784x4x128xi32, #tpu.memory_space<vmem>>, vector<784x1x128xi32>,
    %get3A_30 = arith.constant 0 : index
    %get3A_31 = arith.constant 0 : index
    %get3A_32 = vector.load %arg1[%get3A_30, %get3A_31] : memref<784x128xi32, #tpu.memory_space<vmem>>, vector<784x128xi32>
    %swap3A_33 = arith.constant 0 : index
    %swap3A_34 = arith.constant 3 : index
    %swap3A_35 = arith.constant 0 : index
    %swap3A_36 = vector.load %arg5[%swap3A_33, %swap3A_34, %swap3A_35] : memref<784x4x128xi32, #tpu.memory_space<vmem>>, vector<784x1x128xi32>
    %swap3A_37 = vector.shape_cast %swap3A_36 : vector<784x1x128xi32> to vector<784x128xi32>
    %swap3A_38 = vector.shape_cast %get3A_32 : vector<784x128xi32> to vector<784x1x128xi32>
    tpu.vector_store %arg5[%swap3A_33, %swap3A_34, %swap3A_35], %swap3A_38 {strides = array<i32>} : memref<784x4x128xi32, #tpu.memory_space<vmem>>, vector<784x1x128xi32>,
    return
  }
  func.func @transform_0(%arg0: i32) -> (i32, i32) {
    %c0_i32 = arith.constant 0 : i32
    %c0_i32_0 = arith.constant 0 : i32
    return %arg0, %c0_i32 : i32, i32
  }
  func.func @transform_1(%arg0: i32) -> (i32, i32) {
    %c0_i32 = arith.constant 0 : i32
    %c0_i32_0 = arith.constant 0 : i32
    return %arg0, %c0_i32 : i32, i32
  }
  func.func @transform_2(%arg0: i32) -> (i32, i32) {
    %c0_i32 = arith.constant 0 : i32
    %c0_i32_0 = arith.constant 0 : i32
    return %arg0, %c0_i32 : i32, i32
  }
  func.func @transform_3(%arg0: i32) -> (i32, i32) {
    %c0_i32 = arith.constant 0 : i32
    %c0_i32_0 = arith.constant 0 : i32
    return %arg0, %c0_i32 : i32, i32
  }
  func.func @transform_4(%arg0: i32) -> (i32, i32, i32) {
    %c0_i32 = arith.constant 0 : i32
    %c0_i32_0 = arith.constant 0 : i32
    %c0_i32_1 = arith.constant 0 : i32
    return %arg0, %c0_i32, %c0_i32_0 : i32, i32, i32
  }
}

module attributes {stable_mosaic.version = 14 : i64} {
  func.func @_dense_body(%arg0: i32, %arg1: memref<256x8xf32, #tpu.memory_space<vmem>>, %arg2: memref<256x4xf32, #tpu.memory_space<vmem>>, %arg3: memref<8x256xf32, #tpu.memory_space<vmem>>, %arg4: memref<1x256xf32, #tpu.memory_space<vmem>>, %arg5: memref<4x256xf32, #tpu.memory_space<vmem>>, %arg6: memref<2x256x256xf32, #tpu.memory_space<vmem>>, %arg7: memref<8x256x128xf32, #tpu.memory_space<vmem>>, %arg8: memref<8x256x128xf32, #tpu.memory_space<vmem>>, %arg9: memref<8x256x128xf32, #tpu.memory_space<vmem>>, %arg10: memref<8x256x128xf32, #tpu.memory_space<vmem>>) attributes {dimension_semantics = [#tpu.dimension_semantics<arbitrary>], iteration_bounds = array<i64: 49>, scalar_prefetch = 0 : i64, scratch_operands = 0 : i64, tpu.core_type = #tpu.core_type<tc>, window_params = [{transform_indices = @transform_0, window_bounds = array<i64: 256, 8>}, {transform_indices = @transform_1, window_bounds = array<i64: 256, 4>}, {pipeline_mode = #tpu.pipeline_mode<synchronous>, transform_indices = @transform_2, window_bounds = array<i64: 8, 256>}, {pipeline_mode = #tpu.pipeline_mode<synchronous>, transform_indices = @transform_3, window_bounds = array<i64: 1, 256>}, {pipeline_mode = #tpu.pipeline_mode<synchronous>, transform_indices = @transform_4, window_bounds = array<i64: 4, 256>}, {pipeline_mode = #tpu.pipeline_mode<synchronous>, transform_indices = @transform_5, window_bounds = array<i64: 2, 256, 256>}, {pipeline_mode = #tpu.pipeline_mode<synchronous>, transform_indices = @transform_6, window_bounds = array<i64: 8, 256, 128>}, {pipeline_mode = #tpu.pipeline_mode<synchronous>, transform_indices = @transform_7, window_bounds = array<i64: 8, 256, 128>}, {transform_indices = @transform_8, window_bounds = array<i64: 8, 256, 128>}, {transform_indices = @transform_9, window_bounds = array<i64: 8, 256, 128>}]} {
    %get3A = arith.constant 0 : index
    %get3A_0 = arith.constant 0 : index
    %get3A_1 = vector.load %arg1[%get3A, %get3A_0] : memref<256x8xf32, #tpu.memory_space<vmem>>, vector<256x8xf32>
    %get3A_2 = arith.constant 0 : index
    %get3A_3 = arith.constant 0 : index
    %get3A_4 = vector.load %arg3[%get3A_2, %get3A_3] : memref<8x256xf32, #tpu.memory_space<vmem>>, vector<8x256xf32>
    %dot_general3A = arith.constant dense<0.000000e+00> : vector<256x256xf32>
    %dot_general3A_5 = tpu.matmul %get3A_1, %get3A_4, %dot_general3A {dimension_numbers = #tpu.dot_dimension_numbers<[1], [0], [0], [1], [0, 0, 1, 1], [], []>, transpose_lhs_hint = false} : vector<256x8xf32>, vector<8x256xf32>, vector<256x256xf32> -> vector<256x256xf32>
    %get3A_6 = arith.constant 0 : index
    %get3A_7 = arith.constant 0 : index
    %get3A_8 = vector.load %arg4[%get3A_6, %get3A_7] : memref<1x256xf32, #tpu.memory_space<vmem>>, vector<1x256xf32>
    %add3A = vector.broadcast %get3A_8 : vector<1x256xf32> to vector<256x256xf32>
    %add3A_9 = arith.addf %dot_general3A_5, %add3A : vector<256x256xf32>
    %get3A_10 = arith.constant 0 : index
    %get3A_11 = arith.constant 0 : index
    %get3A_12 = vector.load %arg2[%get3A_10, %get3A_11] : memref<256x4xf32, #tpu.memory_space<vmem>>, vector<256x4xf32>
    %get3A_13 = arith.constant 0 : index
    %get3A_14 = arith.constant 0 : index
    %get3A_15 = vector.load %arg5[%get3A_13, %get3A_14] : memref<4x256xf32, #tpu.memory_space<vmem>>, vector<4x256xf32>
    %dot_general3A_16 = arith.constant dense<0.000000e+00> : vector<256x256xf32>
    %dot_general3A_17 = tpu.matmul %get3A_12, %get3A_15, %dot_general3A_16 {dimension_numbers = #tpu.dot_dimension_numbers<[1], [0], [0], [1], [0, 0, 1, 1], [], []>, transpose_lhs_hint = false} : vector<256x4xf32>, vector<4x256xf32>, vector<256x256xf32> -> vector<256x256xf32>
    %mul3A = arith.mulf %add3A_9, %dot_general3A_17 : vector<256x256xf32>
    %sub3A = arith.subf %add3A_9, %mul3A : vector<256x256xf32>
    %get3A_18 = arith.constant 0 : index
    %get3A_19 = arith.constant 0 : index
    %get3A_20 = arith.constant 0 : index
    %get3A_21 = vector.load %arg6[%get3A_18, %get3A_19, %get3A_20] : memref<2x256x256xf32, #tpu.memory_space<vmem>>, vector<1x256x256xf32>
    %get3A_22 = vector.shape_cast %get3A_21 : vector<1x256x256xf32> to vector<256x256xf32>
    %dot_general3A_23 = arith.constant dense<0.000000e+00> : vector<256x256xf32>
    %dot_general3A_24 = tpu.matmul %sub3A, %get3A_22, %dot_general3A_23 {dimension_numbers = #tpu.dot_dimension_numbers<[1], [0], [0], [1], [0, 0, 1, 1], [], []>, transpose_lhs_hint = false} : vector<256x256xf32>, vector<256x256xf32>, vector<256x256xf32> -> vector<256x256xf32>
    %get3A_25 = arith.constant 1 : index
    %get3A_26 = arith.constant 0 : index
    %get3A_27 = arith.constant 0 : index
    %get3A_28 = vector.load %arg6[%get3A_25, %get3A_26, %get3A_27] : memref<2x256x256xf32, #tpu.memory_space<vmem>>, vector<1x256x256xf32>
    %get3A_29 = vector.shape_cast %get3A_28 : vector<1x256x256xf32> to vector<256x256xf32>
    %dot_general3A_30 = arith.constant dense<0.000000e+00> : vector<256x256xf32>
    %dot_general3A_31 = tpu.matmul %mul3A, %get3A_29, %dot_general3A_30 {dimension_numbers = #tpu.dot_dimension_numbers<[1], [0], [0], [1], [0, 0, 1, 1], [], []>, transpose_lhs_hint = false} : vector<256x256xf32>, vector<256x256xf32>, vector<256x256xf32> -> vector<256x256xf32>
    %add3A_32 = arith.addf %dot_general3A_24, %dot_general3A_31 : vector<256x256xf32>
    %get3A_33 = arith.constant 0 : index
    %get3A_34 = arith.constant 0 : index
    %get3A_35 = arith.constant 0 : index
    %get3A_36 = vector.load %arg7[%get3A_33, %get3A_34, %get3A_35] : memref<8x256x128xf32, #tpu.memory_space<vmem>>, vector<1x256x128xf32>
    %get3A_37 = vector.shape_cast %get3A_36 : vector<1x256x128xf32> to vector<256x128xf32>
    %dot_general3A_38 = arith.constant dense<0.000000e+00> : vector<256x128xf32>
    %dot_general3A_39 = tpu.matmul %add3A_32, %get3A_37, %dot_general3A_38 {dimension_numbers = #tpu.dot_dimension_numbers<[1], [0], [0], [1], [0, 0, 1, 1], [], []>, transpose_lhs_hint = false} : vector<256x256xf32>, vector<256x128xf32>, vector<256x128xf32> -> vector<256x128xf32>
    %swap3A = arith.constant 0 : index
    %swap3A_40 = arith.constant 0 : index
    %swap3A_41 = arith.constant 0 : index
    %swap3A_42 = vector.load %arg9[%swap3A, %swap3A_40, %swap3A_41] : memref<8x256x128xf32, #tpu.memory_space<vmem>>, vector<1x256x128xf32>
    %swap3A_43 = vector.shape_cast %swap3A_42 : vector<1x256x128xf32> to vector<256x128xf32>
    %swap3A_44 = vector.shape_cast %dot_general3A_39 : vector<256x128xf32> to vector<1x256x128xf32>
    tpu.vector_store %arg9[%swap3A, %swap3A_40, %swap3A_41], %swap3A_44 {strides = array<i32>} : memref<8x256x128xf32, #tpu.memory_space<vmem>>, vector<1x256x128xf32>,
    %get3A_45 = arith.constant 0 : index
    %get3A_46 = arith.constant 0 : index
    %get3A_47 = arith.constant 0 : index
    %get3A_48 = vector.load %arg8[%get3A_45, %get3A_46, %get3A_47] : memref<8x256x128xf32, #tpu.memory_space<vmem>>, vector<1x256x128xf32>
    %get3A_49 = vector.shape_cast %get3A_48 : vector<1x256x128xf32> to vector<256x128xf32>
    %dot_general3A_50 = arith.constant dense<0.000000e+00> : vector<256x128xf32>
    %dot_general3A_51 = tpu.matmul %add3A_32, %get3A_49, %dot_general3A_50 {dimension_numbers = #tpu.dot_dimension_numbers<[1], [0], [0], [1], [0, 0, 1, 1], [], []>, transpose_lhs_hint = false} : vector<256x256xf32>, vector<256x128xf32>, vector<256x128xf32> -> vector<256x128xf32>
    %swap3A_52 = arith.constant 0 : index
    %swap3A_53 = arith.constant 0 : index
    %swap3A_54 = arith.constant 0 : index
    %swap3A_55 = vector.load %arg10[%swap3A_52, %swap3A_53, %swap3A_54] : memref<8x256x128xf32, #tpu.memory_space<vmem>>, vector<1x256x128xf32>
    %swap3A_56 = vector.shape_cast %swap3A_55 : vector<1x256x128xf32> to vector<256x128xf32>
    %swap3A_57 = vector.shape_cast %dot_general3A_51 : vector<256x128xf32> to vector<1x256x128xf32>
    tpu.vector_store %arg10[%swap3A_52, %swap3A_53, %swap3A_54], %swap3A_57 {strides = array<i32>} : memref<8x256x128xf32, #tpu.memory_space<vmem>>, vector<1x256x128xf32>,
    %get3A_58 = arith.constant 1 : index
    %get3A_59 = arith.constant 0 : index
    %get3A_60 = arith.constant 0 : index
    %get3A_61 = vector.load %arg7[%get3A_58, %get3A_59, %get3A_60] : memref<8x256x128xf32, #tpu.memory_space<vmem>>, vector<1x256x128xf32>
    %get3A_62 = vector.shape_cast %get3A_61 : vector<1x256x128xf32> to vector<256x128xf32>
    %dot_general3A_63 = arith.constant dense<0.000000e+00> : vector<256x128xf32>
    %dot_general3A_64 = tpu.matmul %add3A_32, %get3A_62, %dot_general3A_63 {dimension_numbers = #tpu.dot_dimension_numbers<[1], [0], [0], [1], [0, 0, 1, 1], [], []>, transpose_lhs_hint = false} : vector<256x256xf32>, vector<256x128xf32>, vector<256x128xf32> -> vector<256x128xf32>
    %swap3A_65 = arith.constant 1 : index
    %swap3A_66 = arith.constant 0 : index
    %swap3A_67 = arith.constant 0 : index
    %swap3A_68 = vector.load %arg9[%swap3A_65, %swap3A_66, %swap3A_67] : memref<8x256x128xf32, #tpu.memory_space<vmem>>, vector<1x256x128xf32>
    %swap3A_69 = vector.shape_cast %swap3A_68 : vector<1x256x128xf32> to vector<256x128xf32>
    %swap3A_70 = vector.shape_cast %dot_general3A_64 : vector<256x128xf32> to vector<1x256x128xf32>
    tpu.vector_store %arg9[%swap3A_65, %swap3A_66, %swap3A_67], %swap3A_70 {strides = array<i32>} : memref<8x256x128xf32, #tpu.memory_space<vmem>>, vector<1x256x128xf32>,
    %get3A_71 = arith.constant 1 : index
    %get3A_72 = arith.constant 0 : index
    %get3A_73 = arith.constant 0 : index
    %get3A_74 = vector.load %arg8[%get3A_71, %get3A_72, %get3A_73] : memref<8x256x128xf32, #tpu.memory_space<vmem>>, vector<1x256x128xf32>
    %get3A_75 = vector.shape_cast %get3A_74 : vector<1x256x128xf32> to vector<256x128xf32>
    %dot_general3A_76 = arith.constant dense<0.000000e+00> : vector<256x128xf32>
    %dot_general3A_77 = tpu.matmul %add3A_32, %get3A_75, %dot_general3A_76 {dimension_numbers = #tpu.dot_dimension_numbers<[1], [0], [0], [1], [0, 0, 1, 1], [], []>, transpose_lhs_hint = false} : vector<256x256xf32>, vector<256x128xf32>, vector<256x128xf32> -> vector<256x128xf32>
    %swap3A_78 = arith.constant 1 : index
    %swap3A_79 = arith.constant 0 : index
    %swap3A_80 = arith.constant 0 : index
    %swap3A_81 = vector.load %arg10[%swap3A_78, %swap3A_79, %swap3A_80] : memref<8x256x128xf32, #tpu.memory_space<vmem>>, vector<1x256x128xf32>
    %swap3A_82 = vector.shape_cast %swap3A_81 : vector<1x256x128xf32> to vector<256x128xf32>
    %swap3A_83 = vector.shape_cast %dot_general3A_77 : vector<256x128xf32> to vector<1x256x128xf32>
    tpu.vector_store %arg10[%swap3A_78, %swap3A_79, %swap3A_80], %swap3A_83 {strides = array<i32>} : memref<8x256x128xf32, #tpu.memory_space<vmem>>, vector<1x256x128xf32>,
    %get3A_84 = arith.constant 2 : index
    %get3A_85 = arith.constant 0 : index
    %get3A_86 = arith.constant 0 : index
    %get3A_87 = vector.load %arg7[%get3A_84, %get3A_85, %get3A_86] : memref<8x256x128xf32, #tpu.memory_space<vmem>>, vector<1x256x128xf32>
    %get3A_88 = vector.shape_cast %get3A_87 : vector<1x256x128xf32> to vector<256x128xf32>
    %dot_general3A_89 = arith.constant dense<0.000000e+00> : vector<256x128xf32>
    %dot_general3A_90 = tpu.matmul %add3A_32, %get3A_88, %dot_general3A_89 {dimension_numbers = #tpu.dot_dimension_numbers<[1], [0], [0], [1], [0, 0, 1, 1], [], []>, transpose_lhs_hint = false} : vector<256x256xf32>, vector<256x128xf32>, vector<256x128xf32> -> vector<256x128xf32>
    %swap3A_91 = arith.constant 2 : index
    %swap3A_92 = arith.constant 0 : index
    %swap3A_93 = arith.constant 0 : index
    %swap3A_94 = vector.load %arg9[%swap3A_91, %swap3A_92, %swap3A_93] : memref<8x256x128xf32, #tpu.memory_space<vmem>>, vector<1x256x128xf32>
    %swap3A_95 = vector.shape_cast %swap3A_94 : vector<1x256x128xf32> to vector<256x128xf32>
    %swap3A_96 = vector.shape_cast %dot_general3A_90 : vector<256x128xf32> to vector<1x256x128xf32>
    tpu.vector_store %arg9[%swap3A_91, %swap3A_92, %swap3A_93], %swap3A_96 {strides = array<i32>} : memref<8x256x128xf32, #tpu.memory_space<vmem>>, vector<1x256x128xf32>,
    %get3A_97 = arith.constant 2 : index
    %get3A_98 = arith.constant 0 : index
    %get3A_99 = arith.constant 0 : index
    %get3A_100 = vector.load %arg8[%get3A_97, %get3A_98, %get3A_99] : memref<8x256x128xf32, #tpu.memory_space<vmem>>, vector<1x256x128xf32>
    %get3A_101 = vector.shape_cast %get3A_100 : vector<1x256x128xf32> to vector<256x128xf32>
    %dot_general3A_102 = arith.constant dense<0.000000e+00> : vector<256x128xf32>
    %dot_general3A_103 = tpu.matmul %add3A_32, %get3A_101, %dot_general3A_102 {dimension_numbers = #tpu.dot_dimension_numbers<[1], [0], [0], [1], [0, 0, 1, 1], [], []>, transpose_lhs_hint = false} : vector<256x256xf32>, vector<256x128xf32>, vector<256x128xf32> -> vector<256x128xf32>
    %swap3A_104 = arith.constant 2 : index
    %swap3A_105 = arith.constant 0 : index
    %swap3A_106 = arith.constant 0 : index
    %swap3A_107 = vector.load %arg10[%swap3A_104, %swap3A_105, %swap3A_106] : memref<8x256x128xf32, #tpu.memory_space<vmem>>, vector<1x256x128xf32>
    %swap3A_108 = vector.shape_cast %swap3A_107 : vector<1x256x128xf32> to vector<256x128xf32>
    %swap3A_109 = vector.shape_cast %dot_general3A_103 : vector<256x128xf32> to vector<1x256x128xf32>
    tpu.vector_store %arg10[%swap3A_104, %swap3A_105, %swap3A_106], %swap3A_109 {strides = array<i32>} : memref<8x256x128xf32, #tpu.memory_space<vmem>>, vector<1x256x128xf32>,
    %get3A_110 = arith.constant 3 : index
    %get3A_111 = arith.constant 0 : index
    %get3A_112 = arith.constant 0 : index
    %get3A_113 = vector.load %arg7[%get3A_110, %get3A_111, %get3A_112] : memref<8x256x128xf32, #tpu.memory_space<vmem>>, vector<1x256x128xf32>
    %get3A_114 = vector.shape_cast %get3A_113 : vector<1x256x128xf32> to vector<256x128xf32>
    %dot_general3A_115 = arith.constant dense<0.000000e+00> : vector<256x128xf32>
    %dot_general3A_116 = tpu.matmul %add3A_32, %get3A_114, %dot_general3A_115 {dimension_numbers = #tpu.dot_dimension_numbers<[1], [0], [0], [1], [0, 0, 1, 1], [], []>, transpose_lhs_hint = false} : vector<256x256xf32>, vector<256x128xf32>, vector<256x128xf32> -> vector<256x128xf32>
    %swap3A_117 = arith.constant 3 : index
    %swap3A_118 = arith.constant 0 : index
    %swap3A_119 = arith.constant 0 : index
    %swap3A_120 = vector.load %arg9[%swap3A_117, %swap3A_118, %swap3A_119] : memref<8x256x128xf32, #tpu.memory_space<vmem>>, vector<1x256x128xf32>
    %swap3A_121 = vector.shape_cast %swap3A_120 : vector<1x256x128xf32> to vector<256x128xf32>
    %swap3A_122 = vector.shape_cast %dot_general3A_116 : vector<256x128xf32> to vector<1x256x128xf32>
    tpu.vector_store %arg9[%swap3A_117, %swap3A_118, %swap3A_119], %swap3A_122 {strides = array<i32>} : memref<8x256x128xf32, #tpu.memory_space<vmem>>, vector<1x256x128xf32>,
    %get3A_123 = arith.constant 3 : index
    %get3A_124 = arith.constant 0 : index
    %get3A_125 = arith.constant 0 : index
    %get3A_126 = vector.load %arg8[%get3A_123, %get3A_124, %get3A_125] : memref<8x256x128xf32, #tpu.memory_space<vmem>>, vector<1x256x128xf32>
    %get3A_127 = vector.shape_cast %get3A_126 : vector<1x256x128xf32> to vector<256x128xf32>
    %dot_general3A_128 = arith.constant dense<0.000000e+00> : vector<256x128xf32>
    %dot_general3A_129 = tpu.matmul %add3A_32, %get3A_127, %dot_general3A_128 {dimension_numbers = #tpu.dot_dimension_numbers<[1], [0], [0], [1], [0, 0, 1, 1], [], []>, transpose_lhs_hint = false} : vector<256x256xf32>, vector<256x128xf32>, vector<256x128xf32> -> vector<256x128xf32>
    %swap3A_130 = arith.constant 3 : index
    %swap3A_131 = arith.constant 0 : index
    %swap3A_132 = arith.constant 0 : index
    %swap3A_133 = vector.load %arg10[%swap3A_130, %swap3A_131, %swap3A_132] : memref<8x256x128xf32, #tpu.memory_space<vmem>>, vector<1x256x128xf32>
    %swap3A_134 = vector.shape_cast %swap3A_133 : vector<1x256x128xf32> to vector<256x128xf32>
    %swap3A_135 = vector.shape_cast %dot_general3A_129 : vector<256x128xf32> to vector<1x256x128xf32>
    tpu.vector_store %arg10[%swap3A_130, %swap3A_131, %swap3A_132], %swap3A_135 {strides = array<i32>} : memref<8x256x128xf32, #tpu.memory_space<vmem>>, vector<1x256x128xf32>,
    %get3A_136 = arith.constant 4 : index
    %get3A_137 = arith.constant 0 : index
    %get3A_138 = arith.constant 0 : index
    %get3A_139 = vector.load %arg7[%get3A_136, %get3A_137, %get3A_138] : memref<8x256x128xf32, #tpu.memory_space<vmem>>, vector<1x256x128xf32>
    %get3A_140 = vector.shape_cast %get3A_139 : vector<1x256x128xf32> to vector<256x128xf32>
    %dot_general3A_141 = arith.constant dense<0.000000e+00> : vector<256x128xf32>
    %dot_general3A_142 = tpu.matmul %add3A_32, %get3A_140, %dot_general3A_141 {dimension_numbers = #tpu.dot_dimension_numbers<[1], [0], [0], [1], [0, 0, 1, 1], [], []>, transpose_lhs_hint = false} : vector<256x256xf32>, vector<256x128xf32>, vector<256x128xf32> -> vector<256x128xf32>
    %swap3A_143 = arith.constant 4 : index
    %swap3A_144 = arith.constant 0 : index
    %swap3A_145 = arith.constant 0 : index
    %swap3A_146 = vector.load %arg9[%swap3A_143, %swap3A_144, %swap3A_145] : memref<8x256x128xf32, #tpu.memory_space<vmem>>, vector<1x256x128xf32>
    %swap3A_147 = vector.shape_cast %swap3A_146 : vector<1x256x128xf32> to vector<256x128xf32>
    %swap3A_148 = vector.shape_cast %dot_general3A_142 : vector<256x128xf32> to vector<1x256x128xf32>
    tpu.vector_store %arg9[%swap3A_143, %swap3A_144, %swap3A_145], %swap3A_148 {strides = array<i32>} : memref<8x256x128xf32, #tpu.memory_space<vmem>>, vector<1x256x128xf32>,
    %get3A_149 = arith.constant 4 : index
    %get3A_150 = arith.constant 0 : index
    %get3A_151 = arith.constant 0 : index
    %get3A_152 = vector.load %arg8[%get3A_149, %get3A_150, %get3A_151] : memref<8x256x128xf32, #tpu.memory_space<vmem>>, vector<1x256x128xf32>
    %get3A_153 = vector.shape_cast %get3A_152 : vector<1x256x128xf32> to vector<256x128xf32>
    %dot_general3A_154 = arith.constant dense<0.000000e+00> : vector<256x128xf32>
    %dot_general3A_155 = tpu.matmul %add3A_32, %get3A_153, %dot_general3A_154 {dimension_numbers = #tpu.dot_dimension_numbers<[1], [0], [0], [1], [0, 0, 1, 1], [], []>, transpose_lhs_hint = false} : vector<256x256xf32>, vector<256x128xf32>, vector<256x128xf32> -> vector<256x128xf32>
    %swap3A_156 = arith.constant 4 : index
    %swap3A_157 = arith.constant 0 : index
    %swap3A_158 = arith.constant 0 : index
    %swap3A_159 = vector.load %arg10[%swap3A_156, %swap3A_157, %swap3A_158] : memref<8x256x128xf32, #tpu.memory_space<vmem>>, vector<1x256x128xf32>
    %swap3A_160 = vector.shape_cast %swap3A_159 : vector<1x256x128xf32> to vector<256x128xf32>
    %swap3A_161 = vector.shape_cast %dot_general3A_155 : vector<256x128xf32> to vector<1x256x128xf32>
    tpu.vector_store %arg10[%swap3A_156, %swap3A_157, %swap3A_158], %swap3A_161 {strides = array<i32>} : memref<8x256x128xf32, #tpu.memory_space<vmem>>, vector<1x256x128xf32>,
    %get3A_162 = arith.constant 5 : index
    %get3A_163 = arith.constant 0 : index
    %get3A_164 = arith.constant 0 : index
    %get3A_165 = vector.load %arg7[%get3A_162, %get3A_163, %get3A_164] : memref<8x256x128xf32, #tpu.memory_space<vmem>>, vector<1x256x128xf32>
    %get3A_166 = vector.shape_cast %get3A_165 : vector<1x256x128xf32> to vector<256x128xf32>
    %dot_general3A_167 = arith.constant dense<0.000000e+00> : vector<256x128xf32>
    %dot_general3A_168 = tpu.matmul %add3A_32, %get3A_166, %dot_general3A_167 {dimension_numbers = #tpu.dot_dimension_numbers<[1], [0], [0], [1], [0, 0, 1, 1], [], []>, transpose_lhs_hint = false} : vector<256x256xf32>, vector<256x128xf32>, vector<256x128xf32> -> vector<256x128xf32>
    %swap3A_169 = arith.constant 5 : index
    %swap3A_170 = arith.constant 0 : index
    %swap3A_171 = arith.constant 0 : index
    %swap3A_172 = vector.load %arg9[%swap3A_169, %swap3A_170, %swap3A_171] : memref<8x256x128xf32, #tpu.memory_space<vmem>>, vector<1x256x128xf32>
    %swap3A_173 = vector.shape_cast %swap3A_172 : vector<1x256x128xf32> to vector<256x128xf32>
    %swap3A_174 = vector.shape_cast %dot_general3A_168 : vector<256x128xf32> to vector<1x256x128xf32>
    tpu.vector_store %arg9[%swap3A_169, %swap3A_170, %swap3A_171], %swap3A_174 {strides = array<i32>} : memref<8x256x128xf32, #tpu.memory_space<vmem>>, vector<1x256x128xf32>,
    %get3A_175 = arith.constant 5 : index
    %get3A_176 = arith.constant 0 : index
    %get3A_177 = arith.constant 0 : index
    %get3A_178 = vector.load %arg8[%get3A_175, %get3A_176, %get3A_177] : memref<8x256x128xf32, #tpu.memory_space<vmem>>, vector<1x256x128xf32>
    %get3A_179 = vector.shape_cast %get3A_178 : vector<1x256x128xf32> to vector<256x128xf32>
    %dot_general3A_180 = arith.constant dense<0.000000e+00> : vector<256x128xf32>
    %dot_general3A_181 = tpu.matmul %add3A_32, %get3A_179, %dot_general3A_180 {dimension_numbers = #tpu.dot_dimension_numbers<[1], [0], [0], [1], [0, 0, 1, 1], [], []>, transpose_lhs_hint = false} : vector<256x256xf32>, vector<256x128xf32>, vector<256x128xf32> -> vector<256x128xf32>
    %swap3A_182 = arith.constant 5 : index
    %swap3A_183 = arith.constant 0 : index
    %swap3A_184 = arith.constant 0 : index
    %swap3A_185 = vector.load %arg10[%swap3A_182, %swap3A_183, %swap3A_184] : memref<8x256x128xf32, #tpu.memory_space<vmem>>, vector<1x256x128xf32>
    %swap3A_186 = vector.shape_cast %swap3A_185 : vector<1x256x128xf32> to vector<256x128xf32>
    %swap3A_187 = vector.shape_cast %dot_general3A_181 : vector<256x128xf32> to vector<1x256x128xf32>
    tpu.vector_store %arg10[%swap3A_182, %swap3A_183, %swap3A_184], %swap3A_187 {strides = array<i32>} : memref<8x256x128xf32, #tpu.memory_space<vmem>>, vector<1x256x128xf32>,
    %get3A_188 = arith.constant 6 : index
    %get3A_189 = arith.constant 0 : index
    %get3A_190 = arith.constant 0 : index
    %get3A_191 = vector.load %arg7[%get3A_188, %get3A_189, %get3A_190] : memref<8x256x128xf32, #tpu.memory_space<vmem>>, vector<1x256x128xf32>
    %get3A_192 = vector.shape_cast %get3A_191 : vector<1x256x128xf32> to vector<256x128xf32>
    %dot_general3A_193 = arith.constant dense<0.000000e+00> : vector<256x128xf32>
    %dot_general3A_194 = tpu.matmul %add3A_32, %get3A_192, %dot_general3A_193 {dimension_numbers = #tpu.dot_dimension_numbers<[1], [0], [0], [1], [0, 0, 1, 1], [], []>, transpose_lhs_hint = false} : vector<256x256xf32>, vector<256x128xf32>, vector<256x128xf32> -> vector<256x128xf32>
    %swap3A_195 = arith.constant 6 : index
    %swap3A_196 = arith.constant 0 : index
    %swap3A_197 = arith.constant 0 : index
    %swap3A_198 = vector.load %arg9[%swap3A_195, %swap3A_196, %swap3A_197] : memref<8x256x128xf32, #tpu.memory_space<vmem>>, vector<1x256x128xf32>
    %swap3A_199 = vector.shape_cast %swap3A_198 : vector<1x256x128xf32> to vector<256x128xf32>
    %swap3A_200 = vector.shape_cast %dot_general3A_194 : vector<256x128xf32> to vector<1x256x128xf32>
    tpu.vector_store %arg9[%swap3A_195, %swap3A_196, %swap3A_197], %swap3A_200 {strides = array<i32>} : memref<8x256x128xf32, #tpu.memory_space<vmem>>, vector<1x256x128xf32>,
    %get3A_201 = arith.constant 6 : index
    %get3A_202 = arith.constant 0 : index
    %get3A_203 = arith.constant 0 : index
    %get3A_204 = vector.load %arg8[%get3A_201, %get3A_202, %get3A_203] : memref<8x256x128xf32, #tpu.memory_space<vmem>>, vector<1x256x128xf32>
    %get3A_205 = vector.shape_cast %get3A_204 : vector<1x256x128xf32> to vector<256x128xf32>
    %dot_general3A_206 = arith.constant dense<0.000000e+00> : vector<256x128xf32>
    %dot_general3A_207 = tpu.matmul %add3A_32, %get3A_205, %dot_general3A_206 {dimension_numbers = #tpu.dot_dimension_numbers<[1], [0], [0], [1], [0, 0, 1, 1], [], []>, transpose_lhs_hint = false} : vector<256x256xf32>, vector<256x128xf32>, vector<256x128xf32> -> vector<256x128xf32>
    %swap3A_208 = arith.constant 6 : index
    %swap3A_209 = arith.constant 0 : index
    %swap3A_210 = arith.constant 0 : index
    %swap3A_211 = vector.load %arg10[%swap3A_208, %swap3A_209, %swap3A_210] : memref<8x256x128xf32, #tpu.memory_space<vmem>>, vector<1x256x128xf32>
    %swap3A_212 = vector.shape_cast %swap3A_211 : vector<1x256x128xf32> to vector<256x128xf32>
    %swap3A_213 = vector.shape_cast %dot_general3A_207 : vector<256x128xf32> to vector<1x256x128xf32>
    tpu.vector_store %arg10[%swap3A_208, %swap3A_209, %swap3A_210], %swap3A_213 {strides = array<i32>} : memref<8x256x128xf32, #tpu.memory_space<vmem>>, vector<1x256x128xf32>,
    %get3A_214 = arith.constant 7 : index
    %get3A_215 = arith.constant 0 : index
    %get3A_216 = arith.constant 0 : index
    %get3A_217 = vector.load %arg7[%get3A_214, %get3A_215, %get3A_216] : memref<8x256x128xf32, #tpu.memory_space<vmem>>, vector<1x256x128xf32>
    %get3A_218 = vector.shape_cast %get3A_217 : vector<1x256x128xf32> to vector<256x128xf32>
    %dot_general3A_219 = arith.constant dense<0.000000e+00> : vector<256x128xf32>
    %dot_general3A_220 = tpu.matmul %add3A_32, %get3A_218, %dot_general3A_219 {dimension_numbers = #tpu.dot_dimension_numbers<[1], [0], [0], [1], [0, 0, 1, 1], [], []>, transpose_lhs_hint = false} : vector<256x256xf32>, vector<256x128xf32>, vector<256x128xf32> -> vector<256x128xf32>
    %swap3A_221 = arith.constant 7 : index
    %swap3A_222 = arith.constant 0 : index
    %swap3A_223 = arith.constant 0 : index
    %swap3A_224 = vector.load %arg9[%swap3A_221, %swap3A_222, %swap3A_223] : memref<8x256x128xf32, #tpu.memory_space<vmem>>, vector<1x256x128xf32>
    %swap3A_225 = vector.shape_cast %swap3A_224 : vector<1x256x128xf32> to vector<256x128xf32>
    %swap3A_226 = vector.shape_cast %dot_general3A_220 : vector<256x128xf32> to vector<1x256x128xf32>
    tpu.vector_store %arg9[%swap3A_221, %swap3A_222, %swap3A_223], %swap3A_226 {strides = array<i32>} : memref<8x256x128xf32, #tpu.memory_space<vmem>>, vector<1x256x128xf32>,
    %get3A_227 = arith.constant 7 : index
    %get3A_228 = arith.constant 0 : index
    %get3A_229 = arith.constant 0 : index
    %get3A_230 = vector.load %arg8[%get3A_227, %get3A_228, %get3A_229] : memref<8x256x128xf32, #tpu.memory_space<vmem>>, vector<1x256x128xf32>
    %get3A_231 = vector.shape_cast %get3A_230 : vector<1x256x128xf32> to vector<256x128xf32>
    %dot_general3A_232 = arith.constant dense<0.000000e+00> : vector<256x128xf32>
    %dot_general3A_233 = tpu.matmul %add3A_32, %get3A_231, %dot_general3A_232 {dimension_numbers = #tpu.dot_dimension_numbers<[1], [0], [0], [1], [0, 0, 1, 1], [], []>, transpose_lhs_hint = false} : vector<256x256xf32>, vector<256x128xf32>, vector<256x128xf32> -> vector<256x128xf32>
    %swap3A_234 = arith.constant 7 : index
    %swap3A_235 = arith.constant 0 : index
    %swap3A_236 = arith.constant 0 : index
    %swap3A_237 = vector.load %arg10[%swap3A_234, %swap3A_235, %swap3A_236] : memref<8x256x128xf32, #tpu.memory_space<vmem>>, vector<1x256x128xf32>
    %swap3A_238 = vector.shape_cast %swap3A_237 : vector<1x256x128xf32> to vector<256x128xf32>
    %swap3A_239 = vector.shape_cast %dot_general3A_233 : vector<256x128xf32> to vector<1x256x128xf32>
    tpu.vector_store %arg10[%swap3A_234, %swap3A_235, %swap3A_236], %swap3A_239 {strides = array<i32>} : memref<8x256x128xf32, #tpu.memory_space<vmem>>, vector<1x256x128xf32>,
    return
  }
  func.func @transform_0(%arg0: i32) -> (i32, i32) {
    %c0_i32 = arith.constant 0 : i32
    %c0_i32_0 = arith.constant 0 : i32
    return %arg0, %c0_i32 : i32, i32
  }
  func.func @transform_1(%arg0: i32) -> (i32, i32) {
    %c0_i32 = arith.constant 0 : i32
    %c0_i32_0 = arith.constant 0 : i32
    return %arg0, %c0_i32 : i32, i32
  }
  func.func @transform_2(%arg0: i32) -> (i32, i32) {
    %c0_i32 = arith.constant 0 : i32
    %c0_i32_0 = arith.constant 0 : i32
    %c0_i32_1 = arith.constant 0 : i32
    return %c0_i32, %c0_i32_0 : i32, i32
  }
  func.func @transform_3(%arg0: i32) -> (i32, i32) {
    %c0_i32 = arith.constant 0 : i32
    %c0_i32_0 = arith.constant 0 : i32
    %c0_i32_1 = arith.constant 0 : i32
    return %c0_i32, %c0_i32_0 : i32, i32
  }
  func.func @transform_4(%arg0: i32) -> (i32, i32) {
    %c0_i32 = arith.constant 0 : i32
    %c0_i32_0 = arith.constant 0 : i32
    %c0_i32_1 = arith.constant 0 : i32
    return %c0_i32, %c0_i32_0 : i32, i32
  }
  func.func @transform_5(%arg0: i32) -> (i32, i32, i32) {
    %c0_i32 = arith.constant 0 : i32
    %c0_i32_0 = arith.constant 0 : i32
    %c0_i32_1 = arith.constant 0 : i32
    %c0_i32_2 = arith.constant 0 : i32
    return %c0_i32, %c0_i32_0, %c0_i32_1 : i32, i32, i32
  }
  func.func @transform_6(%arg0: i32) -> (i32, i32, i32) {
    %c0_i32 = arith.constant 0 : i32
    %c0_i32_0 = arith.constant 0 : i32
    %c0_i32_1 = arith.constant 0 : i32
    %c0_i32_2 = arith.constant 0 : i32
    return %c0_i32, %c0_i32_0, %c0_i32_1 : i32, i32, i32
  }
  func.func @transform_7(%arg0: i32) -> (i32, i32, i32) {
    %c0_i32 = arith.constant 0 : i32
    %c0_i32_0 = arith.constant 0 : i32
    %c0_i32_1 = arith.constant 0 : i32
    %c0_i32_2 = arith.constant 0 : i32
    return %c0_i32, %c0_i32_0, %c0_i32_1 : i32, i32, i32
  }
  func.func @transform_8(%arg0: i32) -> (i32, i32, i32) {
    %c0_i32 = arith.constant 0 : i32
    %c0_i32_0 = arith.constant 0 : i32
    %c0_i32_1 = arith.constant 0 : i32
    return %c0_i32, %arg0, %c0_i32_0 : i32, i32, i32
  }
  func.func @transform_9(%arg0: i32) -> (i32, i32, i32) {
    %c0_i32 = arith.constant 0 : i32
    %c0_i32_0 = arith.constant 0 : i32
    %c0_i32_1 = arith.constant 0 : i32
    return %c0_i32, %arg0, %c0_i32_0 : i32, i32, i32
  }
}

module attributes {stable_mosaic.version = 14 : i64} {
  func.func @_pp_body(%arg0: i32, %arg1: memref<256x128xf32, #tpu.memory_space<vmem>>, %arg2: memref<256x128xf32, #tpu.memory_space<vmem>>, %arg3: memref<128x4xf32, #tpu.memory_space<vmem>>, %arg4: memref<128x4xf32, #tpu.memory_space<vmem>>, %arg5: memref<1x4xf32, #tpu.memory_space<vmem>>, %arg6: memref<256x4xf32, #tpu.memory_space<vmem>>) attributes {dimension_semantics = [#tpu.dimension_semantics<arbitrary>], iteration_bounds = array<i64: 49>, scalar_prefetch = 0 : i64, scratch_operands = 0 : i64, tpu.core_type = #tpu.core_type<tc>, window_params = [{transform_indices = @transform_0, window_bounds = array<i64: 256, 128>}, {transform_indices = @transform_1, window_bounds = array<i64: 256, 128>}, {pipeline_mode = #tpu.pipeline_mode<synchronous>, transform_indices = @transform_2, window_bounds = array<i64: 128, 4>}, {pipeline_mode = #tpu.pipeline_mode<synchronous>, transform_indices = @transform_3, window_bounds = array<i64: 128, 4>}, {pipeline_mode = #tpu.pipeline_mode<synchronous>, transform_indices = @transform_4, window_bounds = array<i64: 1, 4>}, {transform_indices = @transform_5, window_bounds = array<i64: 256, 4>}]} {
    %get3A = arith.constant 0 : index
    %get3A_0 = arith.constant 0 : index
    %get3A_1 = vector.load %arg1[%get3A, %get3A_0] : memref<256x128xf32, #tpu.memory_space<vmem>>, vector<256x128xf32>
    %max3A = arith.constant 0.000000e+00 : f32
    %max3A_2 = vector.broadcast %max3A : f32 to vector<256x128xf32>
    %max3A_3 = arith.maximumf %get3A_1, %max3A_2 : vector<256x128xf32>
    %get3A_4 = arith.constant 0 : index
    %get3A_5 = arith.constant 0 : index
    %get3A_6 = vector.load %arg3[%get3A_4, %get3A_5] : memref<128x4xf32, #tpu.memory_space<vmem>>, vector<128x4xf32>
    %dot_general3A = arith.constant dense<0.000000e+00> : vector<256x4xf32>
    %dot_general3A_7 = tpu.matmul %max3A_3, %get3A_6, %dot_general3A {dimension_numbers = #tpu.dot_dimension_numbers<[1], [0], [0], [1], [0, 0, 1, 1], [], []>, transpose_lhs_hint = false} : vector<256x128xf32>, vector<128x4xf32>, vector<256x4xf32> -> vector<256x4xf32>
    %get3A_8 = arith.constant 0 : index
    %get3A_9 = arith.constant 0 : index
    %get3A_10 = vector.load %arg2[%get3A_8, %get3A_9] : memref<256x128xf32, #tpu.memory_space<vmem>>, vector<256x128xf32>
    %max3A_11 = arith.constant 0.000000e+00 : f32
    %max3A_12 = vector.broadcast %max3A_11 : f32 to vector<256x128xf32>
    %max3A_13 = arith.maximumf %get3A_10, %max3A_12 : vector<256x128xf32>
    %get3A_14 = arith.constant 0 : index
    %get3A_15 = arith.constant 0 : index
    %get3A_16 = vector.load %arg4[%get3A_14, %get3A_15] : memref<128x4xf32, #tpu.memory_space<vmem>>, vector<128x4xf32>
    %dot_general3A_17 = arith.constant dense<0.000000e+00> : vector<256x4xf32>
    %dot_general3A_18 = tpu.matmul %max3A_13, %get3A_16, %dot_general3A_17 {dimension_numbers = #tpu.dot_dimension_numbers<[1], [0], [0], [1], [0, 0, 1, 1], [], []>, transpose_lhs_hint = false} : vector<256x128xf32>, vector<128x4xf32>, vector<256x4xf32> -> vector<256x4xf32>
    %add3A = arith.addf %dot_general3A_7, %dot_general3A_18 : vector<256x4xf32>
    %get3A_19 = arith.constant 0 : index
    %get3A_20 = arith.constant 0 : index
    %get3A_21 = vector.load %arg5[%get3A_19, %get3A_20] : memref<1x4xf32, #tpu.memory_space<vmem>>, vector<1x4xf32>
    %add3A_22 = vector.broadcast %get3A_21 : vector<1x4xf32> to vector<256x4xf32>
    %add3A_23 = arith.addf %add3A, %add3A_22 : vector<256x4xf32>
    %logistic3A = arith.negf %add3A_23 : vector<256x4xf32>
    %logistic3A_24 = math.exp %logistic3A : vector<256x4xf32>
    %logistic3A_25 = arith.constant 1.000000e+00 : f32
    %logistic3A_26 = vector.broadcast %logistic3A_25 : f32 to vector<256x4xf32>
    %logistic3A_27 = arith.addf %logistic3A_26, %logistic3A_24 : vector<256x4xf32>
    %logistic3A_28 = arith.divf %logistic3A_26, %logistic3A_27 : vector<256x4xf32>
    %jit3A = arith.constant 1.000000e-07 : f32
    %jit3A_29 = arith.constant 1.000000e+10 : f32
    %max3A_30 = vector.broadcast %jit3A : f32 to vector<256x4xf32>
    %max3A_31 = arith.maximumf %max3A_30, %logistic3A_28 : vector<256x4xf32>
    %min3A = vector.broadcast %jit3A_29 : f32 to vector<256x4xf32>
    %min3A_32 = arith.minimumf %min3A, %max3A_31 : vector<256x4xf32>
    %swap3A = arith.constant 0 : index
    %swap3A_33 = arith.constant 0 : index
    %swap3A_34 = vector.load %arg6[%swap3A, %swap3A_33] : memref<256x4xf32, #tpu.memory_space<vmem>>, vector<256x4xf32>
    tpu.vector_store %arg6[%swap3A, %swap3A_33], %min3A_32 {strides = array<i32>} : memref<256x4xf32, #tpu.memory_space<vmem>>, vector<256x4xf32>,
    return
  }
  func.func @transform_0(%arg0: i32) -> (i32, i32) {
    %c0_i32 = arith.constant 0 : i32
    %c0_i32_0 = arith.constant 0 : i32
    return %arg0, %c0_i32 : i32, i32
  }
  func.func @transform_1(%arg0: i32) -> (i32, i32) {
    %add3A = arith.constant 49 : i32
    %add3A_0 = arith.addi %arg0, %add3A : i32
    %c0_i32 = arith.constant 0 : i32
    %c0_i32_1 = arith.constant 0 : i32
    return %add3A_0, %c0_i32 : i32, i32
  }
  func.func @transform_2(%arg0: i32) -> (i32, i32) {
    %c0_i32 = arith.constant 0 : i32
    %c0_i32_0 = arith.constant 0 : i32
    %c0_i32_1 = arith.constant 0 : i32
    return %c0_i32, %c0_i32_0 : i32, i32
  }
  func.func @transform_3(%arg0: i32) -> (i32, i32) {
    %c0_i32 = arith.constant 0 : i32
    %c0_i32_0 = arith.constant 0 : i32
    %c0_i32_1 = arith.constant 0 : i32
    return %c0_i32, %c0_i32_0 : i32, i32
  }
  func.func @transform_4(%arg0: i32) -> (i32, i32) {
    %c0_i32 = arith.constant 0 : i32
    %c0_i32_0 = arith.constant 0 : i32
    %c0_i32_1 = arith.constant 0 : i32
    return %c0_i32, %c0_i32_0 : i32, i32
  }
  func.func @transform_5(%arg0: i32) -> (i32, i32) {
    %c0_i32 = arith.constant 0 : i32
    %c0_i32_0 = arith.constant 0 : i32
    return %arg0, %c0_i32 : i32, i32
  }
}

</mosaic_0001>

<sc_bundles>
// kernel: kernel.10.cloned.1.call-start
scs
__scs_entry_jumppad:
0x0: {  	(pc) =	sbr.rel $0x88, $3  }
0x1: {  	(tag) =	ssettag $0x0;
	lr =	simm.s32 $0x1  }
0x2: {  	[smem:$0x3F95] =	sst lr;
	_ =	strace $0xD0000000  }
0x3: {  	_ = 	snop  }
0x4: {  	_ = 	snop  }
0x5: {  	_ = 	snop  }
0x6: {  	_ = 	snop  }
0x7: {  	_ = 	snop  }
__scs_overlays_trampoline_lowered:
0x8: {  	[smem:$0x3FA4] =	sst s0  }
0x9: {  	[smem:$0x3FA5] =	sst s1  }
0xa: {  	[smem:$0x3FA6] =	sst s2  }
0xb: {  	[smem:$0x3FA7] =	sst s3  }
0xc: {  	[smem:$0x3FA8] =	sst s4  }
0xd: {  	[smem:$0x3FA9] =	sst s5  }
0xe: {  	[smem:$0x3FAA] =	sst s6  }
0xf: {  	[smem:$0x3FAB] =	sst s7  }
0x10: {  	[smem:$0x3FAC] =	sst s8  }
0x11: {  	[smem:$0x3FAD] =	sst s9;
	s0 =	simm.s32 @!p0 $0x0  }
0x12: {  	s1 =	sld [smem:$0x3F93];
	s0 =	simm.s32 @p0 $0x1  }
0x13: {  	[smem:$0x3FAE] =	sst s0;
	s0 =	simm.s32 @!p1 $0x0  }
0x14: {  	s2 =	sld [smem:$0x3F92];
	s0 =	simm.s32 @p1 $0x1  }
0x15: {  	[smem:$0x3FAF] =	sst s0;
	s0 =	simm.s32 @!p2 $0x0  }
0x16: {  	s3 =	sld [smem:$0x3FDB];
	s0 =	simm.s32 @p2 $0x1  }
0x17: {  	s4 =	simm.s32 $0x1BF5;
	[smem:$0x3FB1] =	sst s0  }
0x18: {  	s0 =	sld [smem:$0x3F94];
	_ =	swait.ge [sflag:s4], $0x0  }
0x19: {  	s7 =	sld [smem:$0x3F95]  }
0x1a: {  	s8 =	sadd.s32 $0xFFFFE003, lr  }
0x1b: {  	s9 =	sadd.s32 $0xFFFFFEF7, lr;
	s5 =	simm.s32 $0xFFFFFFFF;
	p2 =	slt.u32 s8, $0xFFFFF086  }
0x1c: {  	p1 =	slt.u32 s9, $0xF7A;
	s5 =	simm.s32 @!p2 $0x0  }
0x1d: {  	s5 =	simm.s32 @p1 $0x1;
	p0 =	seq.s32 s7, s2  }
0x1e: {  	s7 =	smul.u32 @!p0 $0xF7A, s2;
	p2 =	seq.s32 @!p0 s5, $0x0  }
0x1f: {  	s9 =	smul.u32 $0xF7A, s1;
	s8 =	simm.s32 @!p0 $0x1BF5;
	p2 =	por !p2, p0  }
0x20: {  	[sflag:s8] =	ssyncset.s32 @!p0 $0xFFFFF086;
	s6 =	sadd.s32 @!p0 s3, s7;
	s7 =	simm.s32 @!p0 $0x108  }
0x21: {  	s3 =	sadd.s32 s3, s9;
	s6 =	sadd.s32 @!p0 $0x88, s6;
	s7 =	simm.s32 @p2 $0x1082  }
0x22: {  	[simem:s7], [sflag:s8] =	dma.local @!p0 [hbm:s6], $0xF7A  }
0x23: {  	s9 =	sor.u32 $0xD0000000, s2;
	s6 =	simm.s32 $0x108;
	_ =	swait.ge @!p0 [sflag:s8], $0x0  }
0x24: {  	s3 =	sadd.s32 $0x88, s3;
	s6 =	simm.s32 @!p1 $0x1082;
	[sflag:s4] =	ssyncset.s32 $0xFFFFF086  }
0x25: {  	[simem:s6], [sflag:s4] =	dma.local [hbm:s3], $0xF7A  }
0x26: {  	[smem:$0x3F95] =	sst s1;
	(tag) =	ssettag s2;
	_ =	strace s9  }
0x27: {  	s1 =	sld [smem:$0x3FA5]  }
0x28: {  	s2 =	sld [smem:$0x3FA6]  }
0x29: {  	s4 =	sld [smem:$0x3FA8]  }
0x2a: {  	p0 =	seq.s32 s5, $0x0;
	s5 =	sld [smem:$0x3FA9]  }
0x2b: {  	s6 =	sld [smem:$0x3FAA]  }
0x2c: {  	s7 =	sld [smem:$0x3FAB]  }
0x2d: {  	s3 =	simm.s32 $0x108;
	s8 =	sld [smem:$0x3FAC]  }
0x2e: {  	s3 =	simm.s32 @!p0 $0x1082;
	s9 =	sld [smem:$0x3FAD]  }
0x2f: {  	lr =	sadd.s32 s0, s3;
	s0 =	sld [smem:$0x3FA4]  }
0x30: {  	s3 =	sld [smem:$0x3FA7]  }
0x31: {  	[smem:$0x3FB0] =	sst s10  }
0x32: {  	s10 =	sld [smem:$0x3FAE];
	_ =	sdelay $0x3  }
0x33: {  	p0 =	seq.s32 s10, $0x1;
	s10 =	sld [smem:$0x3FB0];
	_ =	sdelay $0x3  }
0x34: {  	[smem:$0x3FB0] =	sst s10  }
0x35: {  	s10 =	sld [smem:$0x3FAF];
	_ =	sdelay $0x3  }
0x36: {  	p1 =	seq.s32 s10, $0x1;
	s10 =	sld [smem:$0x3FB0];
	_ =	sdelay $0x3  }
0x37: {  	[smem:$0x3FB0] =	sst s10  }
0x38: {  	s10 =	sld [smem:$0x3FB1]  }
0x39: {  	_ = 	snop;
	(pc) =	sbr.ind lr, $3  }
0x3a: {  	_ = 	snop  }
0x3b: {  	_ = 	snop  }
0x3c: {  	p2 =	seq.s32 s10, $0x1;
	s10 =	sld [smem:$0x3FB0]  }
0x3d: {  	_ =	shalt  }
0x3e: {  	_ =	shalt  }
0x3f: {  	_ =	shalt  }
0x40: {  	_ =	shalt  }
0x41: {  	_ =	shalt  }
0x42: {  	_ =	shalt  }
0x43: {  	_ =	shalt  }
0x44: {  	_ =	shalt  }
0x45: {  	_ =	shalt  }
0x46: {  	_ =	shalt  }
0x47: {  	_ =	shalt  }
0x48: {  	_ =	shalt  }
0x49: {  	_ =	shalt  }
0x4a: {  	_ =	shalt  }
0x4b: {  	_ =	shalt  }
0x4c: {  	_ =	shalt  }
0x4d: {  	_ =	shalt  }
0x4e: {  	_ =	shalt  }
0x4f: {  	_ =	shalt  }
0x50: {  	_ =	shalt  }
0x51: {  	_ =	shalt  }
0x52: {  	_ =	shalt  }
0x53: {  	_ =	shalt  }
0x54: {  	_ =	shalt  }
0x55: {  	_ =	shalt  }
0x56: {  	_ =	shalt  }
0x57: {  	_ =	shalt  }
0x58: {  	_ =	shalt  }
0x59: {  	_ =	shalt  }
0x5a: {  	_ =	shalt  }
0x5b: {  	_ =	shalt  }
0x5c: {  	_ =	shalt  }
0x5d: {  	_ =	shalt  }
0x5e: {  	_ =	shalt  }
0x5f: {  	_ =	shalt  }
0x60: {  	_ =	shalt  }
0x61: {  	_ =	shalt  }
0x62: {  	_ =	shalt  }
0x63: {  	_ =	shalt  }
0x64: {  	_ =	shalt  }
0x65: {  	_ =	shalt  }
0x66: {  	_ =	shalt  }
0x67: {  	_ =	shalt  }
0x68: {  	_ =	shalt  }
0x69: {  	_ =	shalt  }
0x6a: {  	_ =	shalt  }
0x6b: {  	_ =	shalt  }
0x6c: {  	_ =	shalt  }
0x6d: {  	_ =	shalt  }
0x6e: {  	_ =	shalt  }
0x6f: {  	_ =	shalt  }
0x70: {  	_ =	shalt  }
0x71: {  	_ =	shalt  }
0x72: {  	_ =	shalt  }
0x73: {  	_ =	shalt  }
0x74: {  	_ =	shalt  }
0x75: {  	_ =	shalt  }
0x76: {  	_ =	shalt  }
0x77: {  	_ =	shalt  }
0x78: {  	_ =	shalt  }
0x79: {  	_ =	shalt  }
0x7a: {  	_ =	shalt  }
0x7b: {  	_ =	shalt  }
0x7c: {  	_ =	shalt  }
0x7d: {  	_ =	shalt  }
0x7e: {  	_ =	shalt  }
0x7f: {  	_ =	shalt  }
0x80: {  	_ =	shalt  }
0x81: {  	_ =	shalt  }
0x82: {  	_ =	shalt  }
0x83: {  	_ =	shalt  }
0x84: {  	_ =	shalt  }
0x85: {  	_ =	shalt  }
0x86: {  	_ =	shalt  }
0x87: {  	_ =	shalt  }
.Lfunc_end0:
.L_simem_size_0:
called_computation.1_lowered:
.L_overlay_start_0:
0x88: {  	s2 =	sld [smem:$0x3FD9]  }
0x89: {  	s3 =	sld [smem:$0x3FFE];
	_ =	sdelay $0x1  }
0x8a: {  	s1 =	srdreg.scid  }
0x8b: {  	s0 =	sand.u32 $0x1, s1  }
0x8c: {  	s17 =	sshll.u32 s0, $0xA;
	s2 =	sadd.s32 s3, s2  }
0x8d: {  	s2 =	sadd.s32 s2, s17  }
0x8e: {  	[smem:$0x3FBC] =	sst s2  }
0x8f: {  	_ = 	snop  }
0x90: {  	s2 =	sld [smem:$0x3FD0];
	(tm) =	ssettm $0x1  }
0x91: {  	s18 =	sld [smem:$0x3FFB];
	_ =	sdelay $0x3  }
0x92: {  	_ =	strace s18  }
0x93: {  	s3 =	sld [smem:$0x3FFC];
	_ =	sdelay $0x3  }
0x94: {  	_ =	strace s3  }
0x95: {  	s3 =	sld [smem:$0x3FFD];
	_ =	sdelay $0x3  }
0x96: {  	_ =	strace s3  }
0x97: {  	_ =	strace $0x8FFFFFFF  }
0x98: {  	s19 =	sld [smem:$0x3FDB];
	_ =	sdelay $0x1  }
0x99: {  	s4 =	simm.s32 $_scs_section_size  }
0x9a: {  	s5 =	simm.s32 $_size__tile_overlayer_lowered;
	s6 =	simm.s32 $_tile_overlayer_lowered  }
0x9b: {  	s22 =	simm.s32 $0x1BFF;
	s21 =	sshll.u32 s6, $0x1;
	s3 =	sadd.s32 s4, s19  }
0x9c: {  	s7 =	simm.s32 $0x0;
	s20 =	sshll.u32 s5, $0x1;
	s5 =	sadd.s32 s21, s3  }
0x9d: {  	[timem:s7], [sflag:s22] =	dma.local [hbm:s5], s20  }
0x9e: {  	_ =	swait.ge [sflag:s22], s20  }
0x9f: {  	s4 =	ssub.s32 $0x0, s20;
	[sflag:s22] =	ssyncset.done $0x0  }
0xa0: {  	[sflag:s22] =	ssyncadd.s32 s4;
	_ =	sdelay $0x1  }
0xa1: {  	s23 =	simm.s32 $0x1B8B  }
0xa2: {  	_ =	swait.ge [sflag:s23], $0x1  }
0xa3: {  	[sflag:s23] =	ssyncset.done $0x0  }
0xa4: {  	s25 =	simm.s32 $0x1B8E;
	s24 =	sld [smem:$0x3FFE];
	[sflag:s23] =	ssyncadd.s32 $0xFFFFFFFF  }
0xa5: {  	s26 =	simm.s32 $execute0_lowered;
	[smem:$0x3FD2] =	sst s25  }
0xa6: {  	s5 =	sshll.u32 s26, $0x1;
	_ =	strace $0x80000049;
	[dreg:$0x1] =	wrdreg $0xFFFFFFFF  }
0xa7: {  	s28 =	simm.s32 $_size_execute0_lowered;
	s3 =	sadd.s32 s3, s5;
	[dreg:$0x0] =	wrdreg $0x0  }
0xa8: {  	s5 =	sshll.u32 s28, $0x1;
	[dreg:$0x2] =	wrdreg s3  }
0xa9: {  	[dreg:$0x3] =	wrdreg s5  }
0xaa: {  	[dreg:$0x4] =	wrdreg $0xC0  }
0xab: {  	_ =	task [dreg:s7], $0x5FFFF  }
0xac: {  	[dreg:$0x1] =	wrdreg $0xFFFFFFFF  }
0xad: {  	[dreg:$0x0] =	wrdreg $0x60  }
0xae: {  	[dreg:$0x2] =	wrdreg s24  }
0xaf: {  	[dreg:$0x3] =	wrdreg s2  }
0xb0: {  	[dreg:$0x4] =	wrdreg $0x1A5500  }
0xb1: {  	[dreg:$0x5] =	wrdreg $0x9  }
0xb2: {  	_ =	task.clear_ibuf [dreg:s7], $0x6FFFF;
	_ =	strace $0x90000049  }
0xb3: {  	s29 =	simm.s32 $0x9;
	_ =	strace $0x8000004B  }
0xb4: {  	_ =	swait.ge [sflag:s29], $0x1  }
0xb5: {  	[sflag:s29] =	ssyncadd.s32 $0xFFFFFFFF  }
0xb6: {  	_ =	strace $0x9000004B  }
0xb7: {  	_ =	sfence  }
0xb8: {  	s30 =	sld [smem:$0x0];
	_ =	sdelay $0x2  }
0xb9: {  	s31 =	sshll.u32 s1, $0xD;
	s1 =	sshrl.u32 s1, $0x2  }
0xba: {  	s3 =	sand.u32 $0x4000, s31;
	s1 =	sadd.s32 s1, s30  }
0xbb: {  	s0 =	sor.u32 s3, s0;
	s1 =	sshll.u32 s1, $0x11  }
0xbc: {  	s0 =	sor.u32 s1, s0  }
0xbd: {  	s0 =	sadd.s32 $0x8F2B, s0  }
0xbe: {  	[sflag:s0] =	ssyncadd.remote.s32 $0x1  }
0xbf: {  	_ =	sfence.sel $0xFFFF  }
0xc0: {  	[dreg:$0x0] =	wrdreg $0xFFFFFFFF;
	(pc) =	sbr.abs _section_cstart, $3  }
0xc1: {  	[dreg:$0x1] =	wrdreg $0xFFFFFFFF  }
0xc2: {  	_ =	task.clear_ibuf [dreg:s7], $0x2FFFF;
	_ =	strace $0x9FFFFFFF  }
0xc3: {  	(tm) =	ssettm $0x7FFFFFFF  }
tec
execute0_lowered:
.L_overlay_start_1:
0x0: {  	(tag) =	ssettag $0x1  }
0x1: {  	s6 =	rddreg [dreg:$0x0]  }
0x2: {  	s11 =	rddreg [dreg:$0x1]  }
0x3: {  	s0 =	srdreg.scid;
	s2 =	rddreg [dreg:$0x2]  }
0x4: {  	s1 =	stileid.u32;
	s3 =	simm.s32 $0x0;
	s17 =	simm.s32 $0xC400  }
0x5: {  	s18 =	simm.s32 $0x13400;
	s19 =	simm.s32 $0x62;
	s20 =	simm.s32 $0x1A4E8  }
0x6: {  	s21 =	simm.s32 $0x16500;
	s23 =	simm.s32 $0x19D80;
	s7 =	smul.u32 $0xE, s1  }
0x7: {  	s9 =	sand.u32 $0x1, s0;
	s0 =	rddreg [dreg:$0x3];
	s8 =	smul.u32 $0x700, s1  }
0x8: {  	s24 =	simm.s32 $0x0;
	[smem:$0x7FF] =	sst s3;
	s15 =	smul.u32 $0x1C00, s1  }
0x9: {  	s4 =	sadd.s32 $0x64E00, s6;
	p0 =	sgt.u32 s1, $0xD;
	s5 =	smul.u32 $0xC4, s9  }
0xa: {  	_ =	strace $0x8000004A;
	s30 =	ssub.s32 $0x2, s9;
	s22 =	smul.u32 $0xFFFF9E00, s9  }
0xb: {  	s29 =	sshrl.u32 s8, $0x3;
	s14 =	sshrl.u32 s30, $0x1;
	s16 =	sadd.s32 s8, s2  }
0xc: {  	s31 =	sshrl.u32 s15, $0x2;
	s15 =	simm.s32 $0x1;
	s7 =	sadd.s32 s7, s5  }
0xd: {  	s5 =	sadd.s32 $0x2E00, s6;
	s13 =	sadd.s32 s29, s6;
	s14 =	ssub.s32 s30, s14  }
.Ltmp0:
0xe: {  	s9 =	sadd.s32 s31, s2;
	v0 =	vmov s22;
	s22 =	simm.s32 $0x19680;
	(pc) =	sbr.rel .LBB2_1-.Ltmp0, $4  }
0xf: {  	s12 =	sshll.u32 s7, $0x4;
	s7 =	smul.u32 $0x188, s1;
	s8 =	sadd.s32 $0x66800, s13  }
0x10: {  	s13 =	sshll.u32 @!p0 s1, $0x6;
	s10 =	sadd.s32 s12, s6;
	s6 =	sadd.s32 $0x409A00, s6  }
0x11: {  	s11 =	sadd.s32 s11, s12;
	s12 =	smax.u32 s14, $0x1;
	s13 =	sor.u32 @!p0 $0x1C01, s13  }
0x12: {  	v1 =	vimm.f32 $0.0e+00;
	s14 =	sshrl.u32 @!p0 s16, $0x3;
	s16 =	simm.s32 $0x1A480;
	s10 =	sadd.s32 $0x408000, s10  }
.LBB2_10:
0x13: {  	v2 =	vld [tilespmem:s25+$0x19680];
	_ =	sdelay $0x3  }
0x14: {  	v3 =	vld [tilespmem:s25+$0x19D80]  }
0x15: {  	v2 =	vadd.f32 $-1.000000000e+00, v2;
	_ =	sdelay $0x1  }
0x16: {  	v2 =	vmul.f32 v2, v2;
	_ =	sdelay $0x1  }
0x17: {  	v2 =	vmul.f32 v2, v3;
	_ =	sdelay $0x1  }
0x18: {  	[tilespmem:s25+$0x19680] =	vst v2  }
0x19: {  	[hbm4b:s11+s3] =	stream.linear.scatter [tilespmem:s22], [sflag:$0x1], $0x700, $0x38;
	[tilespmem:$0x1AB78] =	vst v63  }
0x1a: {  	_ =	swait.ge [sflag:s15], $0x700  }
0x1b: {  	[sflag:s15] =	ssyncset.done $0x0  }
0x1c: {  	[sflag:s15] =	ssyncadd.s32 $0xFFFFF900  }
.LBB2_11:
0x1d: {  	s24 =	sadd.s32 $0x1, s24  }
0x1e: {  	p1 =	sne.s32 s24, s12  }
.Ltmp1:
0x1f: {  	_ = 	snop;
	(pc) =	sbr.rel @!p1 .LBB2_12-.Ltmp1, $1  }
0x20: {  	_ =	sdelay $0x3  }
.LBB2_1:
0x21: {  	[spmem:s14], [sflag:s13] =	dma.local @!p0 [hbm:s8], $0xE0  }
0x22: {  	s25 =	simm.s32 @!p0 $0x1  }
0x23: {  	_ =	swait.ge @!p0 [sflag:s25], $0xE0  }
0x24: {  	[sflag:s25] =	ssyncset.done @!p0 $0x0  }
0x25: {  	[sflag:s25] =	ssyncadd.s32 @!p0 $0xFFFFFF20  }
0x26: {  	[tilespmem:s3], [sflag:$0x1] =	stream.linear.gather [hbm4b:s4+s3], $0xC400, $0x38;
	[tilespmem:$0x1AB78] =	vst v63  }
0x27: {  	_ =	swait.ge [sflag:s15], $0xC400  }
0x28: {  	[sflag:s15] =	ssyncset.done $0x0  }
0x29: {  	[sflag:s15] =	ssyncadd.s32 $0xFFFF3C00  }
0x2a: {  	[tilespmem:s16], [sflag:$0x1] =	stream.linear.gather [hbm4b:s6+s3], $0xD0, $0x38;
	[tilespmem:$0x1AB78] =	vst v63  }
0x2b: {  	_ =	swait.ge [sflag:s15], $0xD0  }
0x2c: {  	[sflag:s15] =	ssyncset.done $0x0  }
0x2d: {  	[sflag:s15] =	ssyncadd.s32 $0xFFFFFF30  }
0x2e: {  	s26 =	simm.s32 $0x13400;
	s25 =	simm.s32 $0x1;
	[tilespmem:s18+$0x0] =	vst v1  }
.LBB2_2:
0x2f: {  	p1 =	sne.s32 s25, $0x627  }
.Ltmp2:
0x30: {  	_ = 	snop;
	(pc) =	sbr.rel @p1 .LBB2_2-.Ltmp2, $3  }
0x31: {  	_ =	sdelay $0x1  }
0x32: {  	s25 =	sadd.s32 $0x1, s25;
	s26 =	sadd.s32 $0x10, s26  }
0x33: {  	[tilespmem:s26+$0x0] =	vst v1  }
0x34: {  	[bflag:$0x0] =	sbarrier.arrive $0xFFFF;
	s25 =	simm.s32 $0x0  }
.LBB2_4:
0x35: {  	s26 =	smul.u32 $0x38, s25;
	_ =	sdelay $0x1  }
0x36: {  	s26 =	sadd.s32 s7, s26  }
0x37: {  	s26 =	sshll.u32 s26, $0x6  }
0x38: {  	s26 =	sadd.s32 s5, s26  }
0x39: {  	[tilespmem:s17], [sflag:$0x1] =	stream.linear.gather [hbm4b:s26+s3], $0x7000, $0x38;
	[tilespmem:$0x1AB78] =	vst v63  }
0x3a: {  	_ =	swait.ge [sflag:s15], $0x7000  }
0x3b: {  	[sflag:s15] =	ssyncset.done $0x0  }
0x3c: {  	s26 =	simm.s32 $0x7C0;
	[sflag:s15] =	ssyncadd.s32 $0xFFFF9000  }
.LBB2_5:
0x3d: {  	s28 =	sshra.s32 s26, $0x2  }
0x3e: {  	v2 =	vld [tilespmem:s28+$0xC390]  }
0x3f: {  	v3 =	vld [tilespmem:s28+$0xC290];
	_ =	sdelay $0x4  }
0x40: {  	v4 =	vadd.s32 v0, v3  }
0x41: {  	v4 =	vmin.u32 v4, $0x6200  }
0x42: {  	v3 =	vand.u32 $0x7F, v3;
	v4 =	vand.u32 $0x7F80, v4  }
0x43: {  	v2 =	vld.idx.msk [tilespmem:v2+s3+$0x0], $0xffff;
	v3 =	vor.u32 v3, v4;
	_ =	sdelay $0x4  }
0x44: {  	[tilespmem:v3+s18+$0x0] =	vst.idx.add.f32.msk $0xffff, v2  }
0x45: {  	v2 =	vld [tilespmem:s28+$0xC3A0]  }
0x46: {  	v3 =	vld [tilespmem:s28+$0xC2A0];
	_ =	sdelay $0x4  }
0x47: {  	v57 =	vadd.s32 v0, v3  }
0x48: {  	v4 =	vmin.u32 v57, $0x6200  }
0x49: {  	v3 =	vand.u32 $0x7F, v3;
	v4 =	vand.u32 $0x7F80, v4  }
0x4a: {  	v2 =	vld.idx.msk [tilespmem:v2+s3+$0x0], $0xffff;
	v3 =	vor.u32 v3, v4;
	_ =	sdelay $0x4  }
0x4b: {  	[tilespmem:v3+s18+$0x0] =	vst.idx.add.f32.msk $0xffff, v2  }
0x4c: {  	v2 =	vld [tilespmem:s28+$0xC3B0]  }
0x4d: {  	v3 =	vld [tilespmem:s28+$0xC2B0];
	_ =	sdelay $0x4  }
0x4e: {  	v58 =	vadd.s32 v0, v3  }
0x4f: {  	v4 =	vmin.u32 v58, $0x6200  }
0x50: {  	v3 =	vand.u32 $0x7F, v3;
	v4 =	vand.u32 $0x7F80, v4  }
0x51: {  	v2 =	vld.idx.msk [tilespmem:v2+s3+$0x0], $0xffff;
	v3 =	vor.u32 v3, v4;
	_ =	sdelay $0x4  }
0x52: {  	[tilespmem:v3+s18+$0x0] =	vst.idx.add.f32.msk $0xffff, v2  }
0x53: {  	v2 =	vld [tilespmem:s28+$0xC3C0]  }
0x54: {  	v3 =	vld [tilespmem:s28+$0xC2C0];
	_ =	sdelay $0x4  }
0x55: {  	v59 =	vadd.s32 v0, v3  }
0x56: {  	v4 =	vmin.u32 v59, $0x6200  }
0x57: {  	v3 =	vand.u32 $0x7F, v3;
	v4 =	vand.u32 $0x7F80, v4  }
0x58: {  	v2 =	vld.idx.msk [tilespmem:v2+s3+$0x0], $0xffff;
	v3 =	vor.u32 v3, v4;
	_ =	sdelay $0x4  }
0x59: {  	[tilespmem:v3+s18+$0x0] =	vst.idx.add.f32.msk $0xffff, v2  }
0x5a: {  	v2 =	vld [tilespmem:s28+$0xC3D0]  }
0x5b: {  	v3 =	vld [tilespmem:s28+$0xC2D0];
	_ =	sdelay $0x4  }
0x5c: {  	v60 =	vadd.s32 v0, v3  }
0x5d: {  	v4 =	vmin.u32 v60, $0x6200  }
0x5e: {  	v3 =	vand.u32 $0x7F, v3;
	v4 =	vand.u32 $0x7F80, v4  }
0x5f: {  	v2 =	vld.idx.msk [tilespmem:v2+s3+$0x0], $0xffff;
	v3 =	vor.u32 v3, v4;
	_ =	sdelay $0x4  }
0x60: {  	[tilespmem:v3+s18+$0x0] =	vst.idx.add.f32.msk $0xffff, v2  }
0x61: {  	v2 =	vld [tilespmem:s28+$0xC3E0]  }
0x62: {  	v3 =	vld [tilespmem:s28+$0xC2E0];
	_ =	sdelay $0x4  }
0x63: {  	v61 =	vadd.s32 v0, v3  }
0x64: {  	v4 =	vmin.u32 v61, $0x6200  }
0x65: {  	v3 =	vand.u32 $0x7F, v3;
	v4 =	vand.u32 $0x7F80, v4  }
0x66: {  	v2 =	vld.idx.msk [tilespmem:v2+s3+$0x0], $0xffff;
	v3 =	vor.u32 v3, v4;
	_ =	sdelay $0x4  }
0x67: {  	[tilespmem:v3+s18+$0x0] =	vst.idx.add.f32.msk $0xffff, v2  }
0x68: {  	v2 =	vld [tilespmem:s28+$0xC3F0]  }
0x69: {  	v3 =	vld [tilespmem:s28+$0xC2F0];
	_ =	sdelay $0x4  }
0x6a: {  	v62 =	vadd.s32 v0, v3  }
0x6b: {  	v4 =	vmin.u32 v62, $0x6200  }
0x6c: {  	v3 =	vand.u32 $0x7F, v3;
	v4 =	vand.u32 $0x7F80, v4  }
0x6d: {  	v2 =	vld.idx.msk [tilespmem:v2+s3+$0x0], $0xffff;
	v3 =	vor.u32 v3, v4;
	_ =	sdelay $0x4  }
0x6e: {  	[tilespmem:v3+s18+$0x0] =	vst.idx.add.f32.msk $0xffff, v2  }
0x6f: {  	v2 =	vld [tilespmem:s28+$0xC400]  }
0x70: {  	v3 =	vld [tilespmem:s28+$0xC300];
	_ =	sdelay $0x4  }
0x71: {  	v63 =	vadd.s32 v0, v3  }
0x72: {  	v4 =	vmin.u32 v63, $0x6200  }
0x73: {  	v3 =	vand.u32 $0x7F, v3;
	v4 =	vand.u32 $0x7F80, v4  }
0x74: {  	p1 =	sne.s32 s26, $0x1BFC0;
	v2 =	vld.idx.msk [tilespmem:v2+s3+$0x0], $0xffff;
	v3 =	vor.u32 v3, v4  }
.Ltmp3:
0x75: {  	_ = 	snop;
	(pc) =	sbr.rel @p1 .LBB2_5-.Ltmp3, $2  }
0x76: {  	_ =	sdelay $0x2  }
0x77: {  	s26 =	sadd.s32 $0x800, s26;
	[tilespmem:v3+s18+$0x0] =	vst.idx.add.f32.msk $0xffff, v2  }
0x78: {  	s25 =	sadd.s32 $0x1, s25  }
0x79: {  	p1 =	sne.s32 s25, $0x7  }
.Ltmp4:
0x7a: {  	_ = 	snop;
	(pc) =	sbr.rel @p1 .LBB2_4-.Ltmp4, $1  }
0x7b: {  	_ =	sdelay $0x3  }
0x7c: {  	[spmem:s2] =	stream.indirect.scatter.add.f32 [tilespmem:s18], [sflag:$0x1], $0x80, s16, s19, $0xb8;
	[tilespmem:$0x1AB78] =	vst v63  }
0x7d: {  	_ =	swait.ge [sflag:s15], $0x3100  }
0x7e: {  	[sflag:s15] =	ssyncset.done $0x0  }
0x7f: {  	[sflag:s15] =	ssyncadd.s32 $0xFFFFCF00  }
0x80: {  	[spmem:s2] =	stream.indirect.scatter.add.f32 [tilespmem:s21], [sflag:$0x1], $0x80, s20, s19, $0xb8;
	[tilespmem:$0x1AB78] =	vst v63  }
.Ltmp5:
0x81: {  	_ =	swait.ge [sflag:s15], $0x3100;
	(pc) =	sbr.rel @p0 .LBB2_11-.Ltmp5, $3  }
0x82: {  	[sflag:s15] =	ssyncset.done $0x0  }
0x83: {  	[sflag:s15] =	ssyncadd.s32 $0xFFFFCF00  }
0x84: {  	[bflag:$0x0] =	sbarrier.arrive $0xFFFF;
	_ =	sdelay $0x1  }
0x85: {  	[tilespmem:s22], [sflag:$0x1] =	stream.linear.gather [spmem:s9], $0x700, $0x38;
	[tilespmem:$0x1AB78] =	vst v63  }
0x86: {  	_ =	swait.ge [sflag:s15], $0x700  }
0x87: {  	[sflag:s15] =	ssyncset.done $0x0  }
0x88: {  	s25 =	simm.s32 $0x0;
	[sflag:s15] =	ssyncadd.s32 $0xFFFFF900  }
0x89: {  	[tilespmem:s23], [sflag:$0x1] =	stream.linear.gather [hbm4b:s10+s25], $0x700, $0x38;
	[tilespmem:$0x1AB78] =	vst v63  }
0x8a: {  	_ =	swait.ge [sflag:s15], $0x700  }
0x8b: {  	[sflag:s15] =	ssyncset.done $0x0  }
0x8c: {  	s26 =	simm.s32 $0x40;
	s25 =	simm.s32 $0x0;
	[sflag:s15] =	ssyncadd.s32 $0xFFFFF900  }
.LBB2_9:
0x8d: {  	p1 =	sne.s32 s26, $0x1BC0;
	v2 =	vld [tilespmem:s25+$0x19680];
	_ =	sdelay $0x3  }
0x8e: {  	v3 =	vld [tilespmem:s25+$0x19D80]  }
0x8f: {  	v2 =	vadd.f32 $-1.000000000e+00, v2;
	_ =	sdelay $0x1  }
.Ltmp6:
0x90: {  	v2 =	vmul.f32 v2, v2;
	(pc) =	sbr.rel @p1 .LBB2_9-.Ltmp6, $3  }
0x91: {  	_ = 	snop  }
0x92: {  	v2 =	vmul.f32 v2, v3;
	_ =	sdelay $0x1  }
0x93: {  	[tilespmem:s25+$0x19680] =	vst v2;
	s25 =	sshra.s32 s26, $0x2;
	s26 =	sadd.s32 $0x40, s26  }
.Ltmp7:
0x94: {  	_ = 	snop;
	(pc) =	sbr.rel .LBB2_10-.Ltmp7, $1  }
0x95: {  	_ =	sdelay $0x3  }
.LBB2_12:
0x96: {  	_ =	sfence.sel $0x180000  }
0x97: {  	[bflag:$0x0] =	sbarrier.arrive $0xFFFF  }
0x98: {  	p0 =	sne.s32 s1, $0x0;
	_ =	strace $0x9000004A  }
0x99: {  	s0 =	sadd.s32 @!p0 $0x100000, s0;
	[bflag:$0x2] =	sbarrier.arrive $0xFFFF  }
0x9a: {  	[sflag:s0] =	ssyncadd.tile.s32 @!p0 $0x1;
	_ =	shalt  }
.Lfunc_end2:
_tile_overlayer_lowered:
.L_overlay_start_2:
0x9b: {  	(tag) =	ssettag $0x2  }
0x9c: {  	s0 =	rddreg [dreg:$0x0];
	s2 =	stileid.u32  }
0x9d: {  	s1 =	rddreg [dreg:$0x1];
	p0 =	sne.s32 s2, $0x0  }
0x9e: {  	s3 =	rddreg [dreg:$0x2];
	[bflag:$0x3] =	sbarrier.arrive $0xFFFF;
	s2 =	simm.s32 @!p0 $0x1C01  }
0x9f: {  	[timem:s3], [sflag:s2] =	dma.local @!p0 [hbm:s0], s1  }
0xa0: {  	s0 =	simm.s32 @!p0 $0x1  }
0xa1: {  	_ =	swait.ge @!p0 [sflag:s0], s1  }
0xa2: {  	s1 =	ssub.s32 @!p0 $0x0, s1;
	[sflag:s0] =	ssyncset.done @!p0 $0x0  }
0xa3: {  	[sflag:s0] =	ssyncadd.s32 @!p0 s1  }
0xa4: {  	[bflag:$0x3] =	sbarrier.arrive $0xFFFF  }
0xa5: {  	_ =	shalt  }

// kernel: kernel.7.cloned.1.call-start
scs
__scs_entry_jumppad:
0x0: {  	(pc) =	sbr.rel $0x88, $3  }
0x1: {  	(tag) =	ssettag $0x0;
	lr =	simm.s32 $0x1  }
0x2: {  	[smem:$0x3F95] =	sst lr;
	_ =	strace $0xD0000000  }
0x3: {  	_ = 	snop  }
0x4: {  	_ = 	snop  }
0x5: {  	_ = 	snop  }
0x6: {  	_ = 	snop  }
0x7: {  	_ = 	snop  }
__scs_overlays_trampoline_lowered:
0x8: {  	[smem:$0x3FA4] =	sst s0  }
0x9: {  	[smem:$0x3FA5] =	sst s1  }
0xa: {  	[smem:$0x3FA6] =	sst s2  }
0xb: {  	[smem:$0x3FA7] =	sst s3  }
0xc: {  	[smem:$0x3FA8] =	sst s4  }
0xd: {  	[smem:$0x3FA9] =	sst s5  }
0xe: {  	[smem:$0x3FAA] =	sst s6  }
0xf: {  	[smem:$0x3FAB] =	sst s7  }
0x10: {  	[smem:$0x3FAC] =	sst s8  }
0x11: {  	[smem:$0x3FAD] =	sst s9;
	s0 =	simm.s32 @!p0 $0x0  }
0x12: {  	s1 =	sld [smem:$0x3F93];
	s0 =	simm.s32 @p0 $0x1  }
0x13: {  	[smem:$0x3FAE] =	sst s0;
	s0 =	simm.s32 @!p1 $0x0  }
0x14: {  	s2 =	sld [smem:$0x3F92];
	s0 =	simm.s32 @p1 $0x1  }
0x15: {  	[smem:$0x3FAF] =	sst s0;
	s0 =	simm.s32 @!p2 $0x0  }
0x16: {  	s3 =	sld [smem:$0x3FDB];
	s0 =	simm.s32 @p2 $0x1  }
0x17: {  	s4 =	simm.s32 $0x1BF5;
	[smem:$0x3FB1] =	sst s0  }
0x18: {  	s0 =	sld [smem:$0x3F94];
	_ =	swait.ge [sflag:s4], $0x0  }
0x19: {  	s7 =	sld [smem:$0x3F95]  }
0x1a: {  	s8 =	sadd.s32 $0xFFFFE003, lr  }
0x1b: {  	s9 =	sadd.s32 $0xFFFFFEF7, lr;
	s5 =	simm.s32 $0xFFFFFFFF;
	p2 =	slt.u32 s8, $0xFFFFF086  }
0x1c: {  	p1 =	slt.u32 s9, $0xF7A;
	s5 =	simm.s32 @!p2 $0x0  }
0x1d: {  	s5 =	simm.s32 @p1 $0x1;
	p0 =	seq.s32 s7, s2  }
0x1e: {  	s7 =	smul.u32 @!p0 $0xF7A, s2;
	p2 =	seq.s32 @!p0 s5, $0x0  }
0x1f: {  	s9 =	smul.u32 $0xF7A, s1;
	s8 =	simm.s32 @!p0 $0x1BF5;
	p2 =	por !p2, p0  }
0x20: {  	[sflag:s8] =	ssyncset.s32 @!p0 $0xFFFFF086;
	s6 =	sadd.s32 @!p0 s3, s7;
	s7 =	simm.s32 @!p0 $0x108  }
0x21: {  	s3 =	sadd.s32 s3, s9;
	s6 =	sadd.s32 @!p0 $0x88, s6;
	s7 =	simm.s32 @p2 $0x1082  }
0x22: {  	[simem:s7], [sflag:s8] =	dma.local @!p0 [hbm:s6], $0xF7A  }
0x23: {  	s9 =	sor.u32 $0xD0000000, s2;
	s6 =	simm.s32 $0x108;
	_ =	swait.ge @!p0 [sflag:s8], $0x0  }
0x24: {  	s3 =	sadd.s32 $0x88, s3;
	s6 =	simm.s32 @!p1 $0x1082;
	[sflag:s4] =	ssyncset.s32 $0xFFFFF086  }
0x25: {  	[simem:s6], [sflag:s4] =	dma.local [hbm:s3], $0xF7A  }
0x26: {  	[smem:$0x3F95] =	sst s1;
	(tag) =	ssettag s2;
	_ =	strace s9  }
0x27: {  	s1 =	sld [smem:$0x3FA5]  }
0x28: {  	s2 =	sld [smem:$0x3FA6]  }
0x29: {  	s4 =	sld [smem:$0x3FA8]  }
0x2a: {  	p0 =	seq.s32 s5, $0x0;
	s5 =	sld [smem:$0x3FA9]  }
0x2b: {  	s6 =	sld [smem:$0x3FAA]  }
0x2c: {  	s7 =	sld [smem:$0x3FAB]  }
0x2d: {  	s3 =	simm.s32 $0x108;
	s8 =	sld [smem:$0x3FAC]  }
0x2e: {  	s3 =	simm.s32 @!p0 $0x1082;
	s9 =	sld [smem:$0x3FAD]  }
0x2f: {  	lr =	sadd.s32 s0, s3;
	s0 =	sld [smem:$0x3FA4]  }
0x30: {  	s3 =	sld [smem:$0x3FA7]  }
0x31: {  	[smem:$0x3FB0] =	sst s10  }
0x32: {  	s10 =	sld [smem:$0x3FAE];
	_ =	sdelay $0x3  }
0x33: {  	p0 =	seq.s32 s10, $0x1;
	s10 =	sld [smem:$0x3FB0];
	_ =	sdelay $0x3  }
0x34: {  	[smem:$0x3FB0] =	sst s10  }
0x35: {  	s10 =	sld [smem:$0x3FAF];
	_ =	sdelay $0x3  }
0x36: {  	p1 =	seq.s32 s10, $0x1;
	s10 =	sld [smem:$0x3FB0];
	_ =	sdelay $0x3  }
0x37: {  	[smem:$0x3FB0] =	sst s10  }
0x38: {  	s10 =	sld [smem:$0x3FB1]  }
0x39: {  	_ = 	snop;
	(pc) =	sbr.ind lr, $3  }
0x3a: {  	_ = 	snop  }
0x3b: {  	_ = 	snop  }
0x3c: {  	p2 =	seq.s32 s10, $0x1;
	s10 =	sld [smem:$0x3FB0]  }
0x3d: {  	_ =	shalt  }
0x3e: {  	_ =	shalt  }
0x3f: {  	_ =	shalt  }
0x40: {  	_ =	shalt  }
0x41: {  	_ =	shalt  }
0x42: {  	_ =	shalt  }
0x43: {  	_ =	shalt  }
0x44: {  	_ =	shalt  }
0x45: {  	_ =	shalt  }
0x46: {  	_ =	shalt  }
0x47: {  	_ =	shalt  }
0x48: {  	_ =	shalt  }
0x49: {  	_ =	shalt  }
0x4a: {  	_ =	shalt  }
0x4b: {  	_ =	shalt  }
0x4c: {  	_ =	shalt  }
0x4d: {  	_ =	shalt  }
0x4e: {  	_ =	shalt  }
0x4f: {  	_ =	shalt  }
0x50: {  	_ =	shalt  }
0x51: {  	_ =	shalt  }
0x52: {  	_ =	shalt  }
0x53: {  	_ =	shalt  }
0x54: {  	_ =	shalt  }
0x55: {  	_ =	shalt  }
0x56: {  	_ =	shalt  }
0x57: {  	_ =	shalt  }
0x58: {  	_ =	shalt  }
0x59: {  	_ =	shalt  }
0x5a: {  	_ =	shalt  }
0x5b: {  	_ =	shalt  }
0x5c: {  	_ =	shalt  }
0x5d: {  	_ =	shalt  }
0x5e: {  	_ =	shalt  }
0x5f: {  	_ =	shalt  }
0x60: {  	_ =	shalt  }
0x61: {  	_ =	shalt  }
0x62: {  	_ =	shalt  }
0x63: {  	_ =	shalt  }
0x64: {  	_ =	shalt  }
0x65: {  	_ =	shalt  }
0x66: {  	_ =	shalt  }
0x67: {  	_ =	shalt  }
0x68: {  	_ =	shalt  }
0x69: {  	_ =	shalt  }
0x6a: {  	_ =	shalt  }
0x6b: {  	_ =	shalt  }
0x6c: {  	_ =	shalt  }
0x6d: {  	_ =	shalt  }
0x6e: {  	_ =	shalt  }
0x6f: {  	_ =	shalt  }
0x70: {  	_ =	shalt  }
0x71: {  	_ =	shalt  }
0x72: {  	_ =	shalt  }
0x73: {  	_ =	shalt  }
0x74: {  	_ =	shalt  }
0x75: {  	_ =	shalt  }
0x76: {  	_ =	shalt  }
0x77: {  	_ =	shalt  }
0x78: {  	_ =	shalt  }
0x79: {  	_ =	shalt  }
0x7a: {  	_ =	shalt  }
0x7b: {  	_ =	shalt  }
0x7c: {  	_ =	shalt  }
0x7d: {  	_ =	shalt  }
0x7e: {  	_ =	shalt  }
0x7f: {  	_ =	shalt  }
0x80: {  	_ =	shalt  }
0x81: {  	_ =	shalt  }
0x82: {  	_ =	shalt  }
0x83: {  	_ =	shalt  }
0x84: {  	_ =	shalt  }
0x85: {  	_ =	shalt  }
0x86: {  	_ =	shalt  }
0x87: {  	_ =	shalt  }
.Lfunc_end0:
.L_simem_size_0:
called_computation_lowered:
.L_overlay_start_0:
0x88: {  	s2 =	sld [smem:$0x3FD9]  }
0x89: {  	s3 =	sld [smem:$0x3FFE];
	_ =	sdelay $0x1  }
0x8a: {  	s1 =	srdreg.scid  }
0x8b: {  	s0 =	sand.u32 $0x1, s1  }
0x8c: {  	s16 =	sshll.u32 s0, $0xA;
	s2 =	sadd.s32 s3, s2  }
0x8d: {  	s2 =	sadd.s32 s2, s16  }
0x8e: {  	[smem:$0x3FBC] =	sst s2  }
0x8f: {  	_ = 	snop  }
0x90: {  	(tm) =	ssettm $0x1  }
0x91: {  	s17 =	sld [smem:$0x3FFB];
	_ =	sdelay $0x3  }
0x92: {  	_ =	strace s17  }
0x93: {  	s2 =	sld [smem:$0x3FFC];
	_ =	sdelay $0x3  }
0x94: {  	_ =	strace s2  }
0x95: {  	s2 =	sld [smem:$0x3FFD];
	_ =	sdelay $0x3  }
0x96: {  	_ =	strace s2  }
0x97: {  	_ =	strace $0x8FFFFFFF  }
0x98: {  	s18 =	sld [smem:$0x3FDB];
	_ =	sdelay $0x1  }
0x99: {  	s19 =	simm.s32 $_scs_section_size  }
0x9a: {  	s4 =	simm.s32 $_size__tile_overlayer_lowered;
	s5 =	simm.s32 $_tile_overlayer_lowered  }
0x9b: {  	s22 =	simm.s32 $0x1BFF;
	s21 =	sshll.u32 s5, $0x1;
	s2 =	sadd.s32 s19, s18  }
0x9c: {  	s6 =	simm.s32 $0x0;
	s20 =	sshll.u32 s4, $0x1;
	s4 =	sadd.s32 s21, s2  }
0x9d: {  	[timem:s6], [sflag:s22] =	dma.local [hbm:s4], s20  }
0x9e: {  	_ =	swait.ge [sflag:s22], s20  }
0x9f: {  	s3 =	ssub.s32 $0x0, s20;
	[sflag:s22] =	ssyncset.done $0x0  }
0xa0: {  	[sflag:s22] =	ssyncadd.s32 s3;
	_ =	sdelay $0x1  }
0xa1: {  	s23 =	simm.s32 $0x1B8B  }
0xa2: {  	_ =	swait.ge [sflag:s23], $0x1  }
0xa3: {  	[sflag:s23] =	ssyncset.done $0x0  }
0xa4: {  	s25 =	simm.s32 $0x1B8E;
	s24 =	sld [smem:$0x3FFE];
	[sflag:s23] =	ssyncadd.s32 $0xFFFFFFFF  }
0xa5: {  	s26 =	simm.s32 $execute0_lowered;
	[smem:$0x3FD2] =	sst s25  }
0xa6: {  	s4 =	sshll.u32 s26, $0x1;
	_ =	strace $0x80000046;
	[dreg:$0x1] =	wrdreg $0xFFFFFFFF  }
0xa7: {  	s28 =	simm.s32 $_size_execute0_lowered;
	s2 =	sadd.s32 s2, s4;
	[dreg:$0x0] =	wrdreg $0x0  }
0xa8: {  	s4 =	sshll.u32 s28, $0x1;
	[dreg:$0x2] =	wrdreg s2  }
0xa9: {  	[dreg:$0x3] =	wrdreg s4  }
0xaa: {  	[dreg:$0x4] =	wrdreg $0xC0  }
0xab: {  	_ =	task [dreg:s6], $0x5FFFF  }
0xac: {  	[dreg:$0x1] =	wrdreg $0xFFFFFFFF  }
0xad: {  	[dreg:$0x0] =	wrdreg $0x60  }
0xae: {  	[dreg:$0x2] =	wrdreg s24  }
0xaf: {  	[dreg:$0x3] =	wrdreg $0x72800  }
0xb0: {  	[dreg:$0x4] =	wrdreg $0x9  }
0xb1: {  	_ =	task.clear_ibuf [dreg:s6], $0x5FFFF;
	_ =	strace $0x90000046  }
0xb2: {  	s29 =	simm.s32 $0x9;
	_ =	strace $0x80000048  }
0xb3: {  	_ =	swait.ge [sflag:s29], $0x1  }
0xb4: {  	[sflag:s29] =	ssyncadd.s32 $0xFFFFFFFF  }
0xb5: {  	_ =	strace $0x90000048  }
0xb6: {  	_ =	sfence  }
0xb7: {  	s30 =	sld [smem:$0x0];
	_ =	sdelay $0x2  }
0xb8: {  	s31 =	sshll.u32 s1, $0xD;
	s1 =	sshrl.u32 s1, $0x2  }
0xb9: {  	s3 =	sand.u32 $0x4000, s31;
	s1 =	sadd.s32 s1, s30  }
0xba: {  	s0 =	sor.u32 s3, s0;
	s1 =	sshll.u32 s1, $0x11  }
0xbb: {  	s0 =	sor.u32 s1, s0  }
0xbc: {  	s0 =	sadd.s32 $0x8F2B, s0  }
0xbd: {  	[sflag:s0] =	ssyncadd.remote.s32 $0x1  }
0xbe: {  	_ =	sfence.sel $0xFFFF  }
0xbf: {  	[dreg:$0x0] =	wrdreg $0xFFFFFFFF;
	(pc) =	sbr.abs _section_cstart, $3  }
0xc0: {  	[dreg:$0x1] =	wrdreg $0xFFFFFFFF  }
0xc1: {  	_ =	task.clear_ibuf [dreg:s6], $0x2FFFF;
	_ =	strace $0x9FFFFFFF  }
0xc2: {  	(tm) =	ssettm $0x7FFFFFFF  }
0xc3: {  	_ =	shalt  }
tec
execute0_lowered:
.L_overlay_start_1:
0x0: {  	(tag) =	ssettag $0x1  }
0x1: {  	s0 =	rddreg [dreg:$0x0]  }
0x2: {  	s2 =	rddreg [dreg:$0x1]  }
0x3: {  	s11 =	stileid.u32;
	s1 =	srdreg.scid;
	s3 =	simm.s32 $0x0  }
0x4: {  	s15 =	simm.s32 $0xD;
	s16 =	simm.s32 $0x80;
	s17 =	simm.s32 $0x8  }
0x5: {  	s18 =	simm.s32 $0x9;
	s19 =	simm.s32 $0xA;
	s20 =	simm.s32 $0xB  }
0x6: {  	s21 =	simm.s32 $0xC;
	s22 =	simm.s32 $0x0;
	s7 =	smul.u32 $0x18800, s11  }
0x7: {  	s1 =	sand.u32 $0x1, s1;
	[smem:$0x7FF] =	sst s3;
	s4 =	sadd.s32 $0x64E00, s0  }
0x8: {  	s5 =	sadd.s32 $0x1ECE00, s0;
	s6 =	sadd.s32 $0x2E00, s0;
	s31 =	smul.u32 $0x6200, s11  }
0x9: {  	s30 =	sshll.u32 s11, $0x6;
	s8 =	smul.u32 $0x188000, s1;
	_ =	strace $0x80000047  }
0xa: {  	s10 =	ssub.s32 $0x2, s1;
	p0 =	seq.s32 s1, $0x1;
	s9 =	sshrl.u32 s7, $0x3  }
0xb: {  	s29 =	sshrl.u32 s10, $0x1;
	s8 =	sadd.s32 s7, s8;
	s9 =	sadd.s32 s9, s0  }
.Ltmp0:
0xc: {  	s13 =	ssub.s32 s10, s29;
	s7 =	sadd.s32 s7, s2;
	(pc) =	sbr.rel .LBB2_1-.Ltmp0, $4  }
0xd: {  	s10 =	smul.u32 $0x31000, s11;
	s11 =	smov.u32 s4;
	s8 =	sshrl.u32 s8, $0x3  }
0xe: {  	s9 =	sadd.s32 $0x374E00, s9;
	s13 =	smax.u32 s13, $0x1;
	s11 =	smov.u32 @p0 s5  }
0xf: {  	s14 =	sshrl.u32 s7, $0x3;
	s0 =	sadd.s32 s8, s0;
	[dreg:$0x3] =	wrdreg s9  }
0x10: {  	s8 =	sor.u32 $0x1C0D, s30;
	s9 =	sadd.s32 s6, s31;
	s12 =	sadd.s32 $0x3A5E00, s0  }
.LBB2_13:
0x11: {  	_ =	swait.ge [sflag:s17], $0x1000  }
0x12: {  	[sflag:s17] =	ssyncset.done $0x0  }
0x13: {  	[sflag:s17] =	ssyncadd.s32 $0xFFFFF000  }
0x14: {  	_ =	swait.ge [sflag:s18], $0x1000  }
0x15: {  	[sflag:s18] =	ssyncset.done $0x0  }
0x16: {  	[sflag:s18] =	ssyncadd.s32 $0xFFFFF000  }
0x17: {  	_ =	swait.ge [sflag:s19], $0x1000  }
0x18: {  	[sflag:s19] =	ssyncset.done $0x0  }
0x19: {  	[sflag:s19] =	ssyncadd.s32 $0xFFFFF000  }
0x1a: {  	_ =	swait.ge [sflag:s20], $0x1000  }
0x1b: {  	[sflag:s20] =	ssyncset.done $0x0  }
0x1c: {  	[sflag:s20] =	ssyncadd.s32 $0xFFFFF000  }
0x1d: {  	_ =	swait.ge [sflag:s21], $0x1000  }
0x1e: {  	s22 =	sadd.s32 $0x1, s22;
	[sflag:s21] =	ssyncset.done $0x0  }
0x1f: {  	p1 =	sne.s32 s22, s13;
	[sflag:s21] =	ssyncadd.s32 $0xFFFFF000  }
.Ltmp1:
0x20: {  	[bflag:$0x0] =	sbarrier.arrive $0xFFFF;
	(pc) =	sbr.rel @!p1 .LBB2_14-.Ltmp1, $4  }
0x21: {  	[hbm:s12], [sflag:s8] =	dma.local [spmem:s14], $0x3100  }
0x22: {  	_ =	swait.ge [sflag:s15], $0x3100  }
0x23: {  	[sflag:s15] =	ssyncset.done $0x0  }
0x24: {  	[sflag:s15] =	ssyncadd.s32 $0xFFFFCF00  }
.LBB2_1:
0x25: {  	s0 =	rddreg [dreg:$0x3]  }
0x26: {  	[spmem:s14], [sflag:s8] =	dma.local [hbm:s0], $0x3100  }
0x27: {  	_ =	swait.ge [sflag:s15], $0x3100  }
0x28: {  	[sflag:s15] =	ssyncset.done $0x0  }
0x29: {  	[sflag:s15] =	ssyncadd.s32 $0xFFFFCF00  }
0x2a: {  	[bflag:$0x0] =	sbarrier.arrive $0xFFFF  }
0x2b: {  	[tilespmem:s3], [sflag:$0xD] =	stream.linear.gather [hbm4b:s9+s3], $0x1000, $0x38;
	[tilespmem:$0x1FA80] =	vst v63  }
0x2c: {  	_ =	swait.ge [sflag:s15], $0x1000  }
0x2d: {  	s1 =	simm.s32 @p0 $0x0;
	[sflag:s15] =	ssyncset.done $0x0  }
0x2e: {  	s7 =	simm.s32 @p0 $0x2000;
	s0 =	simm.s32 @p0 $0x80;
	[sflag:s15] =	ssyncadd.s32 $0xFFFFF000  }
0x2f: {  	[tilespmem:s7], [sflag:$0x3] =	stream.indirect.gather @p0 [hbm4b:s5+s0], $0x20, s1, s0, $0xb8;
	[tilespmem:$0x1FA80] =	vst v63  }
0x30: {  	s23 =	simm.s32 $0x2000;
	s1 =	simm.s32 @p0 $0x200;
	s7 =	simm.s32 @p0 $0x3000  }
0x31: {  	[tilespmem:s7], [sflag:$0x4] =	stream.indirect.gather @p0 [hbm4b:s5+s0], $0x20, s1, s0, $0xb8;
	[tilespmem:$0x1FA80] =	vst v63  }
0x32: {  	s24 =	simm.s32 $0x7000;
	s1 =	simm.s32 @p0 $0x400;
	s7 =	simm.s32 @p0 $0x4000  }
0x33: {  	[tilespmem:s7], [sflag:$0x5] =	stream.indirect.gather @p0 [hbm4b:s5+s0], $0x20, s1, s0, $0xb8;
	[tilespmem:$0x1FA80] =	vst v63  }
0x34: {  	s0 =	simm.s32 @!p0 $0x80;
	s1 =	simm.s32 @!p0 $0x0;
	s7 =	simm.s32 @!p0 $0x2000  }
0x35: {  	[tilespmem:s7], [sflag:$0x3] =	stream.indirect.gather @!p0 [hbm4b:s4+s0], $0x20, s1, s0, $0xb8;
	[tilespmem:$0x1FA80] =	vst v63  }
0x36: {  	s25 =	simm.s32 $0x0;
	s1 =	simm.s32 @!p0 $0x200;
	s7 =	simm.s32 @!p0 $0x3000  }
0x37: {  	[tilespmem:s7], [sflag:$0x4] =	stream.indirect.gather @!p0 [hbm4b:s4+s0], $0x20, s1, s0, $0xb8;
	[tilespmem:$0x1FA80] =	vst v63  }
0x38: {  	s26 =	simm.s32 $0x0;
	s1 =	simm.s32 @!p0 $0x400;
	s7 =	simm.s32 @!p0 $0x4000  }
0x39: {  	[tilespmem:s7], [sflag:$0x5] =	stream.indirect.gather @!p0 [hbm4b:s4+s0], $0x20, s1, s0, $0xb8;
	[tilespmem:$0x1FA80] =	vst v63  }
.LBB2_2:
0x3a: {  	s0 =	sand.u32 $0x7, s26;
	p1 =	sgt.u32 s26, $0x17F  }
0x3b: {  	p2 =	sne.s32 @!p1 s0, $0x0  }
0x3c: {  	p2 =	por p1, p2  }
.Ltmp2:
0x3d: {  	_ = 	snop;
	(pc) =	sbr.rel @p2 .LBB2_4-.Ltmp2, $3  }
0x3e: {  	_ =	sdelay $0x1  }
0x3f: {  	s1 =	sshrl.u32 s26, $0x3  }
0x40: {  	s1 =	sadd.s32 $0x1, s1  }
0x41: {  	s0 =	sshll.u32 s1, $0xC  }
0x42: {  	s0 =	sadd.s32 s10, s0  }
0x43: {  	s31 =	sand.u32 $0x1, s1;
	s0 =	sshrl.u32 s0, $0x3  }
0x44: {  	s7 =	sshll.u32 s31, $0xC;
	s1 =	sadd.s32 $0x1, s31;
	s0 =	sadd.s32 s6, s0  }
0x45: {  	[tilespmem:s7], [sflag:s1] =	stream.linear.gather [hbm4b:s0+s3], $0x1000, $0x38;
	[tilespmem:$0x1FA80] =	vst v63  }
.LBB2_7:
0x46: {  	s0 =	sadd.s32 $0x3, s26  }
0x47: {  	s1 =	smul.u32 $0xCCCD, s0;
	_ =	sdelay $0x1  }
0x48: {  	s1 =	sshrl.u32 s1, $0x12  }
0x49: {  	p1 =	slt.u32 s26, $0x2;
	s1 =	smul.u32 $0x5, s1  }
.Ltmp3:
0x4a: {  	_ = 	snop;
	(pc) =	sbr.rel @p1 .LBB2_9-.Ltmp3, $4  }
.Ltmp4:
0x4b: {  	_ = 	snop;
	(pc) =	sbr.rel @!p1 .LBB2_8-.Ltmp4, $4  }
0x4c: {  	_ = 	snop  }
0x4d: {  	s1 =	ssub.s32 s0, s1  }
0x4e: {  	s1 =	sand.u32 $0xFFFF, s1  }
0x4f: {  	_ = 	snop  }
.LBB2_4:
0x50: {  	p2 =	sne.s32 @!p1 s0, $0x3  }
0x51: {  	p1 =	por p1, p2  }
.Ltmp5:
0x52: {  	_ = 	snop;
	(pc) =	sbr.rel @p1 .LBB2_6-.Ltmp5, $1  }
0x53: {  	_ =	sdelay $0x3  }
0x54: {  	s0 =	sadd.s32 $0x3, s26  }
0x55: {  	s7 =	smul.u32 $0xCCCD, s0;
	_ =	sdelay $0x1  }
0x56: {  	s1 =	sand.u32 $0x1, s1;
	s7 =	sshrl.u32 s7, $0x12  }
0x57: {  	s1 =	sadd.s32 $0x1, s1;
	s7 =	smul.u32 $0x5, s7  }
0x58: {  	_ =	swait.ge [sflag:s1], $0x1000  }
0x59: {  	[sflag:s1] =	ssyncset.done $0x0;
	s7 =	ssub.s32 s0, s7  }
0x5a: {  	[sflag:s1] =	ssyncadd.s32 $0xFFFFF000;
	s1 =	sand.u32 $0xFFFF, s7  }
.LBB2_8:
0x5b: {  	s7 =	sadd.s32 $0x8, s1  }
0x5c: {  	_ =	swait.ge [sflag:s7], $0x1000  }
0x5d: {  	[sflag:s7] =	ssyncset.done $0x0  }
0x5e: {  	[sflag:s7] =	ssyncadd.s32 $0xFFFFF000  }
.LBB2_9:
0x5f: {  	s7 =	sshll.u32 s1, $0xC;
	s0 =	sshll.u32 s0, $0x9  }
0x60: {  	s31 =	sadd.s32 $0x3, s1;
	s7 =	sadd.s32 $0x2000, s7;
	s0 =	sand.u32 $0x1E00, s0  }
0x61: {  	[tilespmem:s7], [sflag:s31] =	stream.indirect.gather [hbm4b:s11+s16], $0x20, s0, s16, $0xb8;
	[tilespmem:$0x1FA80] =	vst v63  }
.LBB2_10:
0x62: {  	s0 =	smul.u32 $0xCCCD, s26;
	_ =	sdelay $0x1  }
0x63: {  	s1 =	smulhi.u32 $0xCCCCCCCD, s26;
	s0 =	sshrl.u32 s0, $0x12  }
0x64: {  	s7 =	sshll.u32 s26, $0xB;
	s28 =	sand.u32 $0x7, s25;
	s0 =	smul.u32 $0x5, s0  }
0x65: {  	s7 =	sand.u32 $0x4000, s7;
	s28 =	sshll.u32 s28, $0xB;
	s1 =	sshrl.u32 s1, $0x2  }
0x66: {  	s7 =	sor.u32 s28, s7;
	s30 =	smul.u32 $0xFFFEC000, s1;
	s0 =	ssub.s32 s26, s0  }
0x67: {  	s7 =	sshrl.u32 s7, $0x2;
	s1 =	smul.u32 $0xFFFFF600, s1;
	s28 =	sand.u32 $0xFFFF, s0  }
0x68: {  	s29 =	sor.u32 $0x100, s7;
	s0 =	sadd.s32 $0x3, s28  }
0x69: {  	s7 =	sshra.s32 s30, $0x2;
	s1 =	sshra.s32 s1, $0x2;
	_ =	swait.ge [sflag:s0], $0x1000  }
0x6a: {  	s7 =	sadd.s32 s7, s23;
	s30 =	sadd.s32 s1, s24;
	[sflag:s0] =	ssyncset.done $0x0  }
0x6b: {  	s1 =	sshll.u32 s28, $0xC;
	[sflag:s0] =	ssyncadd.s32 $0xFFFFF000;
	s0 =	sshll.u32 s28, $0x7  }
0x6c: {  	v0 =	vmov s7;
	s31 =	sadd.s32 $0x7000, s0;
	s0 =	sadd.s32 $0x2000, s1;
	s1 =	simm.s32 $0x0  }
.LBB2_11:
0x6d: {  	v1 =	vld [tilespmem:s29+$0xFFFFFF80];
	_ =	sdelay $0x3  }
0x6e: {  	v2 =	vld [tilespmem:s29+$0x0]  }
0x6f: {  	s7 =	sshra.s32 s1, $0x2;
	[tilespmem:s30+$0x0] =	vst v1  }
0x70: {  	v1 =	vld.idx.msk [tilespmem:v0+s7+$0x0 ss:$0x1], $0xffff;
	_ =	sdelay $0x2  }
0x71: {  	v3 =	vbroadcast v2, $0x0;
	_ =	sdelay $0x1  }
0x72: {  	v1 =	vmul.f32 v1, v3;
	_ =	sdelay $0x1  }
0x73: {  	[tilespmem:v0+s7+$0x0 ss:$0x1] =	vst.idx.msk $0xffff, v1  }
0x74: {  	v1 =	vld.idx.msk [tilespmem:v0+s7+$0x10 ss:$0x1], $0xffff;
	_ =	sdelay $0x4  }
0x75: {  	v1 =	vmul.f32 v1, v3;
	_ =	sdelay $0x1  }
0x76: {  	[tilespmem:v0+s7+$0x10 ss:$0x1] =	vst.idx.msk $0xffff, v1  }
0x77: {  	v1 =	vld.idx.msk [tilespmem:v0+s7+$0x20 ss:$0x1], $0xffff;
	_ =	sdelay $0x2  }
0x78: {  	v3 =	vbroadcast v2, $0x1;
	_ =	sdelay $0x1  }
0x79: {  	v1 =	vmul.f32 v1, v3;
	_ =	sdelay $0x1  }
0x7a: {  	[tilespmem:v0+s7+$0x20 ss:$0x1] =	vst.idx.msk $0xffff, v1  }
0x7b: {  	v1 =	vld.idx.msk [tilespmem:v0+s7+$0x30 ss:$0x1], $0xffff;
	_ =	sdelay $0x4  }
0x7c: {  	v1 =	vmul.f32 v1, v3;
	_ =	sdelay $0x1  }
0x7d: {  	[tilespmem:v0+s7+$0x30 ss:$0x1] =	vst.idx.msk $0xffff, v1  }
0x7e: {  	v1 =	vld.idx.msk [tilespmem:v0+s7+$0x40 ss:$0x1], $0xffff;
	_ =	sdelay $0x2  }
0x7f: {  	v3 =	vbroadcast v2, $0x2;
	_ =	sdelay $0x1  }
0x80: {  	v1 =	vmul.f32 v1, v3;
	_ =	sdelay $0x1  }
0x81: {  	[tilespmem:v0+s7+$0x40 ss:$0x1] =	vst.idx.msk $0xffff, v1  }
0x82: {  	v1 =	vld.idx.msk [tilespmem:v0+s7+$0x50 ss:$0x1], $0xffff;
	_ =	sdelay $0x4  }
0x83: {  	v1 =	vmul.f32 v1, v3;
	_ =	sdelay $0x1  }
0x84: {  	[tilespmem:v0+s7+$0x50 ss:$0x1] =	vst.idx.msk $0xffff, v1  }
0x85: {  	v1 =	vld.idx.msk [tilespmem:v0+s7+$0x60 ss:$0x1], $0xffff;
	_ =	sdelay $0x2  }
0x86: {  	v3 =	vbroadcast v2, $0x3;
	_ =	sdelay $0x1  }
0x87: {  	v1 =	vmul.f32 v1, v3;
	_ =	sdelay $0x1  }
0x88: {  	[tilespmem:v0+s7+$0x60 ss:$0x1] =	vst.idx.msk $0xffff, v1  }
0x89: {  	v1 =	vld.idx.msk [tilespmem:v0+s7+$0x70 ss:$0x1], $0xffff;
	_ =	sdelay $0x4  }
0x8a: {  	v1 =	vmul.f32 v1, v3;
	_ =	sdelay $0x1  }
0x8b: {  	[tilespmem:v0+s7+$0x70 ss:$0x1] =	vst.idx.msk $0xffff, v1  }
0x8c: {  	v1 =	vld.idx.msk [tilespmem:v0+s7+$0x80 ss:$0x1], $0xffff;
	_ =	sdelay $0x2  }
0x8d: {  	v3 =	vbroadcast v2, $0x4;
	_ =	sdelay $0x1  }
0x8e: {  	v1 =	vmul.f32 v1, v3;
	_ =	sdelay $0x1  }
0x8f: {  	[tilespmem:v0+s7+$0x80 ss:$0x1] =	vst.idx.msk $0xffff, v1  }
0x90: {  	v1 =	vld.idx.msk [tilespmem:v0+s7+$0x90 ss:$0x1], $0xffff;
	_ =	sdelay $0x4  }
0x91: {  	v1 =	vmul.f32 v1, v3;
	_ =	sdelay $0x1  }
0x92: {  	[tilespmem:v0+s7+$0x90 ss:$0x1] =	vst.idx.msk $0xffff, v1  }
0x93: {  	v1 =	vld.idx.msk [tilespmem:v0+s7+$0xA0 ss:$0x1], $0xffff;
	_ =	sdelay $0x2  }
0x94: {  	v3 =	vbroadcast v2, $0x5;
	_ =	sdelay $0x1  }
0x95: {  	v1 =	vmul.f32 v1, v3;
	_ =	sdelay $0x1  }
0x96: {  	[tilespmem:v0+s7+$0xA0 ss:$0x1] =	vst.idx.msk $0xffff, v1  }
0x97: {  	v1 =	vld.idx.msk [tilespmem:v0+s7+$0xB0 ss:$0x1], $0xffff;
	_ =	sdelay $0x4  }
0x98: {  	v1 =	vmul.f32 v1, v3;
	_ =	sdelay $0x1  }
0x99: {  	[tilespmem:v0+s7+$0xB0 ss:$0x1] =	vst.idx.msk $0xffff, v1  }
0x9a: {  	v1 =	vld.idx.msk [tilespmem:v0+s7+$0xC0 ss:$0x1], $0xffff;
	_ =	sdelay $0x2  }
0x9b: {  	v3 =	vbroadcast v2, $0x6;
	_ =	sdelay $0x1  }
0x9c: {  	v1 =	vmul.f32 v1, v3;
	_ =	sdelay $0x1  }
0x9d: {  	[tilespmem:v0+s7+$0xC0 ss:$0x1] =	vst.idx.msk $0xffff, v1  }
0x9e: {  	v1 =	vld.idx.msk [tilespmem:v0+s7+$0xD0 ss:$0x1], $0xffff;
	_ =	sdelay $0x4  }
0x9f: {  	v1 =	vmul.f32 v1, v3;
	_ =	sdelay $0x1  }
0xa0: {  	[tilespmem:v0+s7+$0xD0 ss:$0x1] =	vst.idx.msk $0xffff, v1  }
0xa1: {  	v1 =	vld.idx.msk [tilespmem:v0+s7+$0xE0 ss:$0x1], $0xffff;
	_ =	sdelay $0x2  }
0xa2: {  	v3 =	vbroadcast v2, $0x7;
	_ =	sdelay $0x1  }
0xa3: {  	v1 =	vmul.f32 v1, v3;
	_ =	sdelay $0x1  }
0xa4: {  	[tilespmem:v0+s7+$0xE0 ss:$0x1] =	vst.idx.msk $0xffff, v1  }
0xa5: {  	v1 =	vld.idx.msk [tilespmem:v0+s7+$0xF0 ss:$0x1], $0xffff;
	_ =	sdelay $0x4  }
0xa6: {  	v1 =	vmul.f32 v1, v3;
	_ =	sdelay $0x1  }
0xa7: {  	[tilespmem:v0+s7+$0xF0 ss:$0x1] =	vst.idx.msk $0xffff, v1  }
0xa8: {  	v1 =	vld.idx.msk [tilespmem:v0+s7+$0x100 ss:$0x1], $0xffff;
	_ =	sdelay $0x2  }
0xa9: {  	v3 =	vbroadcast v2, $0x8;
	_ =	sdelay $0x1  }
0xaa: {  	v1 =	vmul.f32 v1, v3;
	_ =	sdelay $0x1  }
0xab: {  	[tilespmem:v0+s7+$0x100 ss:$0x1] =	vst.idx.msk $0xffff, v1  }
0xac: {  	v1 =	vld.idx.msk [tilespmem:v0+s7+$0x110 ss:$0x1], $0xffff;
	_ =	sdelay $0x4  }
0xad: {  	v1 =	vmul.f32 v1, v3;
	_ =	sdelay $0x1  }
0xae: {  	[tilespmem:v0+s7+$0x110 ss:$0x1] =	vst.idx.msk $0xffff, v1  }
0xaf: {  	v1 =	vld.idx.msk [tilespmem:v0+s7+$0x120 ss:$0x1], $0xffff;
	_ =	sdelay $0x2  }
0xb0: {  	v3 =	vbroadcast v2, $0x9;
	_ =	sdelay $0x1  }
0xb1: {  	v1 =	vmul.f32 v1, v3;
	_ =	sdelay $0x1  }
0xb2: {  	[tilespmem:v0+s7+$0x120 ss:$0x1] =	vst.idx.msk $0xffff, v1  }
0xb3: {  	v1 =	vld.idx.msk [tilespmem:v0+s7+$0x130 ss:$0x1], $0xffff;
	_ =	sdelay $0x4  }
0xb4: {  	v1 =	vmul.f32 v1, v3;
	_ =	sdelay $0x1  }
0xb5: {  	[tilespmem:v0+s7+$0x130 ss:$0x1] =	vst.idx.msk $0xffff, v1  }
0xb6: {  	v1 =	vld.idx.msk [tilespmem:v0+s7+$0x140 ss:$0x1], $0xffff;
	_ =	sdelay $0x2  }
0xb7: {  	v3 =	vbroadcast v2, $0xA;
	_ =	sdelay $0x1  }
0xb8: {  	v1 =	vmul.f32 v1, v3;
	_ =	sdelay $0x1  }
0xb9: {  	[tilespmem:v0+s7+$0x140 ss:$0x1] =	vst.idx.msk $0xffff, v1  }
0xba: {  	v1 =	vld.idx.msk [tilespmem:v0+s7+$0x150 ss:$0x1], $0xffff;
	_ =	sdelay $0x4  }
0xbb: {  	v1 =	vmul.f32 v1, v3;
	_ =	sdelay $0x1  }
0xbc: {  	[tilespmem:v0+s7+$0x150 ss:$0x1] =	vst.idx.msk $0xffff, v1  }
0xbd: {  	v1 =	vld.idx.msk [tilespmem:v0+s7+$0x160 ss:$0x1], $0xffff;
	_ =	sdelay $0x2  }
0xbe: {  	v3 =	vbroadcast v2, $0xB;
	_ =	sdelay $0x1  }
0xbf: {  	v1 =	vmul.f32 v1, v3;
	_ =	sdelay $0x1  }
0xc0: {  	[tilespmem:v0+s7+$0x160 ss:$0x1] =	vst.idx.msk $0xffff, v1  }
0xc1: {  	v1 =	vld.idx.msk [tilespmem:v0+s7+$0x170 ss:$0x1], $0xffff;
	_ =	sdelay $0x4  }
0xc2: {  	v1 =	vmul.f32 v1, v3;
	_ =	sdelay $0x1  }
0xc3: {  	[tilespmem:v0+s7+$0x170 ss:$0x1] =	vst.idx.msk $0xffff, v1  }
0xc4: {  	v1 =	vld.idx.msk [tilespmem:v0+s7+$0x180 ss:$0x1], $0xffff;
	_ =	sdelay $0x2  }
0xc5: {  	v3 =	vbroadcast v2, $0xC;
	_ =	sdelay $0x1  }
0xc6: {  	v1 =	vmul.f32 v1, v3;
	_ =	sdelay $0x1  }
0xc7: {  	[tilespmem:v0+s7+$0x180 ss:$0x1] =	vst.idx.msk $0xffff, v1  }
0xc8: {  	v1 =	vld.idx.msk [tilespmem:v0+s7+$0x190 ss:$0x1], $0xffff;
	_ =	sdelay $0x4  }
0xc9: {  	v1 =	vmul.f32 v1, v3;
	_ =	sdelay $0x1  }
0xca: {  	[tilespmem:v0+s7+$0x190 ss:$0x1] =	vst.idx.msk $0xffff, v1  }
0xcb: {  	v1 =	vld.idx.msk [tilespmem:v0+s7+$0x1A0 ss:$0x1], $0xffff;
	_ =	sdelay $0x2  }
0xcc: {  	v3 =	vbroadcast v2, $0xD;
	_ =	sdelay $0x1  }
0xcd: {  	v1 =	vmul.f32 v1, v3;
	_ =	sdelay $0x1  }
0xce: {  	[tilespmem:v0+s7+$0x1A0 ss:$0x1] =	vst.idx.msk $0xffff, v1  }
0xcf: {  	v1 =	vld.idx.msk [tilespmem:v0+s7+$0x1B0 ss:$0x1], $0xffff;
	_ =	sdelay $0x4  }
0xd0: {  	v1 =	vmul.f32 v1, v3;
	_ =	sdelay $0x1  }
0xd1: {  	[tilespmem:v0+s7+$0x1B0 ss:$0x1] =	vst.idx.msk $0xffff, v1  }
0xd2: {  	v1 =	vld.idx.msk [tilespmem:v0+s7+$0x1C0 ss:$0x1], $0xffff;
	_ =	sdelay $0x2  }
0xd3: {  	v3 =	vbroadcast v2, $0xE;
	_ =	sdelay $0x1  }
0xd4: {  	v1 =	vmul.f32 v1, v3;
	_ =	sdelay $0x1  }
0xd5: {  	[tilespmem:v0+s7+$0x1C0 ss:$0x1] =	vst.idx.msk $0xffff, v1  }
0xd6: {  	v1 =	vld.idx.msk [tilespmem:v0+s7+$0x1D0 ss:$0x1], $0xffff;
	_ =	sdelay $0x4  }
0xd7: {  	v1 =	vmul.f32 v1, v3;
	_ =	sdelay $0x1  }
0xd8: {  	[tilespmem:v0+s7+$0x1D0 ss:$0x1] =	vst.idx.msk $0xffff, v1  }
0xd9: {  	v1 =	vld.idx.msk [tilespmem:v0+s7+$0x1E0 ss:$0x1], $0xffff;
	_ =	sdelay $0x2  }
0xda: {  	v2 =	vbroadcast v2, $0xF;
	_ =	sdelay $0x1  }
0xdb: {  	v1 =	vmul.f32 v1, v2;
	_ =	sdelay $0x1  }
0xdc: {  	[tilespmem:v0+s7+$0x1E0 ss:$0x1] =	vst.idx.msk $0xffff, v1  }
0xdd: {  	v1 =	vld.idx.msk [tilespmem:v0+s7+$0x1F0 ss:$0x1], $0xffff;
	_ =	sdelay $0x1  }
0xde: {  	p1 =	sne.s32 s1, $0x3800  }
.Ltmp6:
0xdf: {  	_ = 	snop;
	(pc) =	sbr.rel @p1 .LBB2_11-.Ltmp6, $3  }
0xe0: {  	_ = 	snop  }
0xe1: {  	v1 =	vmul.f32 v1, v2;
	_ =	sdelay $0x1  }
0xe2: {  	s29 =	sadd.s32 $0x10, s29;
	s1 =	sadd.s32 $0x800, s1;
	s30 =	sadd.s32 $0x10, s30;
	[tilespmem:v0+s7+$0x1F0 ss:$0x1] =	vst.idx.msk $0xffff, v1  }
0xe3: {  	s26 =	sadd.s32 $0x1, s26  }
0xe4: {  	p1 =	sne.s32 s26, $0x188  }
.Ltmp7:
0xe5: {  	_ = 	snop;
	(pc) =	sbr.rel @p1 .LBB2_2-.Ltmp7, $4  }
.Ltmp8:
0xe6: {  	_ = 	snop;
	(pc) =	sbr.rel @!p1 .LBB2_13-.Ltmp8, $4  }
0xe7: {  	s1 =	sadd.s32 $0x8, s28  }
0xe8: {  	s25 =	sadd.s32 $0x1, s25;
	s23 =	sadd.s32 $0x1000, s23;
	s24 =	sadd.s32 $0x80, s24  }
0xe9: {  	[spmem:s2] =	stream.indirect.scatter.add.f32 [tilespmem:s0], [sflag:s1], $0x20, s31, s16, $0xb8;
	[tilespmem:$0x1FA80] =	vst v63  }
0xea: {  	_ = 	snop  }
.LBB2_6:
0xeb: {  	p1 =	sgt.u32 s26, $0x184  }
.Ltmp9:
0xec: {  	_ = 	snop;
	(pc) =	sbr.rel @p1 .LBB2_10-.Ltmp9, $4  }
.Ltmp10:
0xed: {  	_ = 	snop;
	(pc) =	sbr.rel @!p1 .LBB2_7-.Ltmp10, $4  }
0xee: {  	_ = 	snop  }
0xef: {  	_ = 	snop  }
0xf0: {  	_ = 	snop  }
0xf1: {  	_ = 	snop  }
.LBB2_14:
0xf2: {  	_ =	sfence.sel $0x180000  }
0xf3: {  	[bflag:$0x0] =	sbarrier.arrive $0xFFFF  }
0xf4: {  	_ =	strace $0x90000047  }
0xf5: {  	s0 =	stileid.u32;
	[bflag:$0x2] =	sbarrier.arrive $0xFFFF  }
0xf6: {  	p0 =	sne.s32 s0, $0x0;
	s0 =	rddreg [dreg:$0x2]  }
0xf7: {  	s0 =	sadd.s32 @!p0 $0x100000, s0  }
0xf8: {  	[sflag:s0] =	ssyncadd.tile.s32 @!p0 $0x1;
	_ =	shalt  }
.Lfunc_end2:
_tile_overlayer_lowered:
.L_overlay_start_2:
0xf9: {  	(tag) =	ssettag $0x2  }
0xfa: {  	s0 =	rddreg [dreg:$0x0];
	s2 =	stileid.u32  }
0xfb: {  	s1 =	rddreg [dreg:$0x1];
	p0 =	sne.s32 s2, $0x0  }
0xfc: {  	s3 =	rddreg [dreg:$0x2];
	[bflag:$0x3] =	sbarrier.arrive $0xFFFF;
	s2 =	simm.s32 @!p0 $0x1C0D  }
0xfd: {  	[timem:s3], [sflag:s2] =	dma.local @!p0 [hbm:s0], s1  }
0xfe: {  	s0 =	simm.s32 @!p0 $0xD  }
0xff: {  	_ =	swait.ge @!p0 [sflag:s0], s1  }
0x100: {  	s1 =	ssub.s32 @!p0 $0x0, s1;
	[sflag:s0] =	ssyncset.done @!p0 $0x0  }
0x101: {  	[sflag:s0] =	ssyncadd.s32 @!p0 s1  }
0x102: {  	[bflag:$0x3] =	sbarrier.arrive $0xFFFF  }
0x103: {  	_ =	shalt  }

</sc_bundles>
